<compile_context>
chip_gen: v7x
topology: tpu7x:2x2x1
jax: 0.10.2.dev20260603
libtpu: 0.0.44.dev20260713+nightly
codegen_flags: <defaults>
</compile_context>

<pallas_src>
import dataclasses
import functools

import numpy as np

import jax
import jax.numpy as jnp
from jax import lax
from jax.experimental import pallas as pl
from jax.experimental.pallas import tpu as pltpu
from jax.experimental.pallas import tpu_sc as plsc

N = 10000
E = 320000
FEAT = 128
H = 128
C = 40

_F32 = jnp.float32
_BF16 = jnp.bfloat16
_sds = jax.ShapeDtypeStruct

_ILV = np.arange(H).reshape(H // 32, 2, 16).transpose(0, 2, 1).reshape(-1)


_ROWS = 2000
_NB = N // _ROWS


def _dotT(a, b):
    return lax.dot_general(a, b, (((1,), (1,)), ((), ())),
                           preferred_element_type=_F32,
                           precision=lax.Precision.HIGHEST)


def _tc0_body(x_ref, win_ref, bin_ref, w1_ref, w2_ref, wf_ref,
              h34_ref, h1_ref):
    q = _dotT(x_ref[...], win_ref[...]) + bin_ref[...]
    h34_ref[:, :H] = _dotT(q, w1_ref[...]).astype(_BF16)
    h34_ref[:, H:] = _dotT(q, w2_ref[...]).astype(_BF16)
    h1_ref[...] = jnp.maximum(_dotT(q, wf_ref[...]), 0.0)


def _norm_rows(xo):
    nrm = jnp.maximum(jnp.sqrt(jnp.sum(xo * xo, axis=1, keepdims=True)), 1e-12)
    return xo / nrm


def _tc1_body(h1_ref, p0_ref, p1_ref, w1_ref, w2_ref, wf_ref,
              h34_ref, h1o_ref):
    q = _norm_rows(h1_ref[...] + p0_ref[...] + p1_ref[...])
    h34_ref[:, :H] = _dotT(q, w1_ref[...]).astype(_BF16)
    h34_ref[:, H:] = _dotT(q, w2_ref[...]).astype(_BF16)
    h1o_ref[...] = jnp.maximum(_dotT(q, wf_ref[...]), 0.0)


def _tc2_body(h1_ref, p0_ref, p1_ref, wout_ref, bout_ref, o_ref):
    q = _norm_rows(h1_ref[...] + p0_ref[...] + p1_ref[...])
    logits = _dotT(q, wout_ref[...]) + bout_ref[...]
    m = jnp.max(logits, axis=1, keepdims=True)
    z = logits - m
    lse = jnp.log(jnp.sum(jnp.exp(z), axis=1, keepdims=True))
    o_ref[...] = z - lse


_row_spec = pl.BlockSpec((_ROWS, H), lambda i: (i, 0))
_row2_spec = pl.BlockSpec((_ROWS, 2 * H), lambda i: (i, 0))
_full_spec = pl.BlockSpec((H, H), lambda i: (0, 0))
_bias_spec = pl.BlockSpec((1, H), lambda i: (0, 0))

_mm_out_specs = [_row2_spec, _row_spec]
_mm_out_shape = [_sds((N, 2 * H), _BF16), _sds((N, H), _F32)]

_tc0 = pl.pallas_call(
    _tc0_body,
    grid=(_NB,),
    in_specs=[pl.BlockSpec((_ROWS, FEAT), lambda i: (i, 0)),
              pl.BlockSpec((H, FEAT), lambda i: (0, 0)),
              _bias_spec, _full_spec, _full_spec, _full_spec],
    out_specs=_mm_out_specs,
    out_shape=_mm_out_shape,
)

_tc1 = pl.pallas_call(
    _tc1_body,
    grid=(_NB,),
    in_specs=[_row_spec, _row_spec, _row_spec,
              _full_spec, _full_spec, _full_spec],
    out_specs=_mm_out_specs,
    out_shape=_mm_out_shape,
)

_tc2 = pl.pallas_call(
    _tc2_body,
    grid=(_NB,),
    in_specs=[_row_spec, _row_spec, _row_spec,
              pl.BlockSpec((C, H), lambda i: (0, 0)),
              pl.BlockSpec((1, C), lambda i: (0, 0))],
    out_specs=pl.BlockSpec((_ROWS, C), lambda i: (i, 0)),
    out_shape=_sds((N, C), _F32),
)


_NC = 2
_NS = 16
_NW = _NC * _NS
_EPW = E // _NW
_BC = 40
_NCH = _EPW // _BC
_DR = 624
_TAIL = N - _NS * _DR
_ZR = 16
_LC = H // 16
_NBK = H // 32

_mesh = plsc.VectorSubcoreMesh(core_axis_name="c", subcore_axis_name="s")

_sc_cp = pltpu.CompilerParams()
if "needs_layout_passes" in pltpu.CompilerParams.__dataclass_fields__:
    _sc_cp = dataclasses.replace(_sc_cp, needs_layout_passes=False)


def _unpk(v):
    w = plsc.bitcast(v, _BF16)
    return plsc.unpack(w, format=plsc.PackFormat.INTERLEAVED,
                       preferred_element_type=_F32)


@functools.partial(
    pl.kernel,
    mesh=_mesh,
    compiler_params=_sc_cp,
    out_type=_sds((_NC * N, H), _F32),
    scratch_types=[
        pltpu.VMEM((_BC,), jnp.int32),
        pltpu.VMEM((_BC,), jnp.int32),
        pltpu.VMEM((_BC,), jnp.int32),
        pltpu.VMEM((_BC,), jnp.int32),
        pltpu.VMEM((_BC, H), jnp.int32),
        pltpu.VMEM((_BC, H), jnp.int32),
        pltpu.VMEM((_BC, H), jnp.int32),
        pltpu.VMEM((_BC, H), jnp.int32),
        pltpu.VMEM((_BC, H), _F32),
        pltpu.VMEM((_BC, H), _F32),
        pltpu.VMEM((_BC,), jnp.int32),
        pltpu.VMEM((_BC,), jnp.int32),
        pltpu.VMEM((_ZR, H), _F32),
        pltpu.VMEM_SHARED((N, H), _F32),
        pltpu.SemaphoreType.DMA,
        pltpu.SemaphoreType.DMA,
        pltpu.SemaphoreType.DMA,
        pltpu.SemaphoreType.DMA,
        pltpu.SemaphoreType.DMA,
    ],
)
def _sc_edge(h34_hbm, row_hbm, col_hbm, out_hbm,
             rowi0, coli0, rowi1, coli1, g3r0, g3r1, g4c0, g4c1,
             msg0, msg1, scol0, scol1,
             zbuf, acc, sem_i, sem_g0, sem_g1, sem_s0, sem_s1):
    ci = lax.axis_index("c")
    si = lax.axis_index("s")
    ebase = (ci * _NS + si) * _EPW

    rowis = (rowi0, rowi1)
    colis = (coli0, coli1)
    g3rs = (g3r0, g3r1)
    g4cs = (g4c0, g4c1)
    msgs = (msg0, msg1)
    scols = (scol0, scol1)
    sgs = (sem_g0, sem_g1)
    sss = (sem_s0, sem_s1)

    @pl.loop(0, _ZR)
    def _(i):
        for j in range(_LC):
            zbuf[i, pl.ds(j * 16, 16)] = jnp.zeros((16,), _F32)

    @pl.loop(0, _DR // _ZR)
    def _(t):
        off = pl.multiple_of(si * _DR + t * _ZR, 8)
        pltpu.sync_copy(zbuf, acc.at[pl.ds(off, _ZR)])

    @pl.when(si == _NS - 1)
    def _():
        pltpu.sync_copy(zbuf.at[pl.ds(0, _TAIL)],
                        acc.at[pl.ds(_NS * _DR, _TAIL)])

    plsc.subcore_barrier()

    def issue_idx(k, s, sync):
        off = pl.multiple_of(ebase + k * _BC, 8)
        if sync:
            pltpu.sync_copy(row_hbm.at[pl.ds(off, _BC)], rowis[s])
            pltpu.sync_copy(col_hbm.at[pl.ds(off, _BC)], colis[s])
        else:
            pltpu.async_copy(row_hbm.at[pl.ds(off, _BC)], rowis[s], sem_i)
            pltpu.async_copy(col_hbm.at[pl.ds(off, _BC)], colis[s], sem_i)

    def wait_idx(s):
        off = pl.multiple_of(ebase, 8)
        pltpu.make_async_copy(row_hbm.at[pl.ds(off, _BC)], rowis[s], sem_i).wait()
        pltpu.make_async_copy(col_hbm.at[pl.ds(off, _BC)], colis[s], sem_i).wait()

    def issue_gathers(s):
        pltpu.async_copy(h34_hbm.at[rowis[s]], g3rs[s], sgs[s])
        pltpu.async_copy(h34_hbm.at[colis[s]], g4cs[s], sgs[s])

    def wait_gathers(s):
        pltpu.make_async_copy(h34_hbm.at[rowis[s]], g3rs[s], sgs[s]).wait()
        pltpu.make_async_copy(h34_hbm.at[colis[s]], g4cs[s], sgs[s]).wait()

    def wait_scatter(s):
        pltpu.make_async_copy(msgs[s], acc.at[scols[s]], sss[s]).wait()

    def compute_scatter(s):
        g3 = g3rs[s]
        g4 = g4cs[s]
        msg = msgs[s]
        scol = scols[s]

        @plsc.parallel_loop(0, _BC, unroll=1)
        def _(e):
            a3s = []
            b3s = []
            dots = None
            for j in range(_NBK):
                a3, b3 = _unpk(g3[e, pl.ds(16 * j, 16)])
                a4c, b4c = _unpk(g4[e, pl.ds(64 + 16 * j, 16)])
                term = a3 * a4c + b3 * b4c
                dots = term if dots is None else dots + term
                a3s.append(a3)
                b3s.append(b3)
            dvec = jnp.full((16,), jnp.sum(dots), _F32)
            svec = 1.0 / (1.0 + jnp.exp(dvec))
            for j in range(_NBK):
                a4, b4 = _unpk(g3[e, pl.ds(64 + 16 * j, 16)])
                msg[e, pl.ds(32 * j, 16)] = svec * (a3s[j] + a4) - a4
                msg[e, pl.ds(32 * j + 16, 16)] = svec * (b3s[j] + b4) - b4

        scol[pl.ds(0, 16)] = colis[s][pl.ds(0, 16)]
        scol[pl.ds(16, 16)] = colis[s][pl.ds(16, 16)]
        lanes = lax.broadcasted_iota(jnp.int32, (16,), 0)
        tidx = lanes + 32
        tmask = lanes < _BC - 32
        tv = plsc.load_gather(colis[s], [tidx], mask=tmask)
        plsc.store_scatter(scol, [tidx], tv, mask=tmask)
        pltpu.async_copy(msg, acc.at[scol], sss[s], add=True)

    issue_idx(0, 0, sync=True)
    issue_gathers(0)
    issue_idx(1, 1, sync=False)

    @pl.loop(0, _NCH, step=2)
    def _(c):
        def half(k, s):
            @pl.when(k + 1 < _NCH)
            def _():
                wait_idx(1 - s)
                issue_gathers(1 - s)

            wait_gathers(s)
            compute_scatter(s)

            @pl.when(k + 2 < _NCH)
            def _():
                issue_idx(k + 2, s, sync=False)

        half(c, 0)
        half(c + 1, 1)

    plsc.subcore_barrier()

    doff = pl.multiple_of(si * _DR, 8)
    ooff = pl.multiple_of(ci * N + si * _DR, 8)
    pltpu.sync_copy(acc.at[pl.ds(doff, _DR)], out_hbm.at[pl.ds(ooff, _DR)])

    @pl.when(si == _NS - 1)
    def _():
        toff = pl.multiple_of(ci * N + _NS * _DR, 8)
        pltpu.sync_copy(acc.at[pl.ds(_NS * _DR, _TAIL)],
                        out_hbm.at[pl.ds(toff, _TAIL)])




def kernel(x, edge_index, adj, ADJ1, W_in, b_in, W1, W2, Wf, W_out, b_out):
    row = edge_index[0].astype(jnp.int32)
    col = edge_index[1].astype(jnp.int32)
    b_in2 = b_in.reshape(1, H)
    b_out2 = b_out.reshape(1, C)
    W1p = W1[:, _ILV, :]
    W2p = W2[:, _ILV, :]

    def pack_words(h34):
        return lax.bitcast_convert_type(h34.reshape(N, 2 * H // 2, 2),
                                        jnp.int32)

    h34, h1 = _tc0(x, W_in, b_in2, W1p[0], W2p[0], Wf[0])
    p = _sc_edge(pack_words(h34), row, col)
    h34, h1 = _tc1(h1, p[:N], p[N:], W1p[1], W2p[1], Wf[1])
    p = _sc_edge(pack_words(h34), row, col)
    return _tc2(h1, p[:N], p[N:], W_out, b_out2)

# --- scband reference (transcript-rebuilt; emitter-appended) ---
"""Pipeline reference for scband-cmpgnn-91207925498529 (READ-ONLY COPY).

The authoritative reference and input builder live on the scoring server;
editing this copy changes nothing except your own understanding.
"""

import jax, jax.numpy as jnp
import numpy as np

N = 10000
E = 320000
FEAT = 128
H = 128
C = 40
K = 2

def setup_inputs(seed=0):
    key = jax.random.key(seed)
    ks = jax.random.split(key, 10)
    x = jax.random.normal(ks[0], (N, FEAT), dtype=jnp.float32)
    edge_index = jax.random.randint(ks[1], (2, E), 0, N)
    adj = jnp.zeros((1,), dtype=jnp.float32)
    ADJ1 = jnp.zeros((1,), dtype=jnp.float32)
    W_in = 0.05 * jax.random.normal(ks[2], (H, FEAT), dtype=jnp.float32)
    b_in = jnp.zeros((H,), dtype=jnp.float32)
    W1 = 0.05 * jax.random.normal(ks[3], (K, H, H), dtype=jnp.float32)
    W2 = 0.05 * jax.random.normal(ks[4], (K, H, H), dtype=jnp.float32)
    Wf = 0.05 * jax.random.normal(ks[5], (K, H, H), dtype=jnp.float32)
    W_out = 0.05 * jax.random.normal(ks[6], (C, H), dtype=jnp.float32)
    b_out = jnp.zeros((C,), dtype=jnp.float32)
    return {"x": x, "edge_index": edge_index, "adj": adj, "ADJ1": ADJ1,
            "W_in": W_in, "b_in": b_in, "W1": W1, "W2": W2, "Wf": Wf,
            "W_out": W_out, "b_out": b_out}

def reference(x, edge_index, adj, ADJ1, W_in, b_in, W1, W2, Wf, W_out, b_out):
    # CMPGNN with args.step=0 (the only well-defined branch of StepConv),
    # dropout=0 (eval), Norm=1, activation='relu'.
    row = edge_index[0]
    col = edge_index[1]
    Q = x @ W_in.T + b_in
    for k in range(K):
        # StepConv forward
        h3 = Q @ W1[k].T
        h4 = Q @ W2[k].T
        h1 = jax.nn.relu(Q @ Wf[k].T)
        s = jax.nn.sigmoid(-jnp.sum(h3[row] * h4[col], axis=1))
        # propagate: message = norm * x_j (x_j = x[row]), scatter-add at col
        h = jax.ops.segment_sum(s[:, None] * h3[row], col, num_segments=N)
        h3n = h1 + h
        h4a = jax.ops.segment_sum((1.0 - s)[:, None] * h4[row], col, num_segments=N)
        xo = h3n - h4a  # step==0 -> C = xo
        # F.normalize(p=2, dim=1)
        nrm = jnp.maximum(jnp.linalg.norm(xo, axis=1, keepdims=True), 1e-12)
        Q = xo / nrm  # layerNorm == 1
    logits = Q @ W_out.T + b_out
    return jax.nn.log_softmax(logits, axis=1)

if __name__ == "__main__":
    import jax
    _d = setup_inputs()
    print(jax.jit(kernel)(*tuple(_d.values())))

</pallas_src>

<mosaic_0001>
#map = affine_map<(d0, d1) -> (0, 0)>
#map1 = affine_map<(d0, d1) -> (0)>
module attributes {stable_mosaic.version = 14 : i64} {
  func.func @_sc_edge(%arg0: i32, %arg1: i32, %arg2: memref<10000x128xi32, #tpu.memory_space<hbm>>, %arg3: memref<320000xi32, #tpu.memory_space<hbm>>, %arg4: memref<320000xi32, #tpu.memory_space<hbm>>, %arg5: memref<20000x128xf32, #tpu.memory_space<hbm>>, %arg6: memref<40xi32, #tpu.memory_space<vmem>>, %arg7: memref<40xi32, #tpu.memory_space<vmem>>, %arg8: memref<40xi32, #tpu.memory_space<vmem>>, %arg9: memref<40xi32, #tpu.memory_space<vmem>>, %arg10: memref<40x128xi32, #tpu.memory_space<vmem>>, %arg11: memref<40x128xi32, #tpu.memory_space<vmem>>, %arg12: memref<40x128xi32, #tpu.memory_space<vmem>>, %arg13: memref<40x128xi32, #tpu.memory_space<vmem>>, %arg14: memref<40x128xf32, #tpu.memory_space<vmem>>, %arg15: memref<40x128xf32, #tpu.memory_space<vmem>>, %arg16: memref<40xi32, #tpu.memory_space<vmem>>, %arg17: memref<40xi32, #tpu.memory_space<vmem>>, %arg18: memref<16x128xf32, #tpu.memory_space<vmem>>, %arg19: memref<10000x128xf32, #tpu.memory_space<vmem_shared>>, %arg20: memref<!tpu.dma_semaphore, #tpu.memory_space<semaphore_mem>>, %arg21: memref<!tpu.dma_semaphore, #tpu.memory_space<semaphore_mem>>, %arg22: memref<!tpu.dma_semaphore, #tpu.memory_space<semaphore_mem>>, %arg23: memref<!tpu.dma_semaphore, #tpu.memory_space<semaphore_mem>>, %arg24: memref<!tpu.dma_semaphore, #tpu.memory_space<semaphore_mem>>) attributes {dimension_semantics = [#tpu.dimension_semantics<core_parallel>, #tpu.dimension_semantics<subcore_parallel>], iteration_bounds = array<i64: 2, 16>, scalar_prefetch = 0 : i64, scratch_operands = 19 : i64, tpu.core_type = #tpu.core_type<sc_vector_subcore>, window_params = [{transform_indices = #map}, {transform_indices = #map1}, {transform_indices = #map1}, {transform_indices = #map}]} {
    %mul3A = arith.constant 16 : i32
    %mul3A_0 = arith.muli %arg0, %mul3A : i32
    %add3A = arith.addi %mul3A_0, %arg1 : i32
    %mul3A_1 = arith.constant 10000 : i32
    %mul3A_2 = arith.muli %add3A, %mul3A_1 : i32
    %scan3A = arith.constant 0 : i32
    %scan3A_3 = arith.constant 16 : i32
    %scan3A_4 = arith.addi %scan3A, %scan3A_3 : i32
    %scan3A_5 = arith.constant 1 : i32
    scf.for %scan3A_48 = %scan3A to %scan3A_4 step %scan3A_5  : i32 {
      %mul3A_49 = arith.constant 1 : i32
      %mul3A_50 = arith.muli %scan3A_48, %mul3A_49 : i32
      %add3A_51 = arith.constant 0 : i32
      %add3A_52 = arith.addi %add3A_51, %mul3A_50 : i32
      %broadcast_in_dim3A = arith.constant 0.000000e+00 : f32
      %broadcast_in_dim3A_53 = vector.broadcast %broadcast_in_dim3A : f32 to vector<16xf32>
      %swap3A = arith.index_cast %add3A_52 : i32 to index
      %swap3A_54 = arith.constant 0 : index
      %swap3A_55 = tpu.vector_load %arg18[%swap3A, %swap3A_54] {strides = array<i32>} : memref<16x128xf32, #tpu.memory_space<vmem>>, vector<16xf32>,
      tpu.vector_store %arg18[%swap3A, %swap3A_54], %broadcast_in_dim3A_53 {strides = array<i32>} : memref<16x128xf32, #tpu.memory_space<vmem>>, vector<16xf32>,
      %broadcast_in_dim3A_56 = arith.constant 0.000000e+00 : f32
      %broadcast_in_dim3A_57 = vector.broadcast %broadcast_in_dim3A_56 : f32 to vector<16xf32>
      %swap3A_58 = arith.index_cast %add3A_52 : i32 to index
      %swap3A_59 = arith.constant 16 : index
      %swap3A_60 = tpu.vector_load %arg18[%swap3A_58, %swap3A_59] {strides = array<i32>} : memref<16x128xf32, #tpu.memory_space<vmem>>, vector<16xf32>,
      tpu.vector_store %arg18[%swap3A_58, %swap3A_59], %broadcast_in_dim3A_57 {strides = array<i32>} : memref<16x128xf32, #tpu.memory_space<vmem>>, vector<16xf32>,
      %broadcast_in_dim3A_61 = arith.constant 0.000000e+00 : f32
      %broadcast_in_dim3A_62 = vector.broadcast %broadcast_in_dim3A_61 : f32 to vector<16xf32>
      %swap3A_63 = arith.index_cast %add3A_52 : i32 to index
      %swap3A_64 = arith.constant 32 : index
      %swap3A_65 = tpu.vector_load %arg18[%swap3A_63, %swap3A_64] {strides = array<i32>} : memref<16x128xf32, #tpu.memory_space<vmem>>, vector<16xf32>,
      tpu.vector_store %arg18[%swap3A_63, %swap3A_64], %broadcast_in_dim3A_62 {strides = array<i32>} : memref<16x128xf32, #tpu.memory_space<vmem>>, vector<16xf32>,
      %broadcast_in_dim3A_66 = arith.constant 0.000000e+00 : f32
      %broadcast_in_dim3A_67 = vector.broadcast %broadcast_in_dim3A_66 : f32 to vector<16xf32>
      %swap3A_68 = arith.index_cast %add3A_52 : i32 to index
      %swap3A_69 = arith.constant 48 : index
      %swap3A_70 = tpu.vector_load %arg18[%swap3A_68, %swap3A_69] {strides = array<i32>} : memref<16x128xf32, #tpu.memory_space<vmem>>, vector<16xf32>,
      tpu.vector_store %arg18[%swap3A_68, %swap3A_69], %broadcast_in_dim3A_67 {strides = array<i32>} : memref<16x128xf32, #tpu.memory_space<vmem>>, vector<16xf32>,
      %broadcast_in_dim3A_71 = arith.constant 0.000000e+00 : f32
      %broadcast_in_dim3A_72 = vector.broadcast %broadcast_in_dim3A_71 : f32 to vector<16xf32>
      %swap3A_73 = arith.index_cast %add3A_52 : i32 to index
      %swap3A_74 = arith.constant 64 : index
      %swap3A_75 = tpu.vector_load %arg18[%swap3A_73, %swap3A_74] {strides = array<i32>} : memref<16x128xf32, #tpu.memory_space<vmem>>, vector<16xf32>,
      tpu.vector_store %arg18[%swap3A_73, %swap3A_74], %broadcast_in_dim3A_72 {strides = array<i32>} : memref<16x128xf32, #tpu.memory_space<vmem>>, vector<16xf32>,
      %broadcast_in_dim3A_76 = arith.constant 0.000000e+00 : f32
      %broadcast_in_dim3A_77 = vector.broadcast %broadcast_in_dim3A_76 : f32 to vector<16xf32>
      %swap3A_78 = arith.index_cast %add3A_52 : i32 to index
      %swap3A_79 = arith.constant 80 : index
      %swap3A_80 = tpu.vector_load %arg18[%swap3A_78, %swap3A_79] {strides = array<i32>} : memref<16x128xf32, #tpu.memory_space<vmem>>, vector<16xf32>,
      tpu.vector_store %arg18[%swap3A_78, %swap3A_79], %broadcast_in_dim3A_77 {strides = array<i32>} : memref<16x128xf32, #tpu.memory_space<vmem>>, vector<16xf32>,
      %broadcast_in_dim3A_81 = arith.constant 0.000000e+00 : f32
      %broadcast_in_dim3A_82 = vector.broadcast %broadcast_in_dim3A_81 : f32 to vector<16xf32>
      %swap3A_83 = arith.index_cast %add3A_52 : i32 to index
      %swap3A_84 = arith.constant 96 : index
      %swap3A_85 = tpu.vector_load %arg18[%swap3A_83, %swap3A_84] {strides = array<i32>} : memref<16x128xf32, #tpu.memory_space<vmem>>, vector<16xf32>,
      tpu.vector_store %arg18[%swap3A_83, %swap3A_84], %broadcast_in_dim3A_82 {strides = array<i32>} : memref<16x128xf32, #tpu.memory_space<vmem>>, vector<16xf32>,
      %broadcast_in_dim3A_86 = arith.constant 0.000000e+00 : f32
      %broadcast_in_dim3A_87 = vector.broadcast %broadcast_in_dim3A_86 : f32 to vector<16xf32>
      %swap3A_88 = arith.index_cast %add3A_52 : i32 to index
      %swap3A_89 = arith.constant 112 : index
      %swap3A_90 = tpu.vector_load %arg18[%swap3A_88, %swap3A_89] {strides = array<i32>} : memref<16x128xf32, #tpu.memory_space<vmem>>, vector<16xf32>,
      tpu.vector_store %arg18[%swap3A_88, %swap3A_89], %broadcast_in_dim3A_87 {strides = array<i32>} : memref<16x128xf32, #tpu.memory_space<vmem>>, vector<16xf32>,
    }
    %scan3A_6 = arith.constant 16 : i32
    %scan3A_7 = arith.constant 0 : i32
    %scan3A_8 = arith.constant 39 : i32
    %scan3A_9 = arith.addi %scan3A_7, %scan3A_8 : i32
    %scan3A_10 = arith.constant 1 : i32
    scf.for %scan3A_48 = %scan3A_7 to %scan3A_9 step %scan3A_10  : i32 {
      %mul3A_49 = arith.constant 1 : i32
      %mul3A_50 = arith.muli %scan3A_48, %mul3A_49 : i32
      %add3A_51 = arith.constant 0 : i32
      %add3A_52 = arith.addi %add3A_51, %mul3A_50 : i32
      %mul3A_53 = arith.constant 624 : i32
      %mul3A_54 = arith.muli %arg1, %mul3A_53 : i32
      %mul3A_55 = arith.constant 16 : i32
      %mul3A_56 = arith.muli %add3A_52, %mul3A_55 : i32
      %add3A_57 = arith.addi %mul3A_54, %mul3A_56 : i32
      %multiple_of3A_58 = tpu.assume_multiple %add3A_57, 8 : i32
      "tpu.region"() ({
        %run_scoped3A = tpu.sem_alloc : memref<!tpu.dma_semaphore, #tpu.memory_space<semaphore_mem>>
        %dma_start3A_59 = arith.constant 0 : i32
        %dma_start3A_60 = tpu.memref_slice %arg19[%multiple_of3A_58, %dma_start3A_59] : memref<10000x128xf32, #tpu.memory_space<vmem_shared>> -> memref<16x128xf32, #tpu.memory_space<vmem_shared>>
        %dma_start3A_61 = arith.constant 0 : i32
        %dma_start3A_62 = tpu.memref_slice %arg19[%multiple_of3A_58, %dma_start3A_61] : memref<10000x128xf32, #tpu.memory_space<vmem_shared>> -> memref<16x128xf32, #tpu.memory_space<vmem_shared>>
        tpu.enqueue_dma source(%arg18 : memref<16x128xf32, #tpu.memory_space<vmem>>) target(%dma_start3A_62 : memref<16x128xf32, #tpu.memory_space<vmem_shared>>) target_semaphore(%run_scoped3A : memref<!tpu.dma_semaphore, #tpu.memory_space<semaphore_mem>>)
        %dma_wait3A = arith.constant 0 : i32
        %dma_wait3A_63 = tpu.memref_slice %arg19[%multiple_of3A_58, %dma_wait3A] : memref<10000x128xf32, #tpu.memory_space<vmem_shared>> -> memref<16x128xf32, #tpu.memory_space<vmem_shared>>
        %dma_wait3A_64 = arith.constant 0 : i32
        %dma_wait3A_65 = tpu.memref_slice %arg19[%multiple_of3A_58, %dma_wait3A_64] : memref<10000x128xf32, #tpu.memory_space<vmem_shared>> -> memref<16x128xf32, #tpu.memory_space<vmem_shared>>
        tpu.wait_dma2 semaphore(%run_scoped3A : memref<!tpu.dma_semaphore, #tpu.memory_space<semaphore_mem>>) src(%arg18 : memref<16x128xf32, #tpu.memory_space<vmem>>) dst(%dma_wait3A_65 : memref<16x128xf32, #tpu.memory_space<vmem_shared>>)
        tpu.yield
      }) : () -> ()
    }
    %scan3A_11 = arith.constant 39 : i32
    %eq3A = arith.constant 15 : i32
    %eq3A_12 = arith.cmpi eq, %arg1, %eq3A : i32
    %convert_element_type3A = arith.extui %eq3A_12 : i1 to i32
    %cond3A = arith.constant 0 : i32
    %cond3A_13 = arith.cmpi ne, %convert_element_type3A, %cond3A : i32
    scf.if %cond3A_13 {
      "tpu.region"() ({
        %run_scoped3A = tpu.sem_alloc : memref<!tpu.dma_semaphore, #tpu.memory_space<semaphore_mem>>
        %dma_start3A_48 = arith.constant 0 : i32
        %dma_start3A_49 = arith.constant 0 : i32
        %dma_start3A_50 = tpu.memref_slice %arg18[%dma_start3A_48, %dma_start3A_49] : memref<16x128xf32, #tpu.memory_space<vmem>> -> memref<16x128xf32, #tpu.memory_space<vmem>>
        %dma_start3A_51 = arith.constant 9984 : i32
        %dma_start3A_52 = arith.constant 0 : i32
        %dma_start3A_53 = tpu.memref_slice %arg19[%dma_start3A_51, %dma_start3A_52] : memref<10000x128xf32, #tpu.memory_space<vmem_shared>> -> memref<16x128xf32, #tpu.memory_space<vmem_shared>>
        %dma_start3A_54 = arith.constant 9984 : i32
        %dma_start3A_55 = arith.constant 0 : i32
        %dma_start3A_56 = tpu.memref_slice %arg19[%dma_start3A_54, %dma_start3A_55] : memref<10000x128xf32, #tpu.memory_space<vmem_shared>> -> memref<16x128xf32, #tpu.memory_space<vmem_shared>>
        %dma_start3A_57 = arith.constant 0 : i32
        %dma_start3A_58 = arith.constant 0 : i32
        %dma_start3A_59 = tpu.memref_slice %arg18[%dma_start3A_57, %dma_start3A_58] : memref<16x128xf32, #tpu.memory_space<vmem>> -> memref<16x128xf32, #tpu.memory_space<vmem>>
        tpu.enqueue_dma source(%dma_start3A_59 : memref<16x128xf32, #tpu.memory_space<vmem>>) target(%dma_start3A_56 : memref<16x128xf32, #tpu.memory_space<vmem_shared>>) target_semaphore(%run_scoped3A : memref<!tpu.dma_semaphore, #tpu.memory_space<semaphore_mem>>)
        %dma_wait3A = arith.constant 0 : i32
        %dma_wait3A_60 = arith.constant 0 : i32
        %dma_wait3A_61 = tpu.memref_slice %arg18[%dma_wait3A, %dma_wait3A_60] : memref<16x128xf32, #tpu.memory_space<vmem>> -> memref<16x128xf32, #tpu.memory_space<vmem>>
        %dma_wait3A_62 = arith.constant 9984 : i32
        %dma_wait3A_63 = arith.constant 0 : i32
        %dma_wait3A_64 = tpu.memref_slice %arg19[%dma_wait3A_62, %dma_wait3A_63] : memref<10000x128xf32, #tpu.memory_space<vmem_shared>> -> memref<16x128xf32, #tpu.memory_space<vmem_shared>>
        %dma_wait3A_65 = arith.constant 9984 : i32
        %dma_wait3A_66 = arith.constant 0 : i32
        %dma_wait3A_67 = tpu.memref_slice %arg19[%dma_wait3A_65, %dma_wait3A_66] : memref<10000x128xf32, #tpu.memory_space<vmem_shared>> -> memref<16x128xf32, #tpu.memory_space<vmem_shared>>
        %dma_wait3A_68 = arith.constant 0 : i32
        %dma_wait3A_69 = arith.constant 0 : i32
        %dma_wait3A_70 = tpu.memref_slice %arg18[%dma_wait3A_68, %dma_wait3A_69] : memref<16x128xf32, #tpu.memory_space<vmem>> -> memref<16x128xf32, #tpu.memory_space<vmem>>
        tpu.wait_dma2 semaphore(%run_scoped3A : memref<!tpu.dma_semaphore, #tpu.memory_space<semaphore_mem>>) src(%dma_wait3A_70 : memref<16x128xf32, #tpu.memory_space<vmem>>) dst(%dma_wait3A_67 : memref<16x128xf32, #tpu.memory_space<vmem_shared>>)
        tpu.yield
      }) : () -> ()
    } else {
    }
    %barrier3A = arith.constant 0 : index
    tpu.barrier barrier_id(%barrier3A)
    %add3A_14 = arith.constant 0 : i32
    %add3A_15 = arith.addi %mul3A_2, %add3A_14 : i32
    %multiple_of3A = tpu.assume_multiple %add3A_15, 8 : i32
    "tpu.region"() ({
      %run_scoped3A = tpu.sem_alloc : memref<!tpu.dma_semaphore, #tpu.memory_space<semaphore_mem>>
      %dma_start3A_48 = tpu.memref_slice %arg3[%multiple_of3A] : memref<320000xi32, #tpu.memory_space<hbm>> -> memref<40xi32, #tpu.memory_space<hbm>>
      %dma_start3A_49 = tpu.memref_slice %arg3[%multiple_of3A] : memref<320000xi32, #tpu.memory_space<hbm>> -> memref<40xi32, #tpu.memory_space<hbm>>
      tpu.enqueue_dma source(%dma_start3A_49 : memref<40xi32, #tpu.memory_space<hbm>>) target(%arg6 : memref<40xi32, #tpu.memory_space<vmem>>) target_semaphore(%run_scoped3A : memref<!tpu.dma_semaphore, #tpu.memory_space<semaphore_mem>>)
      %dma_wait3A = tpu.memref_slice %arg3[%multiple_of3A] : memref<320000xi32, #tpu.memory_space<hbm>> -> memref<40xi32, #tpu.memory_space<hbm>>
      %dma_wait3A_50 = tpu.memref_slice %arg3[%multiple_of3A] : memref<320000xi32, #tpu.memory_space<hbm>> -> memref<40xi32, #tpu.memory_space<hbm>>
      tpu.wait_dma2 semaphore(%run_scoped3A : memref<!tpu.dma_semaphore, #tpu.memory_space<semaphore_mem>>) src(%dma_wait3A_50 : memref<40xi32, #tpu.memory_space<hbm>>) dst(%arg6 : memref<40xi32, #tpu.memory_space<vmem>>)
      tpu.yield
    }) : () -> ()
    "tpu.region"() ({
      %run_scoped3A = tpu.sem_alloc : memref<!tpu.dma_semaphore, #tpu.memory_space<semaphore_mem>>
      %dma_start3A_48 = tpu.memref_slice %arg4[%multiple_of3A] : memref<320000xi32, #tpu.memory_space<hbm>> -> memref<40xi32, #tpu.memory_space<hbm>>
      %dma_start3A_49 = tpu.memref_slice %arg4[%multiple_of3A] : memref<320000xi32, #tpu.memory_space<hbm>> -> memref<40xi32, #tpu.memory_space<hbm>>
      tpu.enqueue_dma source(%dma_start3A_49 : memref<40xi32, #tpu.memory_space<hbm>>) target(%arg7 : memref<40xi32, #tpu.memory_space<vmem>>) target_semaphore(%run_scoped3A : memref<!tpu.dma_semaphore, #tpu.memory_space<semaphore_mem>>)
      %dma_wait3A = tpu.memref_slice %arg4[%multiple_of3A] : memref<320000xi32, #tpu.memory_space<hbm>> -> memref<40xi32, #tpu.memory_space<hbm>>
      %dma_wait3A_50 = tpu.memref_slice %arg4[%multiple_of3A] : memref<320000xi32, #tpu.memory_space<hbm>> -> memref<40xi32, #tpu.memory_space<hbm>>
      tpu.wait_dma2 semaphore(%run_scoped3A : memref<!tpu.dma_semaphore, #tpu.memory_space<semaphore_mem>>) src(%dma_wait3A_50 : memref<40xi32, #tpu.memory_space<hbm>>) dst(%arg7 : memref<40xi32, #tpu.memory_space<vmem>>)
      tpu.yield
    }) : () -> ()
    %dma_start3A = arith.constant 0 : i32
    %dma_start3A_16 = arith.constant 0 : i32
    %dma_start3A_17 = tpu.memref_slice %arg2[%dma_start3A, %dma_start3A_16] : memref<10000x128xi32, #tpu.memory_space<hbm>> -> memref<10000x128xi32, #tpu.memory_space<hbm>>
    tpu.enqueue_indirect_dma source(%dma_start3A_17 : memref<10000x128xi32, #tpu.memory_space<hbm>>) target(%arg10 : memref<40x128xi32, #tpu.memory_space<vmem>>) offsets(%arg6 : memref<40xi32, #tpu.memory_space<vmem>>) semaphore(%arg21 : memref<!tpu.dma_semaphore, #tpu.memory_space<semaphore_mem>>)
    %dma_start3A_18 = arith.constant 0 : i32
    %dma_start3A_19 = arith.constant 0 : i32
    %dma_start3A_20 = tpu.memref_slice %arg2[%dma_start3A_18, %dma_start3A_19] : memref<10000x128xi32, #tpu.memory_space<hbm>> -> memref<10000x128xi32, #tpu.memory_space<hbm>>
    tpu.enqueue_indirect_dma source(%dma_start3A_20 : memref<10000x128xi32, #tpu.memory_space<hbm>>) target(%arg12 : memref<40x128xi32, #tpu.memory_space<vmem>>) offsets(%arg7 : memref<40xi32, #tpu.memory_space<vmem>>) semaphore(%arg21 : memref<!tpu.dma_semaphore, #tpu.memory_space<semaphore_mem>>)
    %add3A_21 = arith.constant 40 : i32
    %add3A_22 = arith.addi %mul3A_2, %add3A_21 : i32
    %multiple_of3A_23 = tpu.assume_multiple %add3A_22, 8 : i32
    %dma_start3A_24 = tpu.memref_slice %arg3[%multiple_of3A_23] : memref<320000xi32, #tpu.memory_space<hbm>> -> memref<40xi32, #tpu.memory_space<hbm>>
    %dma_start3A_25 = tpu.memref_slice %arg3[%multiple_of3A_23] : memref<320000xi32, #tpu.memory_space<hbm>> -> memref<40xi32, #tpu.memory_space<hbm>>
    tpu.enqueue_dma source(%dma_start3A_25 : memref<40xi32, #tpu.memory_space<hbm>>) target(%arg8 : memref<40xi32, #tpu.memory_space<vmem>>) target_semaphore(%arg20 : memref<!tpu.dma_semaphore, #tpu.memory_space<semaphore_mem>>)
    %dma_start3A_26 = tpu.memref_slice %arg4[%multiple_of3A_23] : memref<320000xi32, #tpu.memory_space<hbm>> -> memref<40xi32, #tpu.memory_space<hbm>>
    %dma_start3A_27 = tpu.memref_slice %arg4[%multiple_of3A_23] : memref<320000xi32, #tpu.memory_space<hbm>> -> memref<40xi32, #tpu.memory_space<hbm>>
    tpu.enqueue_dma source(%dma_start3A_27 : memref<40xi32, #tpu.memory_space<hbm>>) target(%arg9 : memref<40xi32, #tpu.memory_space<vmem>>) target_semaphore(%arg20 : memref<!tpu.dma_semaphore, #tpu.memory_space<semaphore_mem>>)
    %scan3A_28 = arith.constant 0 : i32
    %scan3A_29 = arith.constant 125 : i32
    %scan3A_30 = arith.addi %scan3A_28, %scan3A_29 : i32
    %scan3A_31 = arith.constant 1 : i32
    scf.for %scan3A_48 = %scan3A_28 to %scan3A_30 step %scan3A_31  : i32 {
      %mul3A_49 = arith.constant 2 : i32
      %mul3A_50 = arith.muli %scan3A_48, %mul3A_49 : i32
      %add3A_51 = arith.constant 0 : i32
      %add3A_52 = arith.addi %add3A_51, %mul3A_50 : i32
      %add3A_53 = arith.constant 1 : i32
      %add3A_54 = arith.addi %add3A_52, %add3A_53 : i32
      %lt3A = arith.constant 250 : i32
      %lt3A_55 = arith.cmpi slt, %add3A_54, %lt3A : i32
      %convert_element_type3A_56 = arith.extui %lt3A_55 : i1 to i32
      %cond3A_57 = arith.constant 0 : i32
      %cond3A_58 = arith.cmpi ne, %convert_element_type3A_56, %cond3A_57 : i32
      scf.if %cond3A_58 {
        %multiple_of3A_132 = tpu.assume_multiple %mul3A_2, 8 : i32
        %dma_wait3A_133 = tpu.memref_slice %arg3[%multiple_of3A_132] : memref<320000xi32, #tpu.memory_space<hbm>> -> memref<40xi32, #tpu.memory_space<hbm>>
        %dma_wait3A_134 = tpu.memref_slice %arg3[%multiple_of3A_132] : memref<320000xi32, #tpu.memory_space<hbm>> -> memref<40xi32, #tpu.memory_space<hbm>>
        tpu.wait_dma2 semaphore(%arg20 : memref<!tpu.dma_semaphore, #tpu.memory_space<semaphore_mem>>) src(%dma_wait3A_134 : memref<40xi32, #tpu.memory_space<hbm>>) dst(%arg8 : memref<40xi32, #tpu.memory_space<vmem>>)
        %dma_wait3A_135 = tpu.memref_slice %arg4[%multiple_of3A_132] : memref<320000xi32, #tpu.memory_space<hbm>> -> memref<40xi32, #tpu.memory_space<hbm>>
        %dma_wait3A_136 = tpu.memref_slice %arg4[%multiple_of3A_132] : memref<320000xi32, #tpu.memory_space<hbm>> -> memref<40xi32, #tpu.memory_space<hbm>>
        tpu.wait_dma2 semaphore(%arg20 : memref<!tpu.dma_semaphore, #tpu.memory_space<semaphore_mem>>) src(%dma_wait3A_136 : memref<40xi32, #tpu.memory_space<hbm>>) dst(%arg9 : memref<40xi32, #tpu.memory_space<vmem>>)
        %dma_start3A_137 = arith.constant 0 : i32
        %dma_start3A_138 = arith.constant 0 : i32
        %dma_start3A_139 = tpu.memref_slice %arg2[%dma_start3A_137, %dma_start3A_138] : memref<10000x128xi32, #tpu.memory_space<hbm>> -> memref<10000x128xi32, #tpu.memory_space<hbm>>
        tpu.enqueue_indirect_dma source(%dma_start3A_139 : memref<10000x128xi32, #tpu.memory_space<hbm>>) target(%arg11 : memref<40x128xi32, #tpu.memory_space<vmem>>) offsets(%arg8 : memref<40xi32, #tpu.memory_space<vmem>>) semaphore(%arg22 : memref<!tpu.dma_semaphore, #tpu.memory_space<semaphore_mem>>)
        %dma_start3A_140 = arith.constant 0 : i32
        %dma_start3A_141 = arith.constant 0 : i32
        %dma_start3A_142 = tpu.memref_slice %arg2[%dma_start3A_140, %dma_start3A_141] : memref<10000x128xi32, #tpu.memory_space<hbm>> -> memref<10000x128xi32, #tpu.memory_space<hbm>>
        tpu.enqueue_indirect_dma source(%dma_start3A_142 : memref<10000x128xi32, #tpu.memory_space<hbm>>) target(%arg13 : memref<40x128xi32, #tpu.memory_space<vmem>>) offsets(%arg9 : memref<40xi32, #tpu.memory_space<vmem>>) semaphore(%arg22 : memref<!tpu.dma_semaphore, #tpu.memory_space<semaphore_mem>>)
      } else {
      }
      %dma_wait3A = arith.constant 0 : i32
      %dma_wait3A_59 = arith.constant 0 : i32
      %dma_wait3A_60 = tpu.memref_slice %arg2[%dma_wait3A, %dma_wait3A_59] : memref<10000x128xi32, #tpu.memory_space<hbm>> -> memref<10000x128xi32, #tpu.memory_space<hbm>>
      tpu.wait_indirect_dma semaphore(%arg21 : memref<!tpu.dma_semaphore, #tpu.memory_space<semaphore_mem>>) src(%dma_wait3A_60 : memref<10000x128xi32, #tpu.memory_space<hbm>>) dst(%arg10 : memref<40x128xi32, #tpu.memory_space<vmem>>)
      %dma_wait3A_61 = arith.constant 0 : i32
      %dma_wait3A_62 = arith.constant 0 : i32
      %dma_wait3A_63 = tpu.memref_slice %arg2[%dma_wait3A_61, %dma_wait3A_62] : memref<10000x128xi32, #tpu.memory_space<hbm>> -> memref<10000x128xi32, #tpu.memory_space<hbm>>
      tpu.wait_indirect_dma semaphore(%arg21 : memref<!tpu.dma_semaphore, #tpu.memory_space<semaphore_mem>>) src(%dma_wait3A_63 : memref<10000x128xi32, #tpu.memory_space<hbm>>) dst(%arg12 : memref<40x128xi32, #tpu.memory_space<vmem>>)
      %parallel_loop3A = arith.constant 0 : i32
      %parallel_loop3A_64 = arith.constant 40 : i32
      %parallel_loop3A_65 = arith.constant 1 : i32
      scf.for %parallel_loop3A_132 = %parallel_loop3A to %parallel_loop3A_64 step %parallel_loop3A_65  : i32 {
        %parallel_loop3A_133 = arith.index_cast %parallel_loop3A_132 : i32 to index
        %parallel_loop3A_134 = arith.constant 0 : index
        %parallel_loop3A_135 = tpu.vector_load %arg10[%parallel_loop3A_133, %parallel_loop3A_134] {strides = array<i32>} : memref<40x128xi32, #tpu.memory_space<vmem>>, vector<16xi32>,
        %parallel_loop3A_136 = vector.bitcast %parallel_loop3A_135 : vector<16xi32> to vector<32xbf16>
        %parallel_loop3A_137 = tpu.unpack_subelements %parallel_loop3A_136, 0 {pack_format = #tpu.pack_format<interleaved>} : vector<32xbf16> -> vector<16xf32>
        %parallel_loop3A_138 = tpu.unpack_subelements %parallel_loop3A_136, 1 {pack_format = #tpu.pack_format<interleaved>} : vector<32xbf16> -> vector<16xf32>
        %parallel_loop3A_139 = arith.index_cast %parallel_loop3A_132 : i32 to index
        %parallel_loop3A_140 = arith.constant 64 : index
        %parallel_loop3A_141 = tpu.vector_load %arg12[%parallel_loop3A_139, %parallel_loop3A_140] {strides = array<i32>} : memref<40x128xi32, #tpu.memory_space<vmem>>, vector<16xi32>,
        %parallel_loop3A_142 = vector.bitcast %parallel_loop3A_141 : vector<16xi32> to vector<32xbf16>
        %parallel_loop3A_143 = tpu.unpack_subelements %parallel_loop3A_142, 0 {pack_format = #tpu.pack_format<interleaved>} : vector<32xbf16> -> vector<16xf32>
        %parallel_loop3A_144 = tpu.unpack_subelements %parallel_loop3A_142, 1 {pack_format = #tpu.pack_format<interleaved>} : vector<32xbf16> -> vector<16xf32>
        %parallel_loop3A_145 = arith.mulf %parallel_loop3A_137, %parallel_loop3A_143 : vector<16xf32>
        %parallel_loop3A_146 = arith.mulf %parallel_loop3A_138, %parallel_loop3A_144 : vector<16xf32>
        %parallel_loop3A_147 = arith.addf %parallel_loop3A_145, %parallel_loop3A_146 : vector<16xf32>
        %parallel_loop3A_148 = arith.index_cast %parallel_loop3A_132 : i32 to index
        %parallel_loop3A_149 = arith.constant 16 : index
        %parallel_loop3A_150 = tpu.vector_load %arg10[%parallel_loop3A_148, %parallel_loop3A_149] {strides = array<i32>} : memref<40x128xi32, #tpu.memory_space<vmem>>, vector<16xi32>,
        %parallel_loop3A_151 = vector.bitcast %parallel_loop3A_150 : vector<16xi32> to vector<32xbf16>
        %parallel_loop3A_152 = tpu.unpack_subelements %parallel_loop3A_151, 0 {pack_format = #tpu.pack_format<interleaved>} : vector<32xbf16> -> vector<16xf32>
        %parallel_loop3A_153 = tpu.unpack_subelements %parallel_loop3A_151, 1 {pack_format = #tpu.pack_format<interleaved>} : vector<32xbf16> -> vector<16xf32>
        %parallel_loop3A_154 = arith.index_cast %parallel_loop3A_132 : i32 to index
        %parallel_loop3A_155 = arith.constant 80 : index
        %parallel_loop3A_156 = tpu.vector_load %arg12[%parallel_loop3A_154, %parallel_loop3A_155] {strides = array<i32>} : memref<40x128xi32, #tpu.memory_space<vmem>>, vector<16xi32>,
        %parallel_loop3A_157 = vector.bitcast %parallel_loop3A_156 : vector<16xi32> to vector<32xbf16>
        %parallel_loop3A_158 = tpu.unpack_subelements %parallel_loop3A_157, 0 {pack_format = #tpu.pack_format<interleaved>} : vector<32xbf16> -> vector<16xf32>
        %parallel_loop3A_159 = tpu.unpack_subelements %parallel_loop3A_157, 1 {pack_format = #tpu.pack_format<interleaved>} : vector<32xbf16> -> vector<16xf32>
        %parallel_loop3A_160 = arith.mulf %parallel_loop3A_152, %parallel_loop3A_158 : vector<16xf32>
        %parallel_loop3A_161 = arith.mulf %parallel_loop3A_153, %parallel_loop3A_159 : vector<16xf32>
        %parallel_loop3A_162 = arith.addf %parallel_loop3A_160, %parallel_loop3A_161 : vector<16xf32>
        %parallel_loop3A_163 = arith.addf %parallel_loop3A_147, %parallel_loop3A_162 : vector<16xf32>
        %parallel_loop3A_164 = arith.index_cast %parallel_loop3A_132 : i32 to index
        %parallel_loop3A_165 = arith.constant 32 : index
        %parallel_loop3A_166 = tpu.vector_load %arg10[%parallel_loop3A_164, %parallel_loop3A_165] {strides = array<i32>} : memref<40x128xi32, #tpu.memory_space<vmem>>, vector<16xi32>,
        %parallel_loop3A_167 = vector.bitcast %parallel_loop3A_166 : vector<16xi32> to vector<32xbf16>
        %parallel_loop3A_168 = tpu.unpack_subelements %parallel_loop3A_167, 0 {pack_format = #tpu.pack_format<interleaved>} : vector<32xbf16> -> vector<16xf32>
        %parallel_loop3A_169 = tpu.unpack_subelements %parallel_loop3A_167, 1 {pack_format = #tpu.pack_format<interleaved>} : vector<32xbf16> -> vector<16xf32>
        %parallel_loop3A_170 = arith.index_cast %parallel_loop3A_132 : i32 to index
        %parallel_loop3A_171 = arith.constant 96 : index
        %parallel_loop3A_172 = tpu.vector_load %arg12[%parallel_loop3A_170, %parallel_loop3A_171] {strides = array<i32>} : memref<40x128xi32, #tpu.memory_space<vmem>>, vector<16xi32>,
        %parallel_loop3A_173 = vector.bitcast %parallel_loop3A_172 : vector<16xi32> to vector<32xbf16>
        %parallel_loop3A_174 = tpu.unpack_subelements %parallel_loop3A_173, 0 {pack_format = #tpu.pack_format<interleaved>} : vector<32xbf16> -> vector<16xf32>
        %parallel_loop3A_175 = tpu.unpack_subelements %parallel_loop3A_173, 1 {pack_format = #tpu.pack_format<interleaved>} : vector<32xbf16> -> vector<16xf32>
        %parallel_loop3A_176 = arith.mulf %parallel_loop3A_168, %parallel_loop3A_174 : vector<16xf32>
        %parallel_loop3A_177 = arith.mulf %parallel_loop3A_169, %parallel_loop3A_175 : vector<16xf32>
        %parallel_loop3A_178 = arith.addf %parallel_loop3A_176, %parallel_loop3A_177 : vector<16xf32>
        %parallel_loop3A_179 = arith.addf %parallel_loop3A_163, %parallel_loop3A_178 : vector<16xf32>
        %parallel_loop3A_180 = arith.index_cast %parallel_loop3A_132 : i32 to index
        %parallel_loop3A_181 = arith.constant 48 : index
        %parallel_loop3A_182 = tpu.vector_load %arg10[%parallel_loop3A_180, %parallel_loop3A_181] {strides = array<i32>} : memref<40x128xi32, #tpu.memory_space<vmem>>, vector<16xi32>,
        %parallel_loop3A_183 = vector.bitcast %parallel_loop3A_182 : vector<16xi32> to vector<32xbf16>
        %parallel_loop3A_184 = tpu.unpack_subelements %parallel_loop3A_183, 0 {pack_format = #tpu.pack_format<interleaved>} : vector<32xbf16> -> vector<16xf32>
        %parallel_loop3A_185 = tpu.unpack_subelements %parallel_loop3A_183, 1 {pack_format = #tpu.pack_format<interleaved>} : vector<32xbf16> -> vector<16xf32>
        %parallel_loop3A_186 = arith.index_cast %parallel_loop3A_132 : i32 to index
        %parallel_loop3A_187 = arith.constant 112 : index
        %parallel_loop3A_188 = tpu.vector_load %arg12[%parallel_loop3A_186, %parallel_loop3A_187] {strides = array<i32>} : memref<40x128xi32, #tpu.memory_space<vmem>>, vector<16xi32>,
        %parallel_loop3A_189 = vector.bitcast %parallel_loop3A_188 : vector<16xi32> to vector<32xbf16>
        %parallel_loop3A_190 = tpu.unpack_subelements %parallel_loop3A_189, 0 {pack_format = #tpu.pack_format<interleaved>} : vector<32xbf16> -> vector<16xf32>
        %parallel_loop3A_191 = tpu.unpack_subelements %parallel_loop3A_189, 1 {pack_format = #tpu.pack_format<interleaved>} : vector<32xbf16> -> vector<16xf32>
        %parallel_loop3A_192 = arith.mulf %parallel_loop3A_184, %parallel_loop3A_190 : vector<16xf32>
        %parallel_loop3A_193 = arith.mulf %parallel_loop3A_185, %parallel_loop3A_191 : vector<16xf32>
        %parallel_loop3A_194 = arith.addf %parallel_loop3A_192, %parallel_loop3A_193 : vector<16xf32>
        %parallel_loop3A_195 = arith.addf %parallel_loop3A_179, %parallel_loop3A_194 : vector<16xf32>
        %parallel_loop3A_196 = arith.constant true
        %parallel_loop3A_197 = vector.broadcast %parallel_loop3A_196 : i1 to vector<16xi1>
        %parallel_loop3A_198 = tpu.scan <sum>, %parallel_loop3A_195 masked %parallel_loop3A_197 : vector<16xf32>, vector<16xi1> -> vector<16xf32>
        %parallel_loop3A_199 = vector.extract %parallel_loop3A_198[15] : f32 from vector<16xf32>
        %parallel_loop3A_200 = vector.broadcast %parallel_loop3A_199 : f32 to vector<16xf32>
        %parallel_loop3A_201 = math.exp %parallel_loop3A_200 : vector<16xf32>
        %parallel_loop3A_202 = arith.constant 1.000000e+00 : f32
        %parallel_loop3A_203 = vector.broadcast %parallel_loop3A_202 : f32 to vector<16xf32>
        %parallel_loop3A_204 = arith.addf %parallel_loop3A_203, %parallel_loop3A_201 : vector<16xf32>
        %parallel_loop3A_205 = arith.constant 1.000000e+00 : f32
        %parallel_loop3A_206 = vector.broadcast %parallel_loop3A_205 : f32 to vector<16xf32>
        %parallel_loop3A_207 = arith.divf %parallel_loop3A_206, %parallel_loop3A_204 : vector<16xf32>
        %parallel_loop3A_208 = arith.index_cast %parallel_loop3A_132 : i32 to index
        %parallel_loop3A_209 = arith.constant 64 : index
        %parallel_loop3A_210 = tpu.vector_load %arg10[%parallel_loop3A_208, %parallel_loop3A_209] {strides = array<i32>} : memref<40x128xi32, #tpu.memory_space<vmem>>, vector<16xi32>,
        %parallel_loop3A_211 = vector.bitcast %parallel_loop3A_210 : vector<16xi32> to vector<32xbf16>
        %parallel_loop3A_212 = tpu.unpack_subelements %parallel_loop3A_211, 0 {pack_format = #tpu.pack_format<interleaved>} : vector<32xbf16> -> vector<16xf32>
        %parallel_loop3A_213 = tpu.unpack_subelements %parallel_loop3A_211, 1 {pack_format = #tpu.pack_format<interleaved>} : vector<32xbf16> -> vector<16xf32>
        %parallel_loop3A_214 = arith.addf %parallel_loop3A_137, %parallel_loop3A_212 : vector<16xf32>
        %parallel_loop3A_215 = arith.mulf %parallel_loop3A_207, %parallel_loop3A_214 : vector<16xf32>
        %parallel_loop3A_216 = arith.subf %parallel_loop3A_215, %parallel_loop3A_212 : vector<16xf32>
        %parallel_loop3A_217 = arith.index_cast %parallel_loop3A_132 : i32 to index
        %parallel_loop3A_218 = arith.constant 0 : index
        %parallel_loop3A_219 = tpu.vector_load %arg14[%parallel_loop3A_217, %parallel_loop3A_218] {strides = array<i32>} : memref<40x128xf32, #tpu.memory_space<vmem>>, vector<16xf32>,
        tpu.vector_store %arg14[%parallel_loop3A_217, %parallel_loop3A_218], %parallel_loop3A_216 {strides = array<i32>} : memref<40x128xf32, #tpu.memory_space<vmem>>, vector<16xf32>,
        %parallel_loop3A_220 = arith.addf %parallel_loop3A_138, %parallel_loop3A_213 : vector<16xf32>
        %parallel_loop3A_221 = arith.mulf %parallel_loop3A_207, %parallel_loop3A_220 : vector<16xf32>
        %parallel_loop3A_222 = arith.subf %parallel_loop3A_221, %parallel_loop3A_213 : vector<16xf32>
        %parallel_loop3A_223 = arith.index_cast %parallel_loop3A_132 : i32 to index
        %parallel_loop3A_224 = arith.constant 16 : index
        %parallel_loop3A_225 = tpu.vector_load %arg14[%parallel_loop3A_223, %parallel_loop3A_224] {strides = array<i32>} : memref<40x128xf32, #tpu.memory_space<vmem>>, vector<16xf32>,
        tpu.vector_store %arg14[%parallel_loop3A_223, %parallel_loop3A_224], %parallel_loop3A_222 {strides = array<i32>} : memref<40x128xf32, #tpu.memory_space<vmem>>, vector<16xf32>,
        %parallel_loop3A_226 = arith.index_cast %parallel_loop3A_132 : i32 to index
        %parallel_loop3A_227 = arith.constant 80 : index
        %parallel_loop3A_228 = tpu.vector_load %arg10[%parallel_loop3A_226, %parallel_loop3A_227] {strides = array<i32>} : memref<40x128xi32, #tpu.memory_space<vmem>>, vector<16xi32>,
        %parallel_loop3A_229 = vector.bitcast %parallel_loop3A_228 : vector<16xi32> to vector<32xbf16>
        %parallel_loop3A_230 = tpu.unpack_subelements %parallel_loop3A_229, 0 {pack_format = #tpu.pack_format<interleaved>} : vector<32xbf16> -> vector<16xf32>
        %parallel_loop3A_231 = tpu.unpack_subelements %parallel_loop3A_229, 1 {pack_format = #tpu.pack_format<interleaved>} : vector<32xbf16> -> vector<16xf32>
        %parallel_loop3A_232 = arith.addf %parallel_loop3A_152, %parallel_loop3A_230 : vector<16xf32>
        %parallel_loop3A_233 = arith.mulf %parallel_loop3A_207, %parallel_loop3A_232 : vector<16xf32>
        %parallel_loop3A_234 = arith.subf %parallel_loop3A_233, %parallel_loop3A_230 : vector<16xf32>
        %parallel_loop3A_235 = arith.index_cast %parallel_loop3A_132 : i32 to index
        %parallel_loop3A_236 = arith.constant 32 : index
        %parallel_loop3A_237 = tpu.vector_load %arg14[%parallel_loop3A_235, %parallel_loop3A_236] {strides = array<i32>} : memref<40x128xf32, #tpu.memory_space<vmem>>, vector<16xf32>,
        tpu.vector_store %arg14[%parallel_loop3A_235, %parallel_loop3A_236], %parallel_loop3A_234 {strides = array<i32>} : memref<40x128xf32, #tpu.memory_space<vmem>>, vector<16xf32>,
        %parallel_loop3A_238 = arith.addf %parallel_loop3A_153, %parallel_loop3A_231 : vector<16xf32>
        %parallel_loop3A_239 = arith.mulf %parallel_loop3A_207, %parallel_loop3A_238 : vector<16xf32>
        %parallel_loop3A_240 = arith.subf %parallel_loop3A_239, %parallel_loop3A_231 : vector<16xf32>
        %parallel_loop3A_241 = arith.index_cast %parallel_loop3A_132 : i32 to index
        %parallel_loop3A_242 = arith.constant 48 : index
        %parallel_loop3A_243 = tpu.vector_load %arg14[%parallel_loop3A_241, %parallel_loop3A_242] {strides = array<i32>} : memref<40x128xf32, #tpu.memory_space<vmem>>, vector<16xf32>,
        tpu.vector_store %arg14[%parallel_loop3A_241, %parallel_loop3A_242], %parallel_loop3A_240 {strides = array<i32>} : memref<40x128xf32, #tpu.memory_space<vmem>>, vector<16xf32>,
        %parallel_loop3A_244 = arith.index_cast %parallel_loop3A_132 : i32 to index
        %parallel_loop3A_245 = arith.constant 96 : index
        %parallel_loop3A_246 = tpu.vector_load %arg10[%parallel_loop3A_244, %parallel_loop3A_245] {strides = array<i32>} : memref<40x128xi32, #tpu.memory_space<vmem>>, vector<16xi32>,
        %parallel_loop3A_247 = vector.bitcast %parallel_loop3A_246 : vector<16xi32> to vector<32xbf16>
        %parallel_loop3A_248 = tpu.unpack_subelements %parallel_loop3A_247, 0 {pack_format = #tpu.pack_format<interleaved>} : vector<32xbf16> -> vector<16xf32>
        %parallel_loop3A_249 = tpu.unpack_subelements %parallel_loop3A_247, 1 {pack_format = #tpu.pack_format<interleaved>} : vector<32xbf16> -> vector<16xf32>
        %parallel_loop3A_250 = arith.addf %parallel_loop3A_168, %parallel_loop3A_248 : vector<16xf32>
        %parallel_loop3A_251 = arith.mulf %parallel_loop3A_207, %parallel_loop3A_250 : vector<16xf32>
        %parallel_loop3A_252 = arith.subf %parallel_loop3A_251, %parallel_loop3A_248 : vector<16xf32>
        %parallel_loop3A_253 = arith.index_cast %parallel_loop3A_132 : i32 to index
        %parallel_loop3A_254 = arith.constant 64 : index
        %parallel_loop3A_255 = tpu.vector_load %arg14[%parallel_loop3A_253, %parallel_loop3A_254] {strides = array<i32>} : memref<40x128xf32, #tpu.memory_space<vmem>>, vector<16xf32>,
        tpu.vector_store %arg14[%parallel_loop3A_253, %parallel_loop3A_254], %parallel_loop3A_252 {strides = array<i32>} : memref<40x128xf32, #tpu.memory_space<vmem>>, vector<16xf32>,
        %parallel_loop3A_256 = arith.addf %parallel_loop3A_169, %parallel_loop3A_249 : vector<16xf32>
        %parallel_loop3A_257 = arith.mulf %parallel_loop3A_207, %parallel_loop3A_256 : vector<16xf32>
        %parallel_loop3A_258 = arith.subf %parallel_loop3A_257, %parallel_loop3A_249 : vector<16xf32>
        %parallel_loop3A_259 = arith.index_cast %parallel_loop3A_132 : i32 to index
        %parallel_loop3A_260 = arith.constant 80 : index
        %parallel_loop3A_261 = tpu.vector_load %arg14[%parallel_loop3A_259, %parallel_loop3A_260] {strides = array<i32>} : memref<40x128xf32, #tpu.memory_space<vmem>>, vector<16xf32>,
        tpu.vector_store %arg14[%parallel_loop3A_259, %parallel_loop3A_260], %parallel_loop3A_258 {strides = array<i32>} : memref<40x128xf32, #tpu.memory_space<vmem>>, vector<16xf32>,
        %parallel_loop3A_262 = arith.index_cast %parallel_loop3A_132 : i32 to index
        %parallel_loop3A_263 = arith.constant 112 : index
        %parallel_loop3A_264 = tpu.vector_load %arg10[%parallel_loop3A_262, %parallel_loop3A_263] {strides = array<i32>} : memref<40x128xi32, #tpu.memory_space<vmem>>, vector<16xi32>,
        %parallel_loop3A_265 = vector.bitcast %parallel_loop3A_264 : vector<16xi32> to vector<32xbf16>
        %parallel_loop3A_266 = tpu.unpack_subelements %parallel_loop3A_265, 0 {pack_format = #tpu.pack_format<interleaved>} : vector<32xbf16> -> vector<16xf32>
        %parallel_loop3A_267 = tpu.unpack_subelements %parallel_loop3A_265, 1 {pack_format = #tpu.pack_format<interleaved>} : vector<32xbf16> -> vector<16xf32>
        %parallel_loop3A_268 = arith.addf %parallel_loop3A_184, %parallel_loop3A_266 : vector<16xf32>
        %parallel_loop3A_269 = arith.mulf %parallel_loop3A_207, %parallel_loop3A_268 : vector<16xf32>
        %parallel_loop3A_270 = arith.subf %parallel_loop3A_269, %parallel_loop3A_266 : vector<16xf32>
        %parallel_loop3A_271 = arith.index_cast %parallel_loop3A_132 : i32 to index
        %parallel_loop3A_272 = arith.constant 96 : index
        %parallel_loop3A_273 = tpu.vector_load %arg14[%parallel_loop3A_271, %parallel_loop3A_272] {strides = array<i32>} : memref<40x128xf32, #tpu.memory_space<vmem>>, vector<16xf32>,
        tpu.vector_store %arg14[%parallel_loop3A_271, %parallel_loop3A_272], %parallel_loop3A_270 {strides = array<i32>} : memref<40x128xf32, #tpu.memory_space<vmem>>, vector<16xf32>,
        %parallel_loop3A_274 = arith.addf %parallel_loop3A_185, %parallel_loop3A_267 : vector<16xf32>
        %parallel_loop3A_275 = arith.mulf %parallel_loop3A_207, %parallel_loop3A_274 : vector<16xf32>
        %parallel_loop3A_276 = arith.subf %parallel_loop3A_275, %parallel_loop3A_267 : vector<16xf32>
        %parallel_loop3A_277 = arith.index_cast %parallel_loop3A_132 : i32 to index
        %parallel_loop3A_278 = arith.constant 112 : index
        %parallel_loop3A_279 = tpu.vector_load %arg14[%parallel_loop3A_277, %parallel_loop3A_278] {strides = array<i32>} : memref<40x128xf32, #tpu.memory_space<vmem>>, vector<16xf32>,
        tpu.vector_store %arg14[%parallel_loop3A_277, %parallel_loop3A_278], %parallel_loop3A_276 {strides = array<i32>} : memref<40x128xf32, #tpu.memory_space<vmem>>, vector<16xf32>,
      } {sc.loop_unroll_factor = 1 : i64, sc.parallel_access}
      %get3A = arith.constant 0 : index
      %get3A_66 = tpu.vector_load %arg7[%get3A] {strides = array<i32>} : memref<40xi32, #tpu.memory_space<vmem>>, vector<16xi32>,
      %swap3A = arith.constant 0 : index
      %swap3A_67 = tpu.vector_load %arg16[%swap3A] {strides = array<i32>} : memref<40xi32, #tpu.memory_space<vmem>>, vector<16xi32>,
      tpu.vector_store %arg16[%swap3A], %get3A_66 {strides = array<i32>} : memref<40xi32, #tpu.memory_space<vmem>>, vector<16xi32>,
      %get3A_68 = arith.constant 16 : index
      %get3A_69 = tpu.vector_load %arg7[%get3A_68] {strides = array<i32>} : memref<40xi32, #tpu.memory_space<vmem>>, vector<16xi32>,
      %swap3A_70 = arith.constant 16 : index
      %swap3A_71 = tpu.vector_load %arg16[%swap3A_70] {strides = array<i32>} : memref<40xi32, #tpu.memory_space<vmem>>, vector<16xi32>,
      tpu.vector_store %arg16[%swap3A_70], %get3A_69 {strides = array<i32>} : memref<40xi32, #tpu.memory_space<vmem>>, vector<16xi32>,
      %iota3A = tpu.iota {dimensions = array<i32: 0>} : vector<16xi32>
      %add3A_72 = arith.constant 32 : i32
      %add3A_73 = vector.broadcast %add3A_72 : i32 to vector<16xi32>
      %add3A_74 = arith.addi %iota3A, %add3A_73 : vector<16xi32>
      %lt3A_75 = arith.constant 8 : i32
      %lt3A_76 = vector.broadcast %lt3A_75 : i32 to vector<16xi32>
      %lt3A_77 = arith.cmpi slt, %iota3A, %lt3A_76 : vector<16xi32>
      %gather3A = tpu.vector_load_idx %arg7[%add3A_74] masked %lt3A_77 : memref<40xi32, #tpu.memory_space<vmem>>[vector<16xi32>], vector<16xi32>, vector<16xi1>
      tpu.vector_store_idx %arg16[%add3A_74], %gather3A masked %lt3A_77 : memref<40xi32, #tpu.memory_space<vmem>>[vector<16xi32>], vector<16xi32>, vector<16xi1>
      %dma_start3A_78 = arith.constant 0 : i32
      %dma_start3A_79 = arith.constant 0 : i32
      %dma_start3A_80 = tpu.memref_slice %arg19[%dma_start3A_78, %dma_start3A_79] : memref<10000x128xf32, #tpu.memory_space<vmem_shared>> -> memref<10000x128xf32, #tpu.memory_space<vmem_shared>>
      tpu.enqueue_indirect_dma source(%arg14 : memref<40x128xf32, #tpu.memory_space<vmem>>) target(%dma_start3A_80 : memref<10000x128xf32, #tpu.memory_space<vmem_shared>>) offsets(%arg16 : memref<40xi32, #tpu.memory_space<vmem>>) semaphore(%arg23 : memref<!tpu.dma_semaphore, #tpu.memory_space<semaphore_mem>>) {add = true}
      %add3A_81 = arith.constant 2 : i32
      %add3A_82 = arith.addi %add3A_52, %add3A_81 : i32
      %lt3A_83 = arith.constant 250 : i32
      %lt3A_84 = arith.cmpi slt, %add3A_82, %lt3A_83 : i32
      %convert_element_type3A_85 = arith.extui %lt3A_84 : i1 to i32
      %cond3A_86 = arith.constant 0 : i32
      %cond3A_87 = arith.cmpi ne, %convert_element_type3A_85, %cond3A_86 : i32
      scf.if %cond3A_87 {
        %add3A_132 = arith.constant 2 : i32
        %add3A_133 = arith.addi %add3A_52, %add3A_132 : i32
        %mul3A_134 = arith.constant 40 : i32
        %mul3A_135 = arith.muli %add3A_133, %mul3A_134 : i32
        %add3A_136 = arith.addi %mul3A_2, %mul3A_135 : i32
        %multiple_of3A_137 = tpu.assume_multiple %add3A_136, 8 : i32
        %dma_start3A_138 = tpu.memref_slice %arg3[%multiple_of3A_137] : memref<320000xi32, #tpu.memory_space<hbm>> -> memref<40xi32, #tpu.memory_space<hbm>>
        %dma_start3A_139 = tpu.memref_slice %arg3[%multiple_of3A_137] : memref<320000xi32, #tpu.memory_space<hbm>> -> memref<40xi32, #tpu.memory_space<hbm>>
        tpu.enqueue_dma source(%dma_start3A_139 : memref<40xi32, #tpu.memory_space<hbm>>) target(%arg6 : memref<40xi32, #tpu.memory_space<vmem>>) target_semaphore(%arg20 : memref<!tpu.dma_semaphore, #tpu.memory_space<semaphore_mem>>)
        %dma_start3A_140 = tpu.memref_slice %arg4[%multiple_of3A_137] : memref<320000xi32, #tpu.memory_space<hbm>> -> memref<40xi32, #tpu.memory_space<hbm>>
        %dma_start3A_141 = tpu.memref_slice %arg4[%multiple_of3A_137] : memref<320000xi32, #tpu.memory_space<hbm>> -> memref<40xi32, #tpu.memory_space<hbm>>
        tpu.enqueue_dma source(%dma_start3A_141 : memref<40xi32, #tpu.memory_space<hbm>>) target(%arg7 : memref<40xi32, #tpu.memory_space<vmem>>) target_semaphore(%arg20 : memref<!tpu.dma_semaphore, #tpu.memory_space<semaphore_mem>>)
      } else {
      }
      %add3A_88 = arith.constant 1 : i32
      %add3A_89 = arith.addi %add3A_52, %add3A_88 : i32
      %add3A_90 = arith.constant 1 : i32
      %add3A_91 = arith.addi %add3A_89, %add3A_90 : i32
      %lt3A_92 = arith.constant 250 : i32
      %lt3A_93 = arith.cmpi slt, %add3A_91, %lt3A_92 : i32
      %convert_element_type3A_94 = arith.extui %lt3A_93 : i1 to i32
      %cond3A_95 = arith.constant 0 : i32
      %cond3A_96 = arith.cmpi ne, %convert_element_type3A_94, %cond3A_95 : i32
      scf.if %cond3A_96 {
        %multiple_of3A_132 = tpu.assume_multiple %mul3A_2, 8 : i32
        %dma_wait3A_133 = tpu.memref_slice %arg3[%multiple_of3A_132] : memref<320000xi32, #tpu.memory_space<hbm>> -> memref<40xi32, #tpu.memory_space<hbm>>
        %dma_wait3A_134 = tpu.memref_slice %arg3[%multiple_of3A_132] : memref<320000xi32, #tpu.memory_space<hbm>> -> memref<40xi32, #tpu.memory_space<hbm>>
        tpu.wait_dma2 semaphore(%arg20 : memref<!tpu.dma_semaphore, #tpu.memory_space<semaphore_mem>>) src(%dma_wait3A_134 : memref<40xi32, #tpu.memory_space<hbm>>) dst(%arg6 : memref<40xi32, #tpu.memory_space<vmem>>)
        %dma_wait3A_135 = tpu.memref_slice %arg4[%multiple_of3A_132] : memref<320000xi32, #tpu.memory_space<hbm>> -> memref<40xi32, #tpu.memory_space<hbm>>
        %dma_wait3A_136 = tpu.memref_slice %arg4[%multiple_of3A_132] : memref<320000xi32, #tpu.memory_space<hbm>> -> memref<40xi32, #tpu.memory_space<hbm>>
        tpu.wait_dma2 semaphore(%arg20 : memref<!tpu.dma_semaphore, #tpu.memory_space<semaphore_mem>>) src(%dma_wait3A_136 : memref<40xi32, #tpu.memory_space<hbm>>) dst(%arg7 : memref<40xi32, #tpu.memory_space<vmem>>)
        %dma_start3A_137 = arith.constant 0 : i32
        %dma_start3A_138 = arith.constant 0 : i32
        %dma_start3A_139 = tpu.memref_slice %arg2[%dma_start3A_137, %dma_start3A_138] : memref<10000x128xi32, #tpu.memory_space<hbm>> -> memref<10000x128xi32, #tpu.memory_space<hbm>>
        tpu.enqueue_indirect_dma source(%dma_start3A_139 : memref<10000x128xi32, #tpu.memory_space<hbm>>) target(%arg10 : memref<40x128xi32, #tpu.memory_space<vmem>>) offsets(%arg6 : memref<40xi32, #tpu.memory_space<vmem>>) semaphore(%arg21 : memref<!tpu.dma_semaphore, #tpu.memory_space<semaphore_mem>>)
        %dma_start3A_140 = arith.constant 0 : i32
        %dma_start3A_141 = arith.constant 0 : i32
        %dma_start3A_142 = tpu.memref_slice %arg2[%dma_start3A_140, %dma_start3A_141] : memref<10000x128xi32, #tpu.memory_space<hbm>> -> memref<10000x128xi32, #tpu.memory_space<hbm>>
        tpu.enqueue_indirect_dma source(%dma_start3A_142 : memref<10000x128xi32, #tpu.memory_space<hbm>>) target(%arg12 : memref<40x128xi32, #tpu.memory_space<vmem>>) offsets(%arg7 : memref<40xi32, #tpu.memory_space<vmem>>) semaphore(%arg21 : memref<!tpu.dma_semaphore, #tpu.memory_space<semaphore_mem>>)
      } else {
      }
      %dma_wait3A_97 = arith.constant 0 : i32
      %dma_wait3A_98 = arith.constant 0 : i32
      %dma_wait3A_99 = tpu.memref_slice %arg2[%dma_wait3A_97, %dma_wait3A_98] : memref<10000x128xi32, #tpu.memory_space<hbm>> -> memref<10000x128xi32, #tpu.memory_space<hbm>>
      tpu.wait_indirect_dma semaphore(%arg22 : memref<!tpu.dma_semaphore, #tpu.memory_space<semaphore_mem>>) src(%dma_wait3A_99 : memref<10000x128xi32, #tpu.memory_space<hbm>>) dst(%arg11 : memref<40x128xi32, #tpu.memory_space<vmem>>)
      %dma_wait3A_100 = arith.constant 0 : i32
      %dma_wait3A_101 = arith.constant 0 : i32
      %dma_wait3A_102 = tpu.memref_slice %arg2[%dma_wait3A_100, %dma_wait3A_101] : memref<10000x128xi32, #tpu.memory_space<hbm>> -> memref<10000x128xi32, #tpu.memory_space<hbm>>
      tpu.wait_indirect_dma semaphore(%arg22 : memref<!tpu.dma_semaphore, #tpu.memory_space<semaphore_mem>>) src(%dma_wait3A_102 : memref<10000x128xi32, #tpu.memory_space<hbm>>) dst(%arg13 : memref<40x128xi32, #tpu.memory_space<vmem>>)
      %parallel_loop3A_103 = arith.constant 0 : i32
      %parallel_loop3A_104 = arith.constant 40 : i32
      %parallel_loop3A_105 = arith.constant 1 : i32
      scf.for %parallel_loop3A_132 = %parallel_loop3A_103 to %parallel_loop3A_104 step %parallel_loop3A_105  : i32 {
        %parallel_loop3A_133 = arith.index_cast %parallel_loop3A_132 : i32 to index
        %parallel_loop3A_134 = arith.constant 0 : index
        %parallel_loop3A_135 = tpu.vector_load %arg11[%parallel_loop3A_133, %parallel_loop3A_134] {strides = array<i32>} : memref<40x128xi32, #tpu.memory_space<vmem>>, vector<16xi32>,
        %parallel_loop3A_136 = vector.bitcast %parallel_loop3A_135 : vector<16xi32> to vector<32xbf16>
        %parallel_loop3A_137 = tpu.unpack_subelements %parallel_loop3A_136, 0 {pack_format = #tpu.pack_format<interleaved>} : vector<32xbf16> -> vector<16xf32>
        %parallel_loop3A_138 = tpu.unpack_subelements %parallel_loop3A_136, 1 {pack_format = #tpu.pack_format<interleaved>} : vector<32xbf16> -> vector<16xf32>
        %parallel_loop3A_139 = arith.index_cast %parallel_loop3A_132 : i32 to index
        %parallel_loop3A_140 = arith.constant 64 : index
        %parallel_loop3A_141 = tpu.vector_load %arg13[%parallel_loop3A_139, %parallel_loop3A_140] {strides = array<i32>} : memref<40x128xi32, #tpu.memory_space<vmem>>, vector<16xi32>,
        %parallel_loop3A_142 = vector.bitcast %parallel_loop3A_141 : vector<16xi32> to vector<32xbf16>
        %parallel_loop3A_143 = tpu.unpack_subelements %parallel_loop3A_142, 0 {pack_format = #tpu.pack_format<interleaved>} : vector<32xbf16> -> vector<16xf32>
        %parallel_loop3A_144 = tpu.unpack_subelements %parallel_loop3A_142, 1 {pack_format = #tpu.pack_format<interleaved>} : vector<32xbf16> -> vector<16xf32>
        %parallel_loop3A_145 = arith.mulf %parallel_loop3A_137, %parallel_loop3A_143 : vector<16xf32>
        %parallel_loop3A_146 = arith.mulf %parallel_loop3A_138, %parallel_loop3A_144 : vector<16xf32>
        %parallel_loop3A_147 = arith.addf %parallel_loop3A_145, %parallel_loop3A_146 : vector<16xf32>
        %parallel_loop3A_148 = arith.index_cast %parallel_loop3A_132 : i32 to index
        %parallel_loop3A_149 = arith.constant 16 : index
        %parallel_loop3A_150 = tpu.vector_load %arg11[%parallel_loop3A_148, %parallel_loop3A_149] {strides = array<i32>} : memref<40x128xi32, #tpu.memory_space<vmem>>, vector<16xi32>,
        %parallel_loop3A_151 = vector.bitcast %parallel_loop3A_150 : vector<16xi32> to vector<32xbf16>
        %parallel_loop3A_152 = tpu.unpack_subelements %parallel_loop3A_151, 0 {pack_format = #tpu.pack_format<interleaved>} : vector<32xbf16> -> vector<16xf32>
        %parallel_loop3A_153 = tpu.unpack_subelements %parallel_loop3A_151, 1 {pack_format = #tpu.pack_format<interleaved>} : vector<32xbf16> -> vector<16xf32>
        %parallel_loop3A_154 = arith.index_cast %parallel_loop3A_132 : i32 to index
        %parallel_loop3A_155 = arith.constant 80 : index
        %parallel_loop3A_156 = tpu.vector_load %arg13[%parallel_loop3A_154, %parallel_loop3A_155] {strides = array<i32>} : memref<40x128xi32, #tpu.memory_space<vmem>>, vector<16xi32>,
        %parallel_loop3A_157 = vector.bitcast %parallel_loop3A_156 : vector<16xi32> to vector<32xbf16>
        %parallel_loop3A_158 = tpu.unpack_subelements %parallel_loop3A_157, 0 {pack_format = #tpu.pack_format<interleaved>} : vector<32xbf16> -> vector<16xf32>
        %parallel_loop3A_159 = tpu.unpack_subelements %parallel_loop3A_157, 1 {pack_format = #tpu.pack_format<interleaved>} : vector<32xbf16> -> vector<16xf32>
        %parallel_loop3A_160 = arith.mulf %parallel_loop3A_152, %parallel_loop3A_158 : vector<16xf32>
        %parallel_loop3A_161 = arith.mulf %parallel_loop3A_153, %parallel_loop3A_159 : vector<16xf32>
        %parallel_loop3A_162 = arith.addf %parallel_loop3A_160, %parallel_loop3A_161 : vector<16xf32>
        %parallel_loop3A_163 = arith.addf %parallel_loop3A_147, %parallel_loop3A_162 : vector<16xf32>
        %parallel_loop3A_164 = arith.index_cast %parallel_loop3A_132 : i32 to index
        %parallel_loop3A_165 = arith.constant 32 : index
        %parallel_loop3A_166 = tpu.vector_load %arg11[%parallel_loop3A_164, %parallel_loop3A_165] {strides = array<i32>} : memref<40x128xi32, #tpu.memory_space<vmem>>, vector<16xi32>,
        %parallel_loop3A_167 = vector.bitcast %parallel_loop3A_166 : vector<16xi32> to vector<32xbf16>
        %parallel_loop3A_168 = tpu.unpack_subelements %parallel_loop3A_167, 0 {pack_format = #tpu.pack_format<interleaved>} : vector<32xbf16> -> vector<16xf32>
        %parallel_loop3A_169 = tpu.unpack_subelements %parallel_loop3A_167, 1 {pack_format = #tpu.pack_format<interleaved>} : vector<32xbf16> -> vector<16xf32>
        %parallel_loop3A_170 = arith.index_cast %parallel_loop3A_132 : i32 to index
        %parallel_loop3A_171 = arith.constant 96 : index
        %parallel_loop3A_172 = tpu.vector_load %arg13[%parallel_loop3A_170, %parallel_loop3A_171] {strides = array<i32>} : memref<40x128xi32, #tpu.memory_space<vmem>>, vector<16xi32>,
        %parallel_loop3A_173 = vector.bitcast %parallel_loop3A_172 : vector<16xi32> to vector<32xbf16>
        %parallel_loop3A_174 = tpu.unpack_subelements %parallel_loop3A_173, 0 {pack_format = #tpu.pack_format<interleaved>} : vector<32xbf16> -> vector<16xf32>
        %parallel_loop3A_175 = tpu.unpack_subelements %parallel_loop3A_173, 1 {pack_format = #tpu.pack_format<interleaved>} : vector<32xbf16> -> vector<16xf32>
        %parallel_loop3A_176 = arith.mulf %parallel_loop3A_168, %parallel_loop3A_174 : vector<16xf32>
        %parallel_loop3A_177 = arith.mulf %parallel_loop3A_169, %parallel_loop3A_175 : vector<16xf32>
        %parallel_loop3A_178 = arith.addf %parallel_loop3A_176, %parallel_loop3A_177 : vector<16xf32>
        %parallel_loop3A_179 = arith.addf %parallel_loop3A_163, %parallel_loop3A_178 : vector<16xf32>
        %parallel_loop3A_180 = arith.index_cast %parallel_loop3A_132 : i32 to index
        %parallel_loop3A_181 = arith.constant 48 : index
        %parallel_loop3A_182 = tpu.vector_load %arg11[%parallel_loop3A_180, %parallel_loop3A_181] {strides = array<i32>} : memref<40x128xi32, #tpu.memory_space<vmem>>, vector<16xi32>,
        %parallel_loop3A_183 = vector.bitcast %parallel_loop3A_182 : vector<16xi32> to vector<32xbf16>
        %parallel_loop3A_184 = tpu.unpack_subelements %parallel_loop3A_183, 0 {pack_format = #tpu.pack_format<interleaved>} : vector<32xbf16> -> vector<16xf32>
        %parallel_loop3A_185 = tpu.unpack_subelements %parallel_loop3A_183, 1 {pack_format = #tpu.pack_format<interleaved>} : vector<32xbf16> -> vector<16xf32>
        %parallel_loop3A_186 = arith.index_cast %parallel_loop3A_132 : i32 to index
        %parallel_loop3A_187 = arith.constant 112 : index
        %parallel_loop3A_188 = tpu.vector_load %arg13[%parallel_loop3A_186, %parallel_loop3A_187] {strides = array<i32>} : memref<40x128xi32, #tpu.memory_space<vmem>>, vector<16xi32>,
        %parallel_loop3A_189 = vector.bitcast %parallel_loop3A_188 : vector<16xi32> to vector<32xbf16>
        %parallel_loop3A_190 = tpu.unpack_subelements %parallel_loop3A_189, 0 {pack_format = #tpu.pack_format<interleaved>} : vector<32xbf16> -> vector<16xf32>
        %parallel_loop3A_191 = tpu.unpack_subelements %parallel_loop3A_189, 1 {pack_format = #tpu.pack_format<interleaved>} : vector<32xbf16> -> vector<16xf32>
        %parallel_loop3A_192 = arith.mulf %parallel_loop3A_184, %parallel_loop3A_190 : vector<16xf32>
        %parallel_loop3A_193 = arith.mulf %parallel_loop3A_185, %parallel_loop3A_191 : vector<16xf32>
        %parallel_loop3A_194 = arith.addf %parallel_loop3A_192, %parallel_loop3A_193 : vector<16xf32>
        %parallel_loop3A_195 = arith.addf %parallel_loop3A_179, %parallel_loop3A_194 : vector<16xf32>
        %parallel_loop3A_196 = arith.constant true
        %parallel_loop3A_197 = vector.broadcast %parallel_loop3A_196 : i1 to vector<16xi1>
        %parallel_loop3A_198 = tpu.scan <sum>, %parallel_loop3A_195 masked %parallel_loop3A_197 : vector<16xf32>, vector<16xi1> -> vector<16xf32>
        %parallel_loop3A_199 = vector.extract %parallel_loop3A_198[15] : f32 from vector<16xf32>
        %parallel_loop3A_200 = vector.broadcast %parallel_loop3A_199 : f32 to vector<16xf32>
        %parallel_loop3A_201 = math.exp %parallel_loop3A_200 : vector<16xf32>
        %parallel_loop3A_202 = arith.constant 1.000000e+00 : f32
        %parallel_loop3A_203 = vector.broadcast %parallel_loop3A_202 : f32 to vector<16xf32>
        %parallel_loop3A_204 = arith.addf %parallel_loop3A_203, %parallel_loop3A_201 : vector<16xf32>
        %parallel_loop3A_205 = arith.constant 1.000000e+00 : f32
        %parallel_loop3A_206 = vector.broadcast %parallel_loop3A_205 : f32 to vector<16xf32>
        %parallel_loop3A_207 = arith.divf %parallel_loop3A_206, %parallel_loop3A_204 : vector<16xf32>
        %parallel_loop3A_208 = arith.index_cast %parallel_loop3A_132 : i32 to index
        %parallel_loop3A_209 = arith.constant 64 : index
        %parallel_loop3A_210 = tpu.vector_load %arg11[%parallel_loop3A_208, %parallel_loop3A_209] {strides = array<i32>} : memref<40x128xi32, #tpu.memory_space<vmem>>, vector<16xi32>,
        %parallel_loop3A_211 = vector.bitcast %parallel_loop3A_210 : vector<16xi32> to vector<32xbf16>
        %parallel_loop3A_212 = tpu.unpack_subelements %parallel_loop3A_211, 0 {pack_format = #tpu.pack_format<interleaved>} : vector<32xbf16> -> vector<16xf32>
        %parallel_loop3A_213 = tpu.unpack_subelements %parallel_loop3A_211, 1 {pack_format = #tpu.pack_format<interleaved>} : vector<32xbf16> -> vector<16xf32>
        %parallel_loop3A_214 = arith.addf %parallel_loop3A_137, %parallel_loop3A_212 : vector<16xf32>
        %parallel_loop3A_215 = arith.mulf %parallel_loop3A_207, %parallel_loop3A_214 : vector<16xf32>
        %parallel_loop3A_216 = arith.subf %parallel_loop3A_215, %parallel_loop3A_212 : vector<16xf32>
        %parallel_loop3A_217 = arith.index_cast %parallel_loop3A_132 : i32 to index
        %parallel_loop3A_218 = arith.constant 0 : index
        %parallel_loop3A_219 = tpu.vector_load %arg15[%parallel_loop3A_217, %parallel_loop3A_218] {strides = array<i32>} : memref<40x128xf32, #tpu.memory_space<vmem>>, vector<16xf32>,
        tpu.vector_store %arg15[%parallel_loop3A_217, %parallel_loop3A_218], %parallel_loop3A_216 {strides = array<i32>} : memref<40x128xf32, #tpu.memory_space<vmem>>, vector<16xf32>,
        %parallel_loop3A_220 = arith.addf %parallel_loop3A_138, %parallel_loop3A_213 : vector<16xf32>
        %parallel_loop3A_221 = arith.mulf %parallel_loop3A_207, %parallel_loop3A_220 : vector<16xf32>
        %parallel_loop3A_222 = arith.subf %parallel_loop3A_221, %parallel_loop3A_213 : vector<16xf32>
        %parallel_loop3A_223 = arith.index_cast %parallel_loop3A_132 : i32 to index
        %parallel_loop3A_224 = arith.constant 16 : index
        %parallel_loop3A_225 = tpu.vector_load %arg15[%parallel_loop3A_223, %parallel_loop3A_224] {strides = array<i32>} : memref<40x128xf32, #tpu.memory_space<vmem>>, vector<16xf32>,
        tpu.vector_store %arg15[%parallel_loop3A_223, %parallel_loop3A_224], %parallel_loop3A_222 {strides = array<i32>} : memref<40x128xf32, #tpu.memory_space<vmem>>, vector<16xf32>,
        %parallel_loop3A_226 = arith.index_cast %parallel_loop3A_132 : i32 to index
        %parallel_loop3A_227 = arith.constant 80 : index
        %parallel_loop3A_228 = tpu.vector_load %arg11[%parallel_loop3A_226, %parallel_loop3A_227] {strides = array<i32>} : memref<40x128xi32, #tpu.memory_space<vmem>>, vector<16xi32>,
        %parallel_loop3A_229 = vector.bitcast %parallel_loop3A_228 : vector<16xi32> to vector<32xbf16>
        %parallel_loop3A_230 = tpu.unpack_subelements %parallel_loop3A_229, 0 {pack_format = #tpu.pack_format<interleaved>} : vector<32xbf16> -> vector<16xf32>
        %parallel_loop3A_231 = tpu.unpack_subelements %parallel_loop3A_229, 1 {pack_format = #tpu.pack_format<interleaved>} : vector<32xbf16> -> vector<16xf32>
        %parallel_loop3A_232 = arith.addf %parallel_loop3A_152, %parallel_loop3A_230 : vector<16xf32>
        %parallel_loop3A_233 = arith.mulf %parallel_loop3A_207, %parallel_loop3A_232 : vector<16xf32>
        %parallel_loop3A_234 = arith.subf %parallel_loop3A_233, %parallel_loop3A_230 : vector<16xf32>
        %parallel_loop3A_235 = arith.index_cast %parallel_loop3A_132 : i32 to index
        %parallel_loop3A_236 = arith.constant 32 : index
        %parallel_loop3A_237 = tpu.vector_load %arg15[%parallel_loop3A_235, %parallel_loop3A_236] {strides = array<i32>} : memref<40x128xf32, #tpu.memory_space<vmem>>, vector<16xf32>,
        tpu.vector_store %arg15[%parallel_loop3A_235, %parallel_loop3A_236], %parallel_loop3A_234 {strides = array<i32>} : memref<40x128xf32, #tpu.memory_space<vmem>>, vector<16xf32>,
        %parallel_loop3A_238 = arith.addf %parallel_loop3A_153, %parallel_loop3A_231 : vector<16xf32>
        %parallel_loop3A_239 = arith.mulf %parallel_loop3A_207, %parallel_loop3A_238 : vector<16xf32>
        %parallel_loop3A_240 = arith.subf %parallel_loop3A_239, %parallel_loop3A_231 : vector<16xf32>
        %parallel_loop3A_241 = arith.index_cast %parallel_loop3A_132 : i32 to index
        %parallel_loop3A_242 = arith.constant 48 : index
        %parallel_loop3A_243 = tpu.vector_load %arg15[%parallel_loop3A_241, %parallel_loop3A_242] {strides = array<i32>} : memref<40x128xf32, #tpu.memory_space<vmem>>, vector<16xf32>,
        tpu.vector_store %arg15[%parallel_loop3A_241, %parallel_loop3A_242], %parallel_loop3A_240 {strides = array<i32>} : memref<40x128xf32, #tpu.memory_space<vmem>>, vector<16xf32>,
        %parallel_loop3A_244 = arith.index_cast %parallel_loop3A_132 : i32 to index
        %parallel_loop3A_245 = arith.constant 96 : index
        %parallel_loop3A_246 = tpu.vector_load %arg11[%parallel_loop3A_244, %parallel_loop3A_245] {strides = array<i32>} : memref<40x128xi32, #tpu.memory_space<vmem>>, vector<16xi32>,
        %parallel_loop3A_247 = vector.bitcast %parallel_loop3A_246 : vector<16xi32> to vector<32xbf16>
        %parallel_loop3A_248 = tpu.unpack_subelements %parallel_loop3A_247, 0 {pack_format = #tpu.pack_format<interleaved>} : vector<32xbf16> -> vector<16xf32>
        %parallel_loop3A_249 = tpu.unpack_subelements %parallel_loop3A_247, 1 {pack_format = #tpu.pack_format<interleaved>} : vector<32xbf16> -> vector<16xf32>
        %parallel_loop3A_250 = arith.addf %parallel_loop3A_168, %parallel_loop3A_248 : vector<16xf32>
        %parallel_loop3A_251 = arith.mulf %parallel_loop3A_207, %parallel_loop3A_250 : vector<16xf32>
        %parallel_loop3A_252 = arith.subf %parallel_loop3A_251, %parallel_loop3A_248 : vector<16xf32>
        %parallel_loop3A_253 = arith.index_cast %parallel_loop3A_132 : i32 to index
        %parallel_loop3A_254 = arith.constant 64 : index
        %parallel_loop3A_255 = tpu.vector_load %arg15[%parallel_loop3A_253, %parallel_loop3A_254] {strides = array<i32>} : memref<40x128xf32, #tpu.memory_space<vmem>>, vector<16xf32>,
        tpu.vector_store %arg15[%parallel_loop3A_253, %parallel_loop3A_254], %parallel_loop3A_252 {strides = array<i32>} : memref<40x128xf32, #tpu.memory_space<vmem>>, vector<16xf32>,
        %parallel_loop3A_256 = arith.addf %parallel_loop3A_169, %parallel_loop3A_249 : vector<16xf32>
        %parallel_loop3A_257 = arith.mulf %parallel_loop3A_207, %parallel_loop3A_256 : vector<16xf32>
        %parallel_loop3A_258 = arith.subf %parallel_loop3A_257, %parallel_loop3A_249 : vector<16xf32>
        %parallel_loop3A_259 = arith.index_cast %parallel_loop3A_132 : i32 to index
        %parallel_loop3A_260 = arith.constant 80 : index
        %parallel_loop3A_261 = tpu.vector_load %arg15[%parallel_loop3A_259, %parallel_loop3A_260] {strides = array<i32>} : memref<40x128xf32, #tpu.memory_space<vmem>>, vector<16xf32>,
        tpu.vector_store %arg15[%parallel_loop3A_259, %parallel_loop3A_260], %parallel_loop3A_258 {strides = array<i32>} : memref<40x128xf32, #tpu.memory_space<vmem>>, vector<16xf32>,
        %parallel_loop3A_262 = arith.index_cast %parallel_loop3A_132 : i32 to index
        %parallel_loop3A_263 = arith.constant 112 : index
        %parallel_loop3A_264 = tpu.vector_load %arg11[%parallel_loop3A_262, %parallel_loop3A_263] {strides = array<i32>} : memref<40x128xi32, #tpu.memory_space<vmem>>, vector<16xi32>,
        %parallel_loop3A_265 = vector.bitcast %parallel_loop3A_264 : vector<16xi32> to vector<32xbf16>
        %parallel_loop3A_266 = tpu.unpack_subelements %parallel_loop3A_265, 0 {pack_format = #tpu.pack_format<interleaved>} : vector<32xbf16> -> vector<16xf32>
        %parallel_loop3A_267 = tpu.unpack_subelements %parallel_loop3A_265, 1 {pack_format = #tpu.pack_format<interleaved>} : vector<32xbf16> -> vector<16xf32>
        %parallel_loop3A_268 = arith.addf %parallel_loop3A_184, %parallel_loop3A_266 : vector<16xf32>
        %parallel_loop3A_269 = arith.mulf %parallel_loop3A_207, %parallel_loop3A_268 : vector<16xf32>
        %parallel_loop3A_270 = arith.subf %parallel_loop3A_269, %parallel_loop3A_266 : vector<16xf32>
        %parallel_loop3A_271 = arith.index_cast %parallel_loop3A_132 : i32 to index
        %parallel_loop3A_272 = arith.constant 96 : index
        %parallel_loop3A_273 = tpu.vector_load %arg15[%parallel_loop3A_271, %parallel_loop3A_272] {strides = array<i32>} : memref<40x128xf32, #tpu.memory_space<vmem>>, vector<16xf32>,
        tpu.vector_store %arg15[%parallel_loop3A_271, %parallel_loop3A_272], %parallel_loop3A_270 {strides = array<i32>} : memref<40x128xf32, #tpu.memory_space<vmem>>, vector<16xf32>,
        %parallel_loop3A_274 = arith.addf %parallel_loop3A_185, %parallel_loop3A_267 : vector<16xf32>
        %parallel_loop3A_275 = arith.mulf %parallel_loop3A_207, %parallel_loop3A_274 : vector<16xf32>
        %parallel_loop3A_276 = arith.subf %parallel_loop3A_275, %parallel_loop3A_267 : vector<16xf32>
        %parallel_loop3A_277 = arith.index_cast %parallel_loop3A_132 : i32 to index
        %parallel_loop3A_278 = arith.constant 112 : index
        %parallel_loop3A_279 = tpu.vector_load %arg15[%parallel_loop3A_277, %parallel_loop3A_278] {strides = array<i32>} : memref<40x128xf32, #tpu.memory_space<vmem>>, vector<16xf32>,
        tpu.vector_store %arg15[%parallel_loop3A_277, %parallel_loop3A_278], %parallel_loop3A_276 {strides = array<i32>} : memref<40x128xf32, #tpu.memory_space<vmem>>, vector<16xf32>,
      } {sc.loop_unroll_factor = 1 : i64, sc.parallel_access}
      %get3A_106 = arith.constant 0 : index
      %get3A_107 = tpu.vector_load %arg9[%get3A_106] {strides = array<i32>} : memref<40xi32, #tpu.memory_space<vmem>>, vector<16xi32>,
      %swap3A_108 = arith.constant 0 : index
      %swap3A_109 = tpu.vector_load %arg17[%swap3A_108] {strides = array<i32>} : memref<40xi32, #tpu.memory_space<vmem>>, vector<16xi32>,
      tpu.vector_store %arg17[%swap3A_108], %get3A_107 {strides = array<i32>} : memref<40xi32, #tpu.memory_space<vmem>>, vector<16xi32>,
      %get3A_110 = arith.constant 16 : index
      %get3A_111 = tpu.vector_load %arg9[%get3A_110] {strides = array<i32>} : memref<40xi32, #tpu.memory_space<vmem>>, vector<16xi32>,
      %swap3A_112 = arith.constant 16 : index
      %swap3A_113 = tpu.vector_load %arg17[%swap3A_112] {strides = array<i32>} : memref<40xi32, #tpu.memory_space<vmem>>, vector<16xi32>,
      tpu.vector_store %arg17[%swap3A_112], %get3A_111 {strides = array<i32>} : memref<40xi32, #tpu.memory_space<vmem>>, vector<16xi32>,
      %iota3A_114 = tpu.iota {dimensions = array<i32: 0>} : vector<16xi32>
      %add3A_115 = arith.constant 32 : i32
      %add3A_116 = vector.broadcast %add3A_115 : i32 to vector<16xi32>
      %add3A_117 = arith.addi %iota3A_114, %add3A_116 : vector<16xi32>
      %lt3A_118 = arith.constant 8 : i32
      %lt3A_119 = vector.broadcast %lt3A_118 : i32 to vector<16xi32>
      %lt3A_120 = arith.cmpi slt, %iota3A_114, %lt3A_119 : vector<16xi32>
      %gather3A_121 = tpu.vector_load_idx %arg9[%add3A_117] masked %lt3A_120 : memref<40xi32, #tpu.memory_space<vmem>>[vector<16xi32>], vector<16xi32>, vector<16xi1>
      tpu.vector_store_idx %arg17[%add3A_117], %gather3A_121 masked %lt3A_120 : memref<40xi32, #tpu.memory_space<vmem>>[vector<16xi32>], vector<16xi32>, vector<16xi1>
      %dma_start3A_122 = arith.constant 0 : i32
      %dma_start3A_123 = arith.constant 0 : i32
      %dma_start3A_124 = tpu.memref_slice %arg19[%dma_start3A_122, %dma_start3A_123] : memref<10000x128xf32, #tpu.memory_space<vmem_shared>> -> memref<10000x128xf32, #tpu.memory_space<vmem_shared>>
      tpu.enqueue_indirect_dma source(%arg15 : memref<40x128xf32, #tpu.memory_space<vmem>>) target(%dma_start3A_124 : memref<10000x128xf32, #tpu.memory_space<vmem_shared>>) offsets(%arg17 : memref<40xi32, #tpu.memory_space<vmem>>) semaphore(%arg24 : memref<!tpu.dma_semaphore, #tpu.memory_space<semaphore_mem>>) {add = true}
      %add3A_125 = arith.constant 2 : i32
      %add3A_126 = arith.addi %add3A_89, %add3A_125 : i32
      %lt3A_127 = arith.constant 250 : i32
      %lt3A_128 = arith.cmpi slt, %add3A_126, %lt3A_127 : i32
      %convert_element_type3A_129 = arith.extui %lt3A_128 : i1 to i32
      %cond3A_130 = arith.constant 0 : i32
      %cond3A_131 = arith.cmpi ne, %convert_element_type3A_129, %cond3A_130 : i32
      scf.if %cond3A_131 {
        %add3A_132 = arith.constant 2 : i32
        %add3A_133 = arith.addi %add3A_89, %add3A_132 : i32
        %mul3A_134 = arith.constant 40 : i32
        %mul3A_135 = arith.muli %add3A_133, %mul3A_134 : i32
        %add3A_136 = arith.addi %mul3A_2, %mul3A_135 : i32
        %multiple_of3A_137 = tpu.assume_multiple %add3A_136, 8 : i32
        %dma_start3A_138 = tpu.memref_slice %arg3[%multiple_of3A_137] : memref<320000xi32, #tpu.memory_space<hbm>> -> memref<40xi32, #tpu.memory_space<hbm>>
        %dma_start3A_139 = tpu.memref_slice %arg3[%multiple_of3A_137] : memref<320000xi32, #tpu.memory_space<hbm>> -> memref<40xi32, #tpu.memory_space<hbm>>
        tpu.enqueue_dma source(%dma_start3A_139 : memref<40xi32, #tpu.memory_space<hbm>>) target(%arg8 : memref<40xi32, #tpu.memory_space<vmem>>) target_semaphore(%arg20 : memref<!tpu.dma_semaphore, #tpu.memory_space<semaphore_mem>>)
        %dma_start3A_140 = tpu.memref_slice %arg4[%multiple_of3A_137] : memref<320000xi32, #tpu.memory_space<hbm>> -> memref<40xi32, #tpu.memory_space<hbm>>
        %dma_start3A_141 = tpu.memref_slice %arg4[%multiple_of3A_137] : memref<320000xi32, #tpu.memory_space<hbm>> -> memref<40xi32, #tpu.memory_space<hbm>>
        tpu.enqueue_dma source(%dma_start3A_141 : memref<40xi32, #tpu.memory_space<hbm>>) target(%arg9 : memref<40xi32, #tpu.memory_space<vmem>>) target_semaphore(%arg20 : memref<!tpu.dma_semaphore, #tpu.memory_space<semaphore_mem>>)
      } else {
      }
    }
    %scan3A_32 = arith.constant 125 : i32
    %barrier3A_33 = arith.constant 0 : index
    tpu.barrier barrier_id(%barrier3A_33)
    %mul3A_34 = arith.constant 624 : i32
    %mul3A_35 = arith.muli %arg1, %mul3A_34 : i32
    %multiple_of3A_36 = tpu.assume_multiple %mul3A_35, 8 : i32
    %mul3A_37 = arith.constant 10000 : i32
    %mul3A_38 = arith.muli %arg0, %mul3A_37 : i32
    %mul3A_39 = arith.constant 624 : i32
    %mul3A_40 = arith.muli %arg1, %mul3A_39 : i32
    %add3A_41 = arith.addi %mul3A_38, %mul3A_40 : i32
    %multiple_of3A_42 = tpu.assume_multiple %add3A_41, 8 : i32
    "tpu.region"() ({
      %run_scoped3A = tpu.sem_alloc : memref<!tpu.dma_semaphore, #tpu.memory_space<semaphore_mem>>
      %dma_start3A_48 = arith.constant 0 : i32
      %dma_start3A_49 = tpu.memref_slice %arg5[%multiple_of3A_42, %dma_start3A_48] : memref<20000x128xf32, #tpu.memory_space<hbm>> -> memref<624x128xf32, #tpu.memory_space<hbm>>
      %dma_start3A_50 = arith.constant 0 : i32
      %dma_start3A_51 = tpu.memref_slice %arg19[%multiple_of3A_36, %dma_start3A_50] : memref<10000x128xf32, #tpu.memory_space<vmem_shared>> -> memref<624x128xf32, #tpu.memory_space<vmem_shared>>
      tpu.enqueue_dma source(%dma_start3A_51 : memref<624x128xf32, #tpu.memory_space<vmem_shared>>) target(%dma_start3A_49 : memref<624x128xf32, #tpu.memory_space<hbm>>) target_semaphore(%run_scoped3A : memref<!tpu.dma_semaphore, #tpu.memory_space<semaphore_mem>>)
      %dma_wait3A = arith.constant 0 : i32
      %dma_wait3A_52 = tpu.memref_slice %arg5[%multiple_of3A_42, %dma_wait3A] : memref<20000x128xf32, #tpu.memory_space<hbm>> -> memref<624x128xf32, #tpu.memory_space<hbm>>
      %dma_wait3A_53 = arith.constant 0 : i32
      %dma_wait3A_54 = tpu.memref_slice %arg19[%multiple_of3A_36, %dma_wait3A_53] : memref<10000x128xf32, #tpu.memory_space<vmem_shared>> -> memref<624x128xf32, #tpu.memory_space<vmem_shared>>
      tpu.wait_dma2 semaphore(%run_scoped3A : memref<!tpu.dma_semaphore, #tpu.memory_space<semaphore_mem>>) src(%dma_wait3A_54 : memref<624x128xf32, #tpu.memory_space<vmem_shared>>) dst(%dma_wait3A_52 : memref<624x128xf32, #tpu.memory_space<hbm>>)
      tpu.yield
    }) : () -> ()
    %eq3A_43 = arith.constant 15 : i32
    %eq3A_44 = arith.cmpi eq, %arg1, %eq3A_43 : i32
    %convert_element_type3A_45 = arith.extui %eq3A_44 : i1 to i32
    %cond3A_46 = arith.constant 0 : i32
    %cond3A_47 = arith.cmpi ne, %convert_element_type3A_45, %cond3A_46 : i32
    scf.if %cond3A_47 {
      %mul3A_48 = arith.constant 10000 : i32
      %mul3A_49 = arith.muli %arg0, %mul3A_48 : i32
      %add3A_50 = arith.constant 9984 : i32
      %add3A_51 = arith.addi %mul3A_49, %add3A_50 : i32
      %multiple_of3A_52 = tpu.assume_multiple %add3A_51, 8 : i32
      "tpu.region"() ({
        %run_scoped3A = tpu.sem_alloc : memref<!tpu.dma_semaphore, #tpu.memory_space<semaphore_mem>>
        %dma_start3A_53 = arith.constant 0 : i32
        %dma_start3A_54 = tpu.memref_slice %arg5[%multiple_of3A_52, %dma_start3A_53] : memref<20000x128xf32, #tpu.memory_space<hbm>> -> memref<16x128xf32, #tpu.memory_space<hbm>>
        %dma_start3A_55 = arith.constant 9984 : i32
        %dma_start3A_56 = arith.constant 0 : i32
        %dma_start3A_57 = tpu.memref_slice %arg19[%dma_start3A_55, %dma_start3A_56] : memref<10000x128xf32, #tpu.memory_space<vmem_shared>> -> memref<16x128xf32, #tpu.memory_space<vmem_shared>>
        tpu.enqueue_dma source(%dma_start3A_57 : memref<16x128xf32, #tpu.memory_space<vmem_shared>>) target(%dma_start3A_54 : memref<16x128xf32, #tpu.memory_space<hbm>>) target_semaphore(%run_scoped3A : memref<!tpu.dma_semaphore, #tpu.memory_space<semaphore_mem>>)
        %dma_wait3A = arith.constant 0 : i32
        %dma_wait3A_58 = tpu.memref_slice %arg5[%multiple_of3A_52, %dma_wait3A] : memref<20000x128xf32, #tpu.memory_space<hbm>> -> memref<16x128xf32, #tpu.memory_space<hbm>>
        %dma_wait3A_59 = arith.constant 9984 : i32
        %dma_wait3A_60 = arith.constant 0 : i32
        %dma_wait3A_61 = tpu.memref_slice %arg19[%dma_wait3A_59, %dma_wait3A_60] : memref<10000x128xf32, #tpu.memory_space<vmem_shared>> -> memref<16x128xf32, #tpu.memory_space<vmem_shared>>
        tpu.wait_dma2 semaphore(%run_scoped3A : memref<!tpu.dma_semaphore, #tpu.memory_space<semaphore_mem>>) src(%dma_wait3A_61 : memref<16x128xf32, #tpu.memory_space<vmem_shared>>) dst(%dma_wait3A_58 : memref<16x128xf32, #tpu.memory_space<hbm>>)
        tpu.yield
      }) : () -> ()
    } else {
    }
    return
  }
}

#map = affine_map<(d0, d1) -> (0, 0)>
#map1 = affine_map<(d0, d1) -> (0)>
module attributes {stable_mosaic.version = 14 : i64} {
  func.func @_sc_edge(%arg0: i32, %arg1: i32, %arg2: memref<10000x128xi32, #tpu.memory_space<hbm>>, %arg3: memref<320000xi32, #tpu.memory_space<hbm>>, %arg4: memref<320000xi32, #tpu.memory_space<hbm>>, %arg5: memref<20000x128xf32, #tpu.memory_space<hbm>>, %arg6: memref<40xi32, #tpu.memory_space<vmem>>, %arg7: memref<40xi32, #tpu.memory_space<vmem>>, %arg8: memref<40xi32, #tpu.memory_space<vmem>>, %arg9: memref<40xi32, #tpu.memory_space<vmem>>, %arg10: memref<40x128xi32, #tpu.memory_space<vmem>>, %arg11: memref<40x128xi32, #tpu.memory_space<vmem>>, %arg12: memref<40x128xi32, #tpu.memory_space<vmem>>, %arg13: memref<40x128xi32, #tpu.memory_space<vmem>>, %arg14: memref<40x128xf32, #tpu.memory_space<vmem>>, %arg15: memref<40x128xf32, #tpu.memory_space<vmem>>, %arg16: memref<40xi32, #tpu.memory_space<vmem>>, %arg17: memref<40xi32, #tpu.memory_space<vmem>>, %arg18: memref<16x128xf32, #tpu.memory_space<vmem>>, %arg19: memref<10000x128xf32, #tpu.memory_space<vmem_shared>>, %arg20: memref<!tpu.dma_semaphore, #tpu.memory_space<semaphore_mem>>, %arg21: memref<!tpu.dma_semaphore, #tpu.memory_space<semaphore_mem>>, %arg22: memref<!tpu.dma_semaphore, #tpu.memory_space<semaphore_mem>>, %arg23: memref<!tpu.dma_semaphore, #tpu.memory_space<semaphore_mem>>, %arg24: memref<!tpu.dma_semaphore, #tpu.memory_space<semaphore_mem>>) attributes {dimension_semantics = [#tpu.dimension_semantics<core_parallel>, #tpu.dimension_semantics<subcore_parallel>], iteration_bounds = array<i64: 2, 16>, scalar_prefetch = 0 : i64, scratch_operands = 19 : i64, tpu.core_type = #tpu.core_type<sc_vector_subcore>, window_params = [{transform_indices = #map}, {transform_indices = #map1}, {transform_indices = #map1}, {transform_indices = #map}]} {
    %mul3A = arith.constant 16 : i32
    %mul3A_0 = arith.muli %arg0, %mul3A : i32
    %add3A = arith.addi %mul3A_0, %arg1 : i32
    %mul3A_1 = arith.constant 10000 : i32
    %mul3A_2 = arith.muli %add3A, %mul3A_1 : i32
    %scan3A = arith.constant 0 : i32
    %scan3A_3 = arith.constant 16 : i32
    %scan3A_4 = arith.addi %scan3A, %scan3A_3 : i32
    %scan3A_5 = arith.constant 1 : i32
    scf.for %scan3A_48 = %scan3A to %scan3A_4 step %scan3A_5  : i32 {
      %mul3A_49 = arith.constant 1 : i32
      %mul3A_50 = arith.muli %scan3A_48, %mul3A_49 : i32
      %add3A_51 = arith.constant 0 : i32
      %add3A_52 = arith.addi %add3A_51, %mul3A_50 : i32
      %broadcast_in_dim3A = arith.constant 0.000000e+00 : f32
      %broadcast_in_dim3A_53 = vector.broadcast %broadcast_in_dim3A : f32 to vector<16xf32>
      %swap3A = arith.index_cast %add3A_52 : i32 to index
      %swap3A_54 = arith.constant 0 : index
      %swap3A_55 = tpu.vector_load %arg18[%swap3A, %swap3A_54] {strides = array<i32>} : memref<16x128xf32, #tpu.memory_space<vmem>>, vector<16xf32>,
      tpu.vector_store %arg18[%swap3A, %swap3A_54], %broadcast_in_dim3A_53 {strides = array<i32>} : memref<16x128xf32, #tpu.memory_space<vmem>>, vector<16xf32>,
      %broadcast_in_dim3A_56 = arith.constant 0.000000e+00 : f32
      %broadcast_in_dim3A_57 = vector.broadcast %broadcast_in_dim3A_56 : f32 to vector<16xf32>
      %swap3A_58 = arith.index_cast %add3A_52 : i32 to index
      %swap3A_59 = arith.constant 16 : index
      %swap3A_60 = tpu.vector_load %arg18[%swap3A_58, %swap3A_59] {strides = array<i32>} : memref<16x128xf32, #tpu.memory_space<vmem>>, vector<16xf32>,
      tpu.vector_store %arg18[%swap3A_58, %swap3A_59], %broadcast_in_dim3A_57 {strides = array<i32>} : memref<16x128xf32, #tpu.memory_space<vmem>>, vector<16xf32>,
      %broadcast_in_dim3A_61 = arith.constant 0.000000e+00 : f32
      %broadcast_in_dim3A_62 = vector.broadcast %broadcast_in_dim3A_61 : f32 to vector<16xf32>
      %swap3A_63 = arith.index_cast %add3A_52 : i32 to index
      %swap3A_64 = arith.constant 32 : index
      %swap3A_65 = tpu.vector_load %arg18[%swap3A_63, %swap3A_64] {strides = array<i32>} : memref<16x128xf32, #tpu.memory_space<vmem>>, vector<16xf32>,
      tpu.vector_store %arg18[%swap3A_63, %swap3A_64], %broadcast_in_dim3A_62 {strides = array<i32>} : memref<16x128xf32, #tpu.memory_space<vmem>>, vector<16xf32>,
      %broadcast_in_dim3A_66 = arith.constant 0.000000e+00 : f32
      %broadcast_in_dim3A_67 = vector.broadcast %broadcast_in_dim3A_66 : f32 to vector<16xf32>
      %swap3A_68 = arith.index_cast %add3A_52 : i32 to index
      %swap3A_69 = arith.constant 48 : index
      %swap3A_70 = tpu.vector_load %arg18[%swap3A_68, %swap3A_69] {strides = array<i32>} : memref<16x128xf32, #tpu.memory_space<vmem>>, vector<16xf32>,
      tpu.vector_store %arg18[%swap3A_68, %swap3A_69], %broadcast_in_dim3A_67 {strides = array<i32>} : memref<16x128xf32, #tpu.memory_space<vmem>>, vector<16xf32>,
      %broadcast_in_dim3A_71 = arith.constant 0.000000e+00 : f32
      %broadcast_in_dim3A_72 = vector.broadcast %broadcast_in_dim3A_71 : f32 to vector<16xf32>
      %swap3A_73 = arith.index_cast %add3A_52 : i32 to index
      %swap3A_74 = arith.constant 64 : index
      %swap3A_75 = tpu.vector_load %arg18[%swap3A_73, %swap3A_74] {strides = array<i32>} : memref<16x128xf32, #tpu.memory_space<vmem>>, vector<16xf32>,
      tpu.vector_store %arg18[%swap3A_73, %swap3A_74], %broadcast_in_dim3A_72 {strides = array<i32>} : memref<16x128xf32, #tpu.memory_space<vmem>>, vector<16xf32>,
      %broadcast_in_dim3A_76 = arith.constant 0.000000e+00 : f32
      %broadcast_in_dim3A_77 = vector.broadcast %broadcast_in_dim3A_76 : f32 to vector<16xf32>
      %swap3A_78 = arith.index_cast %add3A_52 : i32 to index
      %swap3A_79 = arith.constant 80 : index
      %swap3A_80 = tpu.vector_load %arg18[%swap3A_78, %swap3A_79] {strides = array<i32>} : memref<16x128xf32, #tpu.memory_space<vmem>>, vector<16xf32>,
      tpu.vector_store %arg18[%swap3A_78, %swap3A_79], %broadcast_in_dim3A_77 {strides = array<i32>} : memref<16x128xf32, #tpu.memory_space<vmem>>, vector<16xf32>,
      %broadcast_in_dim3A_81 = arith.constant 0.000000e+00 : f32
      %broadcast_in_dim3A_82 = vector.broadcast %broadcast_in_dim3A_81 : f32 to vector<16xf32>
      %swap3A_83 = arith.index_cast %add3A_52 : i32 to index
      %swap3A_84 = arith.constant 96 : index
      %swap3A_85 = tpu.vector_load %arg18[%swap3A_83, %swap3A_84] {strides = array<i32>} : memref<16x128xf32, #tpu.memory_space<vmem>>, vector<16xf32>,
      tpu.vector_store %arg18[%swap3A_83, %swap3A_84], %broadcast_in_dim3A_82 {strides = array<i32>} : memref<16x128xf32, #tpu.memory_space<vmem>>, vector<16xf32>,
      %broadcast_in_dim3A_86 = arith.constant 0.000000e+00 : f32
      %broadcast_in_dim3A_87 = vector.broadcast %broadcast_in_dim3A_86 : f32 to vector<16xf32>
      %swap3A_88 = arith.index_cast %add3A_52 : i32 to index
      %swap3A_89 = arith.constant 112 : index
      %swap3A_90 = tpu.vector_load %arg18[%swap3A_88, %swap3A_89] {strides = array<i32>} : memref<16x128xf32, #tpu.memory_space<vmem>>, vector<16xf32>,
      tpu.vector_store %arg18[%swap3A_88, %swap3A_89], %broadcast_in_dim3A_87 {strides = array<i32>} : memref<16x128xf32, #tpu.memory_space<vmem>>, vector<16xf32>,
    }
    %scan3A_6 = arith.constant 16 : i32
    %scan3A_7 = arith.constant 0 : i32
    %scan3A_8 = arith.constant 39 : i32
    %scan3A_9 = arith.addi %scan3A_7, %scan3A_8 : i32
    %scan3A_10 = arith.constant 1 : i32
    scf.for %scan3A_48 = %scan3A_7 to %scan3A_9 step %scan3A_10  : i32 {
      %mul3A_49 = arith.constant 1 : i32
      %mul3A_50 = arith.muli %scan3A_48, %mul3A_49 : i32
      %add3A_51 = arith.constant 0 : i32
      %add3A_52 = arith.addi %add3A_51, %mul3A_50 : i32
      %mul3A_53 = arith.constant 624 : i32
      %mul3A_54 = arith.muli %arg1, %mul3A_53 : i32
      %mul3A_55 = arith.constant 16 : i32
      %mul3A_56 = arith.muli %add3A_52, %mul3A_55 : i32
      %add3A_57 = arith.addi %mul3A_54, %mul3A_56 : i32
      %multiple_of3A_58 = tpu.assume_multiple %add3A_57, 8 : i32
      "tpu.region"() ({
        %run_scoped3A = tpu.sem_alloc : memref<!tpu.dma_semaphore, #tpu.memory_space<semaphore_mem>>
        %dma_start3A_59 = arith.constant 0 : i32
        %dma_start3A_60 = tpu.memref_slice %arg19[%multiple_of3A_58, %dma_start3A_59] : memref<10000x128xf32, #tpu.memory_space<vmem_shared>> -> memref<16x128xf32, #tpu.memory_space<vmem_shared>>
        %dma_start3A_61 = arith.constant 0 : i32
        %dma_start3A_62 = tpu.memref_slice %arg19[%multiple_of3A_58, %dma_start3A_61] : memref<10000x128xf32, #tpu.memory_space<vmem_shared>> -> memref<16x128xf32, #tpu.memory_space<vmem_shared>>
        tpu.enqueue_dma source(%arg18 : memref<16x128xf32, #tpu.memory_space<vmem>>) target(%dma_start3A_62 : memref<16x128xf32, #tpu.memory_space<vmem_shared>>) target_semaphore(%run_scoped3A : memref<!tpu.dma_semaphore, #tpu.memory_space<semaphore_mem>>)
        %dma_wait3A = arith.constant 0 : i32
        %dma_wait3A_63 = tpu.memref_slice %arg19[%multiple_of3A_58, %dma_wait3A] : memref<10000x128xf32, #tpu.memory_space<vmem_shared>> -> memref<16x128xf32, #tpu.memory_space<vmem_shared>>
        %dma_wait3A_64 = arith.constant 0 : i32
        %dma_wait3A_65 = tpu.memref_slice %arg19[%multiple_of3A_58, %dma_wait3A_64] : memref<10000x128xf32, #tpu.memory_space<vmem_shared>> -> memref<16x128xf32, #tpu.memory_space<vmem_shared>>
        tpu.wait_dma2 semaphore(%run_scoped3A : memref<!tpu.dma_semaphore, #tpu.memory_space<semaphore_mem>>) src(%arg18 : memref<16x128xf32, #tpu.memory_space<vmem>>) dst(%dma_wait3A_65 : memref<16x128xf32, #tpu.memory_space<vmem_shared>>)
        tpu.yield
      }) : () -> ()
    }
    %scan3A_11 = arith.constant 39 : i32
    %eq3A = arith.constant 15 : i32
    %eq3A_12 = arith.cmpi eq, %arg1, %eq3A : i32
    %convert_element_type3A = arith.extui %eq3A_12 : i1 to i32
    %cond3A = arith.constant 0 : i32
    %cond3A_13 = arith.cmpi ne, %convert_element_type3A, %cond3A : i32
    scf.if %cond3A_13 {
      "tpu.region"() ({
        %run_scoped3A = tpu.sem_alloc : memref<!tpu.dma_semaphore, #tpu.memory_space<semaphore_mem>>
        %dma_start3A_48 = arith.constant 0 : i32
        %dma_start3A_49 = arith.constant 0 : i32
        %dma_start3A_50 = tpu.memref_slice %arg18[%dma_start3A_48, %dma_start3A_49] : memref<16x128xf32, #tpu.memory_space<vmem>> -> memref<16x128xf32, #tpu.memory_space<vmem>>
        %dma_start3A_51 = arith.constant 9984 : i32
        %dma_start3A_52 = arith.constant 0 : i32
        %dma_start3A_53 = tpu.memref_slice %arg19[%dma_start3A_51, %dma_start3A_52] : memref<10000x128xf32, #tpu.memory_space<vmem_shared>> -> memref<16x128xf32, #tpu.memory_space<vmem_shared>>
        %dma_start3A_54 = arith.constant 9984 : i32
        %dma_start3A_55 = arith.constant 0 : i32
        %dma_start3A_56 = tpu.memref_slice %arg19[%dma_start3A_54, %dma_start3A_55] : memref<10000x128xf32, #tpu.memory_space<vmem_shared>> -> memref<16x128xf32, #tpu.memory_space<vmem_shared>>
        %dma_start3A_57 = arith.constant 0 : i32
        %dma_start3A_58 = arith.constant 0 : i32
        %dma_start3A_59 = tpu.memref_slice %arg18[%dma_start3A_57, %dma_start3A_58] : memref<16x128xf32, #tpu.memory_space<vmem>> -> memref<16x128xf32, #tpu.memory_space<vmem>>
        tpu.enqueue_dma source(%dma_start3A_59 : memref<16x128xf32, #tpu.memory_space<vmem>>) target(%dma_start3A_56 : memref<16x128xf32, #tpu.memory_space<vmem_shared>>) target_semaphore(%run_scoped3A : memref<!tpu.dma_semaphore, #tpu.memory_space<semaphore_mem>>)
        %dma_wait3A = arith.constant 0 : i32
        %dma_wait3A_60 = arith.constant 0 : i32
        %dma_wait3A_61 = tpu.memref_slice %arg18[%dma_wait3A, %dma_wait3A_60] : memref<16x128xf32, #tpu.memory_space<vmem>> -> memref<16x128xf32, #tpu.memory_space<vmem>>
        %dma_wait3A_62 = arith.constant 9984 : i32
        %dma_wait3A_63 = arith.constant 0 : i32
        %dma_wait3A_64 = tpu.memref_slice %arg19[%dma_wait3A_62, %dma_wait3A_63] : memref<10000x128xf32, #tpu.memory_space<vmem_shared>> -> memref<16x128xf32, #tpu.memory_space<vmem_shared>>
        %dma_wait3A_65 = arith.constant 9984 : i32
        %dma_wait3A_66 = arith.constant 0 : i32
        %dma_wait3A_67 = tpu.memref_slice %arg19[%dma_wait3A_65, %dma_wait3A_66] : memref<10000x128xf32, #tpu.memory_space<vmem_shared>> -> memref<16x128xf32, #tpu.memory_space<vmem_shared>>
        %dma_wait3A_68 = arith.constant 0 : i32
        %dma_wait3A_69 = arith.constant 0 : i32
        %dma_wait3A_70 = tpu.memref_slice %arg18[%dma_wait3A_68, %dma_wait3A_69] : memref<16x128xf32, #tpu.memory_space<vmem>> -> memref<16x128xf32, #tpu.memory_space<vmem>>
        tpu.wait_dma2 semaphore(%run_scoped3A : memref<!tpu.dma_semaphore, #tpu.memory_space<semaphore_mem>>) src(%dma_wait3A_70 : memref<16x128xf32, #tpu.memory_space<vmem>>) dst(%dma_wait3A_67 : memref<16x128xf32, #tpu.memory_space<vmem_shared>>)
        tpu.yield
      }) : () -> ()
    } else {
    }
    %barrier3A = arith.constant 0 : index
    tpu.barrier barrier_id(%barrier3A)
    %add3A_14 = arith.constant 0 : i32
    %add3A_15 = arith.addi %mul3A_2, %add3A_14 : i32
    %multiple_of3A = tpu.assume_multiple %add3A_15, 8 : i32
    "tpu.region"() ({
      %run_scoped3A = tpu.sem_alloc : memref<!tpu.dma_semaphore, #tpu.memory_space<semaphore_mem>>
      %dma_start3A_48 = tpu.memref_slice %arg3[%multiple_of3A] : memref<320000xi32, #tpu.memory_space<hbm>> -> memref<40xi32, #tpu.memory_space<hbm>>
      %dma_start3A_49 = tpu.memref_slice %arg3[%multiple_of3A] : memref<320000xi32, #tpu.memory_space<hbm>> -> memref<40xi32, #tpu.memory_space<hbm>>
      tpu.enqueue_dma source(%dma_start3A_49 : memref<40xi32, #tpu.memory_space<hbm>>) target(%arg6 : memref<40xi32, #tpu.memory_space<vmem>>) target_semaphore(%run_scoped3A : memref<!tpu.dma_semaphore, #tpu.memory_space<semaphore_mem>>)
      %dma_wait3A = tpu.memref_slice %arg3[%multiple_of3A] : memref<320000xi32, #tpu.memory_space<hbm>> -> memref<40xi32, #tpu.memory_space<hbm>>
      %dma_wait3A_50 = tpu.memref_slice %arg3[%multiple_of3A] : memref<320000xi32, #tpu.memory_space<hbm>> -> memref<40xi32, #tpu.memory_space<hbm>>
      tpu.wait_dma2 semaphore(%run_scoped3A : memref<!tpu.dma_semaphore, #tpu.memory_space<semaphore_mem>>) src(%dma_wait3A_50 : memref<40xi32, #tpu.memory_space<hbm>>) dst(%arg6 : memref<40xi32, #tpu.memory_space<vmem>>)
      tpu.yield
    }) : () -> ()
    "tpu.region"() ({
      %run_scoped3A = tpu.sem_alloc : memref<!tpu.dma_semaphore, #tpu.memory_space<semaphore_mem>>
      %dma_start3A_48 = tpu.memref_slice %arg4[%multiple_of3A] : memref<320000xi32, #tpu.memory_space<hbm>> -> memref<40xi32, #tpu.memory_space<hbm>>
      %dma_start3A_49 = tpu.memref_slice %arg4[%multiple_of3A] : memref<320000xi32, #tpu.memory_space<hbm>> -> memref<40xi32, #tpu.memory_space<hbm>>
      tpu.enqueue_dma source(%dma_start3A_49 : memref<40xi32, #tpu.memory_space<hbm>>) target(%arg7 : memref<40xi32, #tpu.memory_space<vmem>>) target_semaphore(%run_scoped3A : memref<!tpu.dma_semaphore, #tpu.memory_space<semaphore_mem>>)
      %dma_wait3A = tpu.memref_slice %arg4[%multiple_of3A] : memref<320000xi32, #tpu.memory_space<hbm>> -> memref<40xi32, #tpu.memory_space<hbm>>
      %dma_wait3A_50 = tpu.memref_slice %arg4[%multiple_of3A] : memref<320000xi32, #tpu.memory_space<hbm>> -> memref<40xi32, #tpu.memory_space<hbm>>
      tpu.wait_dma2 semaphore(%run_scoped3A : memref<!tpu.dma_semaphore, #tpu.memory_space<semaphore_mem>>) src(%dma_wait3A_50 : memref<40xi32, #tpu.memory_space<hbm>>) dst(%arg7 : memref<40xi32, #tpu.memory_space<vmem>>)
      tpu.yield
    }) : () -> ()
    %dma_start3A = arith.constant 0 : i32
    %dma_start3A_16 = arith.constant 0 : i32
    %dma_start3A_17 = tpu.memref_slice %arg2[%dma_start3A, %dma_start3A_16] : memref<10000x128xi32, #tpu.memory_space<hbm>> -> memref<10000x128xi32, #tpu.memory_space<hbm>>
    tpu.enqueue_indirect_dma source(%dma_start3A_17 : memref<10000x128xi32, #tpu.memory_space<hbm>>) target(%arg10 : memref<40x128xi32, #tpu.memory_space<vmem>>) offsets(%arg6 : memref<40xi32, #tpu.memory_space<vmem>>) semaphore(%arg21 : memref<!tpu.dma_semaphore, #tpu.memory_space<semaphore_mem>>)
    %dma_start3A_18 = arith.constant 0 : i32
    %dma_start3A_19 = arith.constant 0 : i32
    %dma_start3A_20 = tpu.memref_slice %arg2[%dma_start3A_18, %dma_start3A_19] : memref<10000x128xi32, #tpu.memory_space<hbm>> -> memref<10000x128xi32, #tpu.memory_space<hbm>>
    tpu.enqueue_indirect_dma source(%dma_start3A_20 : memref<10000x128xi32, #tpu.memory_space<hbm>>) target(%arg12 : memref<40x128xi32, #tpu.memory_space<vmem>>) offsets(%arg7 : memref<40xi32, #tpu.memory_space<vmem>>) semaphore(%arg21 : memref<!tpu.dma_semaphore, #tpu.memory_space<semaphore_mem>>)
    %add3A_21 = arith.constant 40 : i32
    %add3A_22 = arith.addi %mul3A_2, %add3A_21 : i32
    %multiple_of3A_23 = tpu.assume_multiple %add3A_22, 8 : i32
    %dma_start3A_24 = tpu.memref_slice %arg3[%multiple_of3A_23] : memref<320000xi32, #tpu.memory_space<hbm>> -> memref<40xi32, #tpu.memory_space<hbm>>
    %dma_start3A_25 = tpu.memref_slice %arg3[%multiple_of3A_23] : memref<320000xi32, #tpu.memory_space<hbm>> -> memref<40xi32, #tpu.memory_space<hbm>>
    tpu.enqueue_dma source(%dma_start3A_25 : memref<40xi32, #tpu.memory_space<hbm>>) target(%arg8 : memref<40xi32, #tpu.memory_space<vmem>>) target_semaphore(%arg20 : memref<!tpu.dma_semaphore, #tpu.memory_space<semaphore_mem>>)
    %dma_start3A_26 = tpu.memref_slice %arg4[%multiple_of3A_23] : memref<320000xi32, #tpu.memory_space<hbm>> -> memref<40xi32, #tpu.memory_space<hbm>>
    %dma_start3A_27 = tpu.memref_slice %arg4[%multiple_of3A_23] : memref<320000xi32, #tpu.memory_space<hbm>> -> memref<40xi32, #tpu.memory_space<hbm>>
    tpu.enqueue_dma source(%dma_start3A_27 : memref<40xi32, #tpu.memory_space<hbm>>) target(%arg9 : memref<40xi32, #tpu.memory_space<vmem>>) target_semaphore(%arg20 : memref<!tpu.dma_semaphore, #tpu.memory_space<semaphore_mem>>)
    %scan3A_28 = arith.constant 0 : i32
    %scan3A_29 = arith.constant 125 : i32
    %scan3A_30 = arith.addi %scan3A_28, %scan3A_29 : i32
    %scan3A_31 = arith.constant 1 : i32
    scf.for %scan3A_48 = %scan3A_28 to %scan3A_30 step %scan3A_31  : i32 {
      %mul3A_49 = arith.constant 2 : i32
      %mul3A_50 = arith.muli %scan3A_48, %mul3A_49 : i32
      %add3A_51 = arith.constant 0 : i32
      %add3A_52 = arith.addi %add3A_51, %mul3A_50 : i32
      %add3A_53 = arith.constant 1 : i32
      %add3A_54 = arith.addi %add3A_52, %add3A_53 : i32
      %lt3A = arith.constant 250 : i32
      %lt3A_55 = arith.cmpi slt, %add3A_54, %lt3A : i32
      %convert_element_type3A_56 = arith.extui %lt3A_55 : i1 to i32
      %cond3A_57 = arith.constant 0 : i32
      %cond3A_58 = arith.cmpi ne, %convert_element_type3A_56, %cond3A_57 : i32
      scf.if %cond3A_58 {
        %multiple_of3A_132 = tpu.assume_multiple %mul3A_2, 8 : i32
        %dma_wait3A_133 = tpu.memref_slice %arg3[%multiple_of3A_132] : memref<320000xi32, #tpu.memory_space<hbm>> -> memref<40xi32, #tpu.memory_space<hbm>>
        %dma_wait3A_134 = tpu.memref_slice %arg3[%multiple_of3A_132] : memref<320000xi32, #tpu.memory_space<hbm>> -> memref<40xi32, #tpu.memory_space<hbm>>
        tpu.wait_dma2 semaphore(%arg20 : memref<!tpu.dma_semaphore, #tpu.memory_space<semaphore_mem>>) src(%dma_wait3A_134 : memref<40xi32, #tpu.memory_space<hbm>>) dst(%arg8 : memref<40xi32, #tpu.memory_space<vmem>>)
        %dma_wait3A_135 = tpu.memref_slice %arg4[%multiple_of3A_132] : memref<320000xi32, #tpu.memory_space<hbm>> -> memref<40xi32, #tpu.memory_space<hbm>>
        %dma_wait3A_136 = tpu.memref_slice %arg4[%multiple_of3A_132] : memref<320000xi32, #tpu.memory_space<hbm>> -> memref<40xi32, #tpu.memory_space<hbm>>
        tpu.wait_dma2 semaphore(%arg20 : memref<!tpu.dma_semaphore, #tpu.memory_space<semaphore_mem>>) src(%dma_wait3A_136 : memref<40xi32, #tpu.memory_space<hbm>>) dst(%arg9 : memref<40xi32, #tpu.memory_space<vmem>>)
        %dma_start3A_137 = arith.constant 0 : i32
        %dma_start3A_138 = arith.constant 0 : i32
        %dma_start3A_139 = tpu.memref_slice %arg2[%dma_start3A_137, %dma_start3A_138] : memref<10000x128xi32, #tpu.memory_space<hbm>> -> memref<10000x128xi32, #tpu.memory_space<hbm>>
        tpu.enqueue_indirect_dma source(%dma_start3A_139 : memref<10000x128xi32, #tpu.memory_space<hbm>>) target(%arg11 : memref<40x128xi32, #tpu.memory_space<vmem>>) offsets(%arg8 : memref<40xi32, #tpu.memory_space<vmem>>) semaphore(%arg22 : memref<!tpu.dma_semaphore, #tpu.memory_space<semaphore_mem>>)
        %dma_start3A_140 = arith.constant 0 : i32
        %dma_start3A_141 = arith.constant 0 : i32
        %dma_start3A_142 = tpu.memref_slice %arg2[%dma_start3A_140, %dma_start3A_141] : memref<10000x128xi32, #tpu.memory_space<hbm>> -> memref<10000x128xi32, #tpu.memory_space<hbm>>
        tpu.enqueue_indirect_dma source(%dma_start3A_142 : memref<10000x128xi32, #tpu.memory_space<hbm>>) target(%arg13 : memref<40x128xi32, #tpu.memory_space<vmem>>) offsets(%arg9 : memref<40xi32, #tpu.memory_space<vmem>>) semaphore(%arg22 : memref<!tpu.dma_semaphore, #tpu.memory_space<semaphore_mem>>)
      } else {
      }
      %dma_wait3A = arith.constant 0 : i32
      %dma_wait3A_59 = arith.constant 0 : i32
      %dma_wait3A_60 = tpu.memref_slice %arg2[%dma_wait3A, %dma_wait3A_59] : memref<10000x128xi32, #tpu.memory_space<hbm>> -> memref<10000x128xi32, #tpu.memory_space<hbm>>
      tpu.wait_indirect_dma semaphore(%arg21 : memref<!tpu.dma_semaphore, #tpu.memory_space<semaphore_mem>>) src(%dma_wait3A_60 : memref<10000x128xi32, #tpu.memory_space<hbm>>) dst(%arg10 : memref<40x128xi32, #tpu.memory_space<vmem>>)
      %dma_wait3A_61 = arith.constant 0 : i32
      %dma_wait3A_62 = arith.constant 0 : i32
      %dma_wait3A_63 = tpu.memref_slice %arg2[%dma_wait3A_61, %dma_wait3A_62] : memref<10000x128xi32, #tpu.memory_space<hbm>> -> memref<10000x128xi32, #tpu.memory_space<hbm>>
      tpu.wait_indirect_dma semaphore(%arg21 : memref<!tpu.dma_semaphore, #tpu.memory_space<semaphore_mem>>) src(%dma_wait3A_63 : memref<10000x128xi32, #tpu.memory_space<hbm>>) dst(%arg12 : memref<40x128xi32, #tpu.memory_space<vmem>>)
      %parallel_loop3A = arith.constant 0 : i32
      %parallel_loop3A_64 = arith.constant 40 : i32
      %parallel_loop3A_65 = arith.constant 1 : i32
      scf.for %parallel_loop3A_132 = %parallel_loop3A to %parallel_loop3A_64 step %parallel_loop3A_65  : i32 {
        %parallel_loop3A_133 = arith.index_cast %parallel_loop3A_132 : i32 to index
        %parallel_loop3A_134 = arith.constant 0 : index
        %parallel_loop3A_135 = tpu.vector_load %arg10[%parallel_loop3A_133, %parallel_loop3A_134] {strides = array<i32>} : memref<40x128xi32, #tpu.memory_space<vmem>>, vector<16xi32>,
        %parallel_loop3A_136 = vector.bitcast %parallel_loop3A_135 : vector<16xi32> to vector<32xbf16>
        %parallel_loop3A_137 = tpu.unpack_subelements %parallel_loop3A_136, 0 {pack_format = #tpu.pack_format<interleaved>} : vector<32xbf16> -> vector<16xf32>
        %parallel_loop3A_138 = tpu.unpack_subelements %parallel_loop3A_136, 1 {pack_format = #tpu.pack_format<interleaved>} : vector<32xbf16> -> vector<16xf32>
        %parallel_loop3A_139 = arith.index_cast %parallel_loop3A_132 : i32 to index
        %parallel_loop3A_140 = arith.constant 64 : index
        %parallel_loop3A_141 = tpu.vector_load %arg12[%parallel_loop3A_139, %parallel_loop3A_140] {strides = array<i32>} : memref<40x128xi32, #tpu.memory_space<vmem>>, vector<16xi32>,
        %parallel_loop3A_142 = vector.bitcast %parallel_loop3A_141 : vector<16xi32> to vector<32xbf16>
        %parallel_loop3A_143 = tpu.unpack_subelements %parallel_loop3A_142, 0 {pack_format = #tpu.pack_format<interleaved>} : vector<32xbf16> -> vector<16xf32>
        %parallel_loop3A_144 = tpu.unpack_subelements %parallel_loop3A_142, 1 {pack_format = #tpu.pack_format<interleaved>} : vector<32xbf16> -> vector<16xf32>
        %parallel_loop3A_145 = arith.mulf %parallel_loop3A_137, %parallel_loop3A_143 : vector<16xf32>
        %parallel_loop3A_146 = arith.mulf %parallel_loop3A_138, %parallel_loop3A_144 : vector<16xf32>
        %parallel_loop3A_147 = arith.addf %parallel_loop3A_145, %parallel_loop3A_146 : vector<16xf32>
        %parallel_loop3A_148 = arith.index_cast %parallel_loop3A_132 : i32 to index
        %parallel_loop3A_149 = arith.constant 16 : index
        %parallel_loop3A_150 = tpu.vector_load %arg10[%parallel_loop3A_148, %parallel_loop3A_149] {strides = array<i32>} : memref<40x128xi32, #tpu.memory_space<vmem>>, vector<16xi32>,
        %parallel_loop3A_151 = vector.bitcast %parallel_loop3A_150 : vector<16xi32> to vector<32xbf16>
        %parallel_loop3A_152 = tpu.unpack_subelements %parallel_loop3A_151, 0 {pack_format = #tpu.pack_format<interleaved>} : vector<32xbf16> -> vector<16xf32>
        %parallel_loop3A_153 = tpu.unpack_subelements %parallel_loop3A_151, 1 {pack_format = #tpu.pack_format<interleaved>} : vector<32xbf16> -> vector<16xf32>
        %parallel_loop3A_154 = arith.index_cast %parallel_loop3A_132 : i32 to index
        %parallel_loop3A_155 = arith.constant 80 : index
        %parallel_loop3A_156 = tpu.vector_load %arg12[%parallel_loop3A_154, %parallel_loop3A_155] {strides = array<i32>} : memref<40x128xi32, #tpu.memory_space<vmem>>, vector<16xi32>,
        %parallel_loop3A_157 = vector.bitcast %parallel_loop3A_156 : vector<16xi32> to vector<32xbf16>
        %parallel_loop3A_158 = tpu.unpack_subelements %parallel_loop3A_157, 0 {pack_format = #tpu.pack_format<interleaved>} : vector<32xbf16> -> vector<16xf32>
        %parallel_loop3A_159 = tpu.unpack_subelements %parallel_loop3A_157, 1 {pack_format = #tpu.pack_format<interleaved>} : vector<32xbf16> -> vector<16xf32>
        %parallel_loop3A_160 = arith.mulf %parallel_loop3A_152, %parallel_loop3A_158 : vector<16xf32>
        %parallel_loop3A_161 = arith.mulf %parallel_loop3A_153, %parallel_loop3A_159 : vector<16xf32>
        %parallel_loop3A_162 = arith.addf %parallel_loop3A_160, %parallel_loop3A_161 : vector<16xf32>
        %parallel_loop3A_163 = arith.addf %parallel_loop3A_147, %parallel_loop3A_162 : vector<16xf32>
        %parallel_loop3A_164 = arith.index_cast %parallel_loop3A_132 : i32 to index
        %parallel_loop3A_165 = arith.constant 32 : index
        %parallel_loop3A_166 = tpu.vector_load %arg10[%parallel_loop3A_164, %parallel_loop3A_165] {strides = array<i32>} : memref<40x128xi32, #tpu.memory_space<vmem>>, vector<16xi32>,
        %parallel_loop3A_167 = vector.bitcast %parallel_loop3A_166 : vector<16xi32> to vector<32xbf16>
        %parallel_loop3A_168 = tpu.unpack_subelements %parallel_loop3A_167, 0 {pack_format = #tpu.pack_format<interleaved>} : vector<32xbf16> -> vector<16xf32>
        %parallel_loop3A_169 = tpu.unpack_subelements %parallel_loop3A_167, 1 {pack_format = #tpu.pack_format<interleaved>} : vector<32xbf16> -> vector<16xf32>
        %parallel_loop3A_170 = arith.index_cast %parallel_loop3A_132 : i32 to index
        %parallel_loop3A_171 = arith.constant 96 : index
        %parallel_loop3A_172 = tpu.vector_load %arg12[%parallel_loop3A_170, %parallel_loop3A_171] {strides = array<i32>} : memref<40x128xi32, #tpu.memory_space<vmem>>, vector<16xi32>,
        %parallel_loop3A_173 = vector.bitcast %parallel_loop3A_172 : vector<16xi32> to vector<32xbf16>
        %parallel_loop3A_174 = tpu.unpack_subelements %parallel_loop3A_173, 0 {pack_format = #tpu.pack_format<interleaved>} : vector<32xbf16> -> vector<16xf32>
        %parallel_loop3A_175 = tpu.unpack_subelements %parallel_loop3A_173, 1 {pack_format = #tpu.pack_format<interleaved>} : vector<32xbf16> -> vector<16xf32>
        %parallel_loop3A_176 = arith.mulf %parallel_loop3A_168, %parallel_loop3A_174 : vector<16xf32>
        %parallel_loop3A_177 = arith.mulf %parallel_loop3A_169, %parallel_loop3A_175 : vector<16xf32>
        %parallel_loop3A_178 = arith.addf %parallel_loop3A_176, %parallel_loop3A_177 : vector<16xf32>
        %parallel_loop3A_179 = arith.addf %parallel_loop3A_163, %parallel_loop3A_178 : vector<16xf32>
        %parallel_loop3A_180 = arith.index_cast %parallel_loop3A_132 : i32 to index
        %parallel_loop3A_181 = arith.constant 48 : index
        %parallel_loop3A_182 = tpu.vector_load %arg10[%parallel_loop3A_180, %parallel_loop3A_181] {strides = array<i32>} : memref<40x128xi32, #tpu.memory_space<vmem>>, vector<16xi32>,
        %parallel_loop3A_183 = vector.bitcast %parallel_loop3A_182 : vector<16xi32> to vector<32xbf16>
        %parallel_loop3A_184 = tpu.unpack_subelements %parallel_loop3A_183, 0 {pack_format = #tpu.pack_format<interleaved>} : vector<32xbf16> -> vector<16xf32>
        %parallel_loop3A_185 = tpu.unpack_subelements %parallel_loop3A_183, 1 {pack_format = #tpu.pack_format<interleaved>} : vector<32xbf16> -> vector<16xf32>
        %parallel_loop3A_186 = arith.index_cast %parallel_loop3A_132 : i32 to index
        %parallel_loop3A_187 = arith.constant 112 : index
        %parallel_loop3A_188 = tpu.vector_load %arg12[%parallel_loop3A_186, %parallel_loop3A_187] {strides = array<i32>} : memref<40x128xi32, #tpu.memory_space<vmem>>, vector<16xi32>,
        %parallel_loop3A_189 = vector.bitcast %parallel_loop3A_188 : vector<16xi32> to vector<32xbf16>
        %parallel_loop3A_190 = tpu.unpack_subelements %parallel_loop3A_189, 0 {pack_format = #tpu.pack_format<interleaved>} : vector<32xbf16> -> vector<16xf32>
        %parallel_loop3A_191 = tpu.unpack_subelements %parallel_loop3A_189, 1 {pack_format = #tpu.pack_format<interleaved>} : vector<32xbf16> -> vector<16xf32>
        %parallel_loop3A_192 = arith.mulf %parallel_loop3A_184, %parallel_loop3A_190 : vector<16xf32>
        %parallel_loop3A_193 = arith.mulf %parallel_loop3A_185, %parallel_loop3A_191 : vector<16xf32>
        %parallel_loop3A_194 = arith.addf %parallel_loop3A_192, %parallel_loop3A_193 : vector<16xf32>
        %parallel_loop3A_195 = arith.addf %parallel_loop3A_179, %parallel_loop3A_194 : vector<16xf32>
        %parallel_loop3A_196 = arith.constant true
        %parallel_loop3A_197 = vector.broadcast %parallel_loop3A_196 : i1 to vector<16xi1>
        %parallel_loop3A_198 = tpu.scan <sum>, %parallel_loop3A_195 masked %parallel_loop3A_197 : vector<16xf32>, vector<16xi1> -> vector<16xf32>
        %parallel_loop3A_199 = vector.extract %parallel_loop3A_198[15] : f32 from vector<16xf32>
        %parallel_loop3A_200 = vector.broadcast %parallel_loop3A_199 : f32 to vector<16xf32>
        %parallel_loop3A_201 = math.exp %parallel_loop3A_200 : vector<16xf32>
        %parallel_loop3A_202 = arith.constant 1.000000e+00 : f32
        %parallel_loop3A_203 = vector.broadcast %parallel_loop3A_202 : f32 to vector<16xf32>
        %parallel_loop3A_204 = arith.addf %parallel_loop3A_203, %parallel_loop3A_201 : vector<16xf32>
        %parallel_loop3A_205 = arith.constant 1.000000e+00 : f32
        %parallel_loop3A_206 = vector.broadcast %parallel_loop3A_205 : f32 to vector<16xf32>
        %parallel_loop3A_207 = arith.divf %parallel_loop3A_206, %parallel_loop3A_204 : vector<16xf32>
        %parallel_loop3A_208 = arith.index_cast %parallel_loop3A_132 : i32 to index
        %parallel_loop3A_209 = arith.constant 64 : index
        %parallel_loop3A_210 = tpu.vector_load %arg10[%parallel_loop3A_208, %parallel_loop3A_209] {strides = array<i32>} : memref<40x128xi32, #tpu.memory_space<vmem>>, vector<16xi32>,
        %parallel_loop3A_211 = vector.bitcast %parallel_loop3A_210 : vector<16xi32> to vector<32xbf16>
        %parallel_loop3A_212 = tpu.unpack_subelements %parallel_loop3A_211, 0 {pack_format = #tpu.pack_format<interleaved>} : vector<32xbf16> -> vector<16xf32>
        %parallel_loop3A_213 = tpu.unpack_subelements %parallel_loop3A_211, 1 {pack_format = #tpu.pack_format<interleaved>} : vector<32xbf16> -> vector<16xf32>
        %parallel_loop3A_214 = arith.addf %parallel_loop3A_137, %parallel_loop3A_212 : vector<16xf32>
        %parallel_loop3A_215 = arith.mulf %parallel_loop3A_207, %parallel_loop3A_214 : vector<16xf32>
        %parallel_loop3A_216 = arith.subf %parallel_loop3A_215, %parallel_loop3A_212 : vector<16xf32>
        %parallel_loop3A_217 = arith.index_cast %parallel_loop3A_132 : i32 to index
        %parallel_loop3A_218 = arith.constant 0 : index
        %parallel_loop3A_219 = tpu.vector_load %arg14[%parallel_loop3A_217, %parallel_loop3A_218] {strides = array<i32>} : memref<40x128xf32, #tpu.memory_space<vmem>>, vector<16xf32>,
        tpu.vector_store %arg14[%parallel_loop3A_217, %parallel_loop3A_218], %parallel_loop3A_216 {strides = array<i32>} : memref<40x128xf32, #tpu.memory_space<vmem>>, vector<16xf32>,
        %parallel_loop3A_220 = arith.addf %parallel_loop3A_138, %parallel_loop3A_213 : vector<16xf32>
        %parallel_loop3A_221 = arith.mulf %parallel_loop3A_207, %parallel_loop3A_220 : vector<16xf32>
        %parallel_loop3A_222 = arith.subf %parallel_loop3A_221, %parallel_loop3A_213 : vector<16xf32>
        %parallel_loop3A_223 = arith.index_cast %parallel_loop3A_132 : i32 to index
        %parallel_loop3A_224 = arith.constant 16 : index
        %parallel_loop3A_225 = tpu.vector_load %arg14[%parallel_loop3A_223, %parallel_loop3A_224] {strides = array<i32>} : memref<40x128xf32, #tpu.memory_space<vmem>>, vector<16xf32>,
        tpu.vector_store %arg14[%parallel_loop3A_223, %parallel_loop3A_224], %parallel_loop3A_222 {strides = array<i32>} : memref<40x128xf32, #tpu.memory_space<vmem>>, vector<16xf32>,
        %parallel_loop3A_226 = arith.index_cast %parallel_loop3A_132 : i32 to index
        %parallel_loop3A_227 = arith.constant 80 : index
        %parallel_loop3A_228 = tpu.vector_load %arg10[%parallel_loop3A_226, %parallel_loop3A_227] {strides = array<i32>} : memref<40x128xi32, #tpu.memory_space<vmem>>, vector<16xi32>,
        %parallel_loop3A_229 = vector.bitcast %parallel_loop3A_228 : vector<16xi32> to vector<32xbf16>
        %parallel_loop3A_230 = tpu.unpack_subelements %parallel_loop3A_229, 0 {pack_format = #tpu.pack_format<interleaved>} : vector<32xbf16> -> vector<16xf32>
        %parallel_loop3A_231 = tpu.unpack_subelements %parallel_loop3A_229, 1 {pack_format = #tpu.pack_format<interleaved>} : vector<32xbf16> -> vector<16xf32>
        %parallel_loop3A_232 = arith.addf %parallel_loop3A_152, %parallel_loop3A_230 : vector<16xf32>
        %parallel_loop3A_233 = arith.mulf %parallel_loop3A_207, %parallel_loop3A_232 : vector<16xf32>
        %parallel_loop3A_234 = arith.subf %parallel_loop3A_233, %parallel_loop3A_230 : vector<16xf32>
        %parallel_loop3A_235 = arith.index_cast %parallel_loop3A_132 : i32 to index
        %parallel_loop3A_236 = arith.constant 32 : index
        %parallel_loop3A_237 = tpu.vector_load %arg14[%parallel_loop3A_235, %parallel_loop3A_236] {strides = array<i32>} : memref<40x128xf32, #tpu.memory_space<vmem>>, vector<16xf32>,
        tpu.vector_store %arg14[%parallel_loop3A_235, %parallel_loop3A_236], %parallel_loop3A_234 {strides = array<i32>} : memref<40x128xf32, #tpu.memory_space<vmem>>, vector<16xf32>,
        %parallel_loop3A_238 = arith.addf %parallel_loop3A_153, %parallel_loop3A_231 : vector<16xf32>
        %parallel_loop3A_239 = arith.mulf %parallel_loop3A_207, %parallel_loop3A_238 : vector<16xf32>
        %parallel_loop3A_240 = arith.subf %parallel_loop3A_239, %parallel_loop3A_231 : vector<16xf32>
        %parallel_loop3A_241 = arith.index_cast %parallel_loop3A_132 : i32 to index
        %parallel_loop3A_242 = arith.constant 48 : index
        %parallel_loop3A_243 = tpu.vector_load %arg14[%parallel_loop3A_241, %parallel_loop3A_242] {strides = array<i32>} : memref<40x128xf32, #tpu.memory_space<vmem>>, vector<16xf32>,
        tpu.vector_store %arg14[%parallel_loop3A_241, %parallel_loop3A_242], %parallel_loop3A_240 {strides = array<i32>} : memref<40x128xf32, #tpu.memory_space<vmem>>, vector<16xf32>,
        %parallel_loop3A_244 = arith.index_cast %parallel_loop3A_132 : i32 to index
        %parallel_loop3A_245 = arith.constant 96 : index
        %parallel_loop3A_246 = tpu.vector_load %arg10[%parallel_loop3A_244, %parallel_loop3A_245] {strides = array<i32>} : memref<40x128xi32, #tpu.memory_space<vmem>>, vector<16xi32>,
        %parallel_loop3A_247 = vector.bitcast %parallel_loop3A_246 : vector<16xi32> to vector<32xbf16>
        %parallel_loop3A_248 = tpu.unpack_subelements %parallel_loop3A_247, 0 {pack_format = #tpu.pack_format<interleaved>} : vector<32xbf16> -> vector<16xf32>
        %parallel_loop3A_249 = tpu.unpack_subelements %parallel_loop3A_247, 1 {pack_format = #tpu.pack_format<interleaved>} : vector<32xbf16> -> vector<16xf32>
        %parallel_loop3A_250 = arith.addf %parallel_loop3A_168, %parallel_loop3A_248 : vector<16xf32>
        %parallel_loop3A_251 = arith.mulf %parallel_loop3A_207, %parallel_loop3A_250 : vector<16xf32>
        %parallel_loop3A_252 = arith.subf %parallel_loop3A_251, %parallel_loop3A_248 : vector<16xf32>
        %parallel_loop3A_253 = arith.index_cast %parallel_loop3A_132 : i32 to index
        %parallel_loop3A_254 = arith.constant 64 : index
        %parallel_loop3A_255 = tpu.vector_load %arg14[%parallel_loop3A_253, %parallel_loop3A_254] {strides = array<i32>} : memref<40x128xf32, #tpu.memory_space<vmem>>, vector<16xf32>,
        tpu.vector_store %arg14[%parallel_loop3A_253, %parallel_loop3A_254], %parallel_loop3A_252 {strides = array<i32>} : memref<40x128xf32, #tpu.memory_space<vmem>>, vector<16xf32>,
        %parallel_loop3A_256 = arith.addf %parallel_loop3A_169, %parallel_loop3A_249 : vector<16xf32>
        %parallel_loop3A_257 = arith.mulf %parallel_loop3A_207, %parallel_loop3A_256 : vector<16xf32>
        %parallel_loop3A_258 = arith.subf %parallel_loop3A_257, %parallel_loop3A_249 : vector<16xf32>
        %parallel_loop3A_259 = arith.index_cast %parallel_loop3A_132 : i32 to index
        %parallel_loop3A_260 = arith.constant 80 : index
        %parallel_loop3A_261 = tpu.vector_load %arg14[%parallel_loop3A_259, %parallel_loop3A_260] {strides = array<i32>} : memref<40x128xf32, #tpu.memory_space<vmem>>, vector<16xf32>,
        tpu.vector_store %arg14[%parallel_loop3A_259, %parallel_loop3A_260], %parallel_loop3A_258 {strides = array<i32>} : memref<40x128xf32, #tpu.memory_space<vmem>>, vector<16xf32>,
        %parallel_loop3A_262 = arith.index_cast %parallel_loop3A_132 : i32 to index
        %parallel_loop3A_263 = arith.constant 112 : index
        %parallel_loop3A_264 = tpu.vector_load %arg10[%parallel_loop3A_262, %parallel_loop3A_263] {strides = array<i32>} : memref<40x128xi32, #tpu.memory_space<vmem>>, vector<16xi32>,
        %parallel_loop3A_265 = vector.bitcast %parallel_loop3A_264 : vector<16xi32> to vector<32xbf16>
        %parallel_loop3A_266 = tpu.unpack_subelements %parallel_loop3A_265, 0 {pack_format = #tpu.pack_format<interleaved>} : vector<32xbf16> -> vector<16xf32>
        %parallel_loop3A_267 = tpu.unpack_subelements %parallel_loop3A_265, 1 {pack_format = #tpu.pack_format<interleaved>} : vector<32xbf16> -> vector<16xf32>
        %parallel_loop3A_268 = arith.addf %parallel_loop3A_184, %parallel_loop3A_266 : vector<16xf32>
        %parallel_loop3A_269 = arith.mulf %parallel_loop3A_207, %parallel_loop3A_268 : vector<16xf32>
        %parallel_loop3A_270 = arith.subf %parallel_loop3A_269, %parallel_loop3A_266 : vector<16xf32>
        %parallel_loop3A_271 = arith.index_cast %parallel_loop3A_132 : i32 to index
        %parallel_loop3A_272 = arith.constant 96 : index
        %parallel_loop3A_273 = tpu.vector_load %arg14[%parallel_loop3A_271, %parallel_loop3A_272] {strides = array<i32>} : memref<40x128xf32, #tpu.memory_space<vmem>>, vector<16xf32>,
        tpu.vector_store %arg14[%parallel_loop3A_271, %parallel_loop3A_272], %parallel_loop3A_270 {strides = array<i32>} : memref<40x128xf32, #tpu.memory_space<vmem>>, vector<16xf32>,
        %parallel_loop3A_274 = arith.addf %parallel_loop3A_185, %parallel_loop3A_267 : vector<16xf32>
        %parallel_loop3A_275 = arith.mulf %parallel_loop3A_207, %parallel_loop3A_274 : vector<16xf32>
        %parallel_loop3A_276 = arith.subf %parallel_loop3A_275, %parallel_loop3A_267 : vector<16xf32>
        %parallel_loop3A_277 = arith.index_cast %parallel_loop3A_132 : i32 to index
        %parallel_loop3A_278 = arith.constant 112 : index
        %parallel_loop3A_279 = tpu.vector_load %arg14[%parallel_loop3A_277, %parallel_loop3A_278] {strides = array<i32>} : memref<40x128xf32, #tpu.memory_space<vmem>>, vector<16xf32>,
        tpu.vector_store %arg14[%parallel_loop3A_277, %parallel_loop3A_278], %parallel_loop3A_276 {strides = array<i32>} : memref<40x128xf32, #tpu.memory_space<vmem>>, vector<16xf32>,
      } {sc.loop_unroll_factor = 1 : i64, sc.parallel_access}
      %get3A = arith.constant 0 : index
      %get3A_66 = tpu.vector_load %arg7[%get3A] {strides = array<i32>} : memref<40xi32, #tpu.memory_space<vmem>>, vector<16xi32>,
      %swap3A = arith.constant 0 : index
      %swap3A_67 = tpu.vector_load %arg16[%swap3A] {strides = array<i32>} : memref<40xi32, #tpu.memory_space<vmem>>, vector<16xi32>,
      tpu.vector_store %arg16[%swap3A], %get3A_66 {strides = array<i32>} : memref<40xi32, #tpu.memory_space<vmem>>, vector<16xi32>,
      %get3A_68 = arith.constant 16 : index
      %get3A_69 = tpu.vector_load %arg7[%get3A_68] {strides = array<i32>} : memref<40xi32, #tpu.memory_space<vmem>>, vector<16xi32>,
      %swap3A_70 = arith.constant 16 : index
      %swap3A_71 = tpu.vector_load %arg16[%swap3A_70] {strides = array<i32>} : memref<40xi32, #tpu.memory_space<vmem>>, vector<16xi32>,
      tpu.vector_store %arg16[%swap3A_70], %get3A_69 {strides = array<i32>} : memref<40xi32, #tpu.memory_space<vmem>>, vector<16xi32>,
      %iota3A = tpu.iota {dimensions = array<i32: 0>} : vector<16xi32>
      %add3A_72 = arith.constant 32 : i32
      %add3A_73 = vector.broadcast %add3A_72 : i32 to vector<16xi32>
      %add3A_74 = arith.addi %iota3A, %add3A_73 : vector<16xi32>
      %lt3A_75 = arith.constant 8 : i32
      %lt3A_76 = vector.broadcast %lt3A_75 : i32 to vector<16xi32>
      %lt3A_77 = arith.cmpi slt, %iota3A, %lt3A_76 : vector<16xi32>
      %gather3A = tpu.vector_load_idx %arg7[%add3A_74] masked %lt3A_77 : memref<40xi32, #tpu.memory_space<vmem>>[vector<16xi32>], vector<16xi32>, vector<16xi1>
      tpu.vector_store_idx %arg16[%add3A_74], %gather3A masked %lt3A_77 : memref<40xi32, #tpu.memory_space<vmem>>[vector<16xi32>], vector<16xi32>, vector<16xi1>
      %dma_start3A_78 = arith.constant 0 : i32
      %dma_start3A_79 = arith.constant 0 : i32
      %dma_start3A_80 = tpu.memref_slice %arg19[%dma_start3A_78, %dma_start3A_79] : memref<10000x128xf32, #tpu.memory_space<vmem_shared>> -> memref<10000x128xf32, #tpu.memory_space<vmem_shared>>
      tpu.enqueue_indirect_dma source(%arg14 : memref<40x128xf32, #tpu.memory_space<vmem>>) target(%dma_start3A_80 : memref<10000x128xf32, #tpu.memory_space<vmem_shared>>) offsets(%arg16 : memref<40xi32, #tpu.memory_space<vmem>>) semaphore(%arg23 : memref<!tpu.dma_semaphore, #tpu.memory_space<semaphore_mem>>) {add = true}
      %add3A_81 = arith.constant 2 : i32
      %add3A_82 = arith.addi %add3A_52, %add3A_81 : i32
      %lt3A_83 = arith.constant 250 : i32
      %lt3A_84 = arith.cmpi slt, %add3A_82, %lt3A_83 : i32
      %convert_element_type3A_85 = arith.extui %lt3A_84 : i1 to i32
      %cond3A_86 = arith.constant 0 : i32
      %cond3A_87 = arith.cmpi ne, %convert_element_type3A_85, %cond3A_86 : i32
      scf.if %cond3A_87 {
        %add3A_132 = arith.constant 2 : i32
        %add3A_133 = arith.addi %add3A_52, %add3A_132 : i32
        %mul3A_134 = arith.constant 40 : i32
        %mul3A_135 = arith.muli %add3A_133, %mul3A_134 : i32
        %add3A_136 = arith.addi %mul3A_2, %mul3A_135 : i32
        %multiple_of3A_137 = tpu.assume_multiple %add3A_136, 8 : i32
        %dma_start3A_138 = tpu.memref_slice %arg3[%multiple_of3A_137] : memref<320000xi32, #tpu.memory_space<hbm>> -> memref<40xi32, #tpu.memory_space<hbm>>
        %dma_start3A_139 = tpu.memref_slice %arg3[%multiple_of3A_137] : memref<320000xi32, #tpu.memory_space<hbm>> -> memref<40xi32, #tpu.memory_space<hbm>>
        tpu.enqueue_dma source(%dma_start3A_139 : memref<40xi32, #tpu.memory_space<hbm>>) target(%arg6 : memref<40xi32, #tpu.memory_space<vmem>>) target_semaphore(%arg20 : memref<!tpu.dma_semaphore, #tpu.memory_space<semaphore_mem>>)
        %dma_start3A_140 = tpu.memref_slice %arg4[%multiple_of3A_137] : memref<320000xi32, #tpu.memory_space<hbm>> -> memref<40xi32, #tpu.memory_space<hbm>>
        %dma_start3A_141 = tpu.memref_slice %arg4[%multiple_of3A_137] : memref<320000xi32, #tpu.memory_space<hbm>> -> memref<40xi32, #tpu.memory_space<hbm>>
        tpu.enqueue_dma source(%dma_start3A_141 : memref<40xi32, #tpu.memory_space<hbm>>) target(%arg7 : memref<40xi32, #tpu.memory_space<vmem>>) target_semaphore(%arg20 : memref<!tpu.dma_semaphore, #tpu.memory_space<semaphore_mem>>)
      } else {
      }
      %add3A_88 = arith.constant 1 : i32
      %add3A_89 = arith.addi %add3A_52, %add3A_88 : i32
      %add3A_90 = arith.constant 1 : i32
      %add3A_91 = arith.addi %add3A_89, %add3A_90 : i32
      %lt3A_92 = arith.constant 250 : i32
      %lt3A_93 = arith.cmpi slt, %add3A_91, %lt3A_92 : i32
      %convert_element_type3A_94 = arith.extui %lt3A_93 : i1 to i32
      %cond3A_95 = arith.constant 0 : i32
      %cond3A_96 = arith.cmpi ne, %convert_element_type3A_94, %cond3A_95 : i32
      scf.if %cond3A_96 {
        %multiple_of3A_132 = tpu.assume_multiple %mul3A_2, 8 : i32
        %dma_wait3A_133 = tpu.memref_slice %arg3[%multiple_of3A_132] : memref<320000xi32, #tpu.memory_space<hbm>> -> memref<40xi32, #tpu.memory_space<hbm>>
        %dma_wait3A_134 = tpu.memref_slice %arg3[%multiple_of3A_132] : memref<320000xi32, #tpu.memory_space<hbm>> -> memref<40xi32, #tpu.memory_space<hbm>>
        tpu.wait_dma2 semaphore(%arg20 : memref<!tpu.dma_semaphore, #tpu.memory_space<semaphore_mem>>) src(%dma_wait3A_134 : memref<40xi32, #tpu.memory_space<hbm>>) dst(%arg6 : memref<40xi32, #tpu.memory_space<vmem>>)
        %dma_wait3A_135 = tpu.memref_slice %arg4[%multiple_of3A_132] : memref<320000xi32, #tpu.memory_space<hbm>> -> memref<40xi32, #tpu.memory_space<hbm>>
        %dma_wait3A_136 = tpu.memref_slice %arg4[%multiple_of3A_132] : memref<320000xi32, #tpu.memory_space<hbm>> -> memref<40xi32, #tpu.memory_space<hbm>>
        tpu.wait_dma2 semaphore(%arg20 : memref<!tpu.dma_semaphore, #tpu.memory_space<semaphore_mem>>) src(%dma_wait3A_136 : memref<40xi32, #tpu.memory_space<hbm>>) dst(%arg7 : memref<40xi32, #tpu.memory_space<vmem>>)
        %dma_start3A_137 = arith.constant 0 : i32
        %dma_start3A_138 = arith.constant 0 : i32
        %dma_start3A_139 = tpu.memref_slice %arg2[%dma_start3A_137, %dma_start3A_138] : memref<10000x128xi32, #tpu.memory_space<hbm>> -> memref<10000x128xi32, #tpu.memory_space<hbm>>
        tpu.enqueue_indirect_dma source(%dma_start3A_139 : memref<10000x128xi32, #tpu.memory_space<hbm>>) target(%arg10 : memref<40x128xi32, #tpu.memory_space<vmem>>) offsets(%arg6 : memref<40xi32, #tpu.memory_space<vmem>>) semaphore(%arg21 : memref<!tpu.dma_semaphore, #tpu.memory_space<semaphore_mem>>)
        %dma_start3A_140 = arith.constant 0 : i32
        %dma_start3A_141 = arith.constant 0 : i32
        %dma_start3A_142 = tpu.memref_slice %arg2[%dma_start3A_140, %dma_start3A_141] : memref<10000x128xi32, #tpu.memory_space<hbm>> -> memref<10000x128xi32, #tpu.memory_space<hbm>>
        tpu.enqueue_indirect_dma source(%dma_start3A_142 : memref<10000x128xi32, #tpu.memory_space<hbm>>) target(%arg12 : memref<40x128xi32, #tpu.memory_space<vmem>>) offsets(%arg7 : memref<40xi32, #tpu.memory_space<vmem>>) semaphore(%arg21 : memref<!tpu.dma_semaphore, #tpu.memory_space<semaphore_mem>>)
      } else {
      }
      %dma_wait3A_97 = arith.constant 0 : i32
      %dma_wait3A_98 = arith.constant 0 : i32
      %dma_wait3A_99 = tpu.memref_slice %arg2[%dma_wait3A_97, %dma_wait3A_98] : memref<10000x128xi32, #tpu.memory_space<hbm>> -> memref<10000x128xi32, #tpu.memory_space<hbm>>
      tpu.wait_indirect_dma semaphore(%arg22 : memref<!tpu.dma_semaphore, #tpu.memory_space<semaphore_mem>>) src(%dma_wait3A_99 : memref<10000x128xi32, #tpu.memory_space<hbm>>) dst(%arg11 : memref<40x128xi32, #tpu.memory_space<vmem>>)
      %dma_wait3A_100 = arith.constant 0 : i32
      %dma_wait3A_101 = arith.constant 0 : i32
      %dma_wait3A_102 = tpu.memref_slice %arg2[%dma_wait3A_100, %dma_wait3A_101] : memref<10000x128xi32, #tpu.memory_space<hbm>> -> memref<10000x128xi32, #tpu.memory_space<hbm>>
      tpu.wait_indirect_dma semaphore(%arg22 : memref<!tpu.dma_semaphore, #tpu.memory_space<semaphore_mem>>) src(%dma_wait3A_102 : memref<10000x128xi32, #tpu.memory_space<hbm>>) dst(%arg13 : memref<40x128xi32, #tpu.memory_space<vmem>>)
      %parallel_loop3A_103 = arith.constant 0 : i32
      %parallel_loop3A_104 = arith.constant 40 : i32
      %parallel_loop3A_105 = arith.constant 1 : i32
      scf.for %parallel_loop3A_132 = %parallel_loop3A_103 to %parallel_loop3A_104 step %parallel_loop3A_105  : i32 {
        %parallel_loop3A_133 = arith.index_cast %parallel_loop3A_132 : i32 to index
        %parallel_loop3A_134 = arith.constant 0 : index
        %parallel_loop3A_135 = tpu.vector_load %arg11[%parallel_loop3A_133, %parallel_loop3A_134] {strides = array<i32>} : memref<40x128xi32, #tpu.memory_space<vmem>>, vector<16xi32>,
        %parallel_loop3A_136 = vector.bitcast %parallel_loop3A_135 : vector<16xi32> to vector<32xbf16>
        %parallel_loop3A_137 = tpu.unpack_subelements %parallel_loop3A_136, 0 {pack_format = #tpu.pack_format<interleaved>} : vector<32xbf16> -> vector<16xf32>
        %parallel_loop3A_138 = tpu.unpack_subelements %parallel_loop3A_136, 1 {pack_format = #tpu.pack_format<interleaved>} : vector<32xbf16> -> vector<16xf32>
        %parallel_loop3A_139 = arith.index_cast %parallel_loop3A_132 : i32 to index
        %parallel_loop3A_140 = arith.constant 64 : index
        %parallel_loop3A_141 = tpu.vector_load %arg13[%parallel_loop3A_139, %parallel_loop3A_140] {strides = array<i32>} : memref<40x128xi32, #tpu.memory_space<vmem>>, vector<16xi32>,
        %parallel_loop3A_142 = vector.bitcast %parallel_loop3A_141 : vector<16xi32> to vector<32xbf16>
        %parallel_loop3A_143 = tpu.unpack_subelements %parallel_loop3A_142, 0 {pack_format = #tpu.pack_format<interleaved>} : vector<32xbf16> -> vector<16xf32>
        %parallel_loop3A_144 = tpu.unpack_subelements %parallel_loop3A_142, 1 {pack_format = #tpu.pack_format<interleaved>} : vector<32xbf16> -> vector<16xf32>
        %parallel_loop3A_145 = arith.mulf %parallel_loop3A_137, %parallel_loop3A_143 : vector<16xf32>
        %parallel_loop3A_146 = arith.mulf %parallel_loop3A_138, %parallel_loop3A_144 : vector<16xf32>
        %parallel_loop3A_147 = arith.addf %parallel_loop3A_145, %parallel_loop3A_146 : vector<16xf32>
        %parallel_loop3A_148 = arith.index_cast %parallel_loop3A_132 : i32 to index
        %parallel_loop3A_149 = arith.constant 16 : index
        %parallel_loop3A_150 = tpu.vector_load %arg11[%parallel_loop3A_148, %parallel_loop3A_149] {strides = array<i32>} : memref<40x128xi32, #tpu.memory_space<vmem>>, vector<16xi32>,
        %parallel_loop3A_151 = vector.bitcast %parallel_loop3A_150 : vector<16xi32> to vector<32xbf16>
        %parallel_loop3A_152 = tpu.unpack_subelements %parallel_loop3A_151, 0 {pack_format = #tpu.pack_format<interleaved>} : vector<32xbf16> -> vector<16xf32>
        %parallel_loop3A_153 = tpu.unpack_subelements %parallel_loop3A_151, 1 {pack_format = #tpu.pack_format<interleaved>} : vector<32xbf16> -> vector<16xf32>
        %parallel_loop3A_154 = arith.index_cast %parallel_loop3A_132 : i32 to index
        %parallel_loop3A_155 = arith.constant 80 : index
        %parallel_loop3A_156 = tpu.vector_load %arg13[%parallel_loop3A_154, %parallel_loop3A_155] {strides = array<i32>} : memref<40x128xi32, #tpu.memory_space<vmem>>, vector<16xi32>,
        %parallel_loop3A_157 = vector.bitcast %parallel_loop3A_156 : vector<16xi32> to vector<32xbf16>
        %parallel_loop3A_158 = tpu.unpack_subelements %parallel_loop3A_157, 0 {pack_format = #tpu.pack_format<interleaved>} : vector<32xbf16> -> vector<16xf32>
        %parallel_loop3A_159 = tpu.unpack_subelements %parallel_loop3A_157, 1 {pack_format = #tpu.pack_format<interleaved>} : vector<32xbf16> -> vector<16xf32>
        %parallel_loop3A_160 = arith.mulf %parallel_loop3A_152, %parallel_loop3A_158 : vector<16xf32>
        %parallel_loop3A_161 = arith.mulf %parallel_loop3A_153, %parallel_loop3A_159 : vector<16xf32>
        %parallel_loop3A_162 = arith.addf %parallel_loop3A_160, %parallel_loop3A_161 : vector<16xf32>
        %parallel_loop3A_163 = arith.addf %parallel_loop3A_147, %parallel_loop3A_162 : vector<16xf32>
        %parallel_loop3A_164 = arith.index_cast %parallel_loop3A_132 : i32 to index
        %parallel_loop3A_165 = arith.constant 32 : index
        %parallel_loop3A_166 = tpu.vector_load %arg11[%parallel_loop3A_164, %parallel_loop3A_165] {strides = array<i32>} : memref<40x128xi32, #tpu.memory_space<vmem>>, vector<16xi32>,
        %parallel_loop3A_167 = vector.bitcast %parallel_loop3A_166 : vector<16xi32> to vector<32xbf16>
        %parallel_loop3A_168 = tpu.unpack_subelements %parallel_loop3A_167, 0 {pack_format = #tpu.pack_format<interleaved>} : vector<32xbf16> -> vector<16xf32>
        %parallel_loop3A_169 = tpu.unpack_subelements %parallel_loop3A_167, 1 {pack_format = #tpu.pack_format<interleaved>} : vector<32xbf16> -> vector<16xf32>
        %parallel_loop3A_170 = arith.index_cast %parallel_loop3A_132 : i32 to index
        %parallel_loop3A_171 = arith.constant 96 : index
        %parallel_loop3A_172 = tpu.vector_load %arg13[%parallel_loop3A_170, %parallel_loop3A_171] {strides = array<i32>} : memref<40x128xi32, #tpu.memory_space<vmem>>, vector<16xi32>,
        %parallel_loop3A_173 = vector.bitcast %parallel_loop3A_172 : vector<16xi32> to vector<32xbf16>
        %parallel_loop3A_174 = tpu.unpack_subelements %parallel_loop3A_173, 0 {pack_format = #tpu.pack_format<interleaved>} : vector<32xbf16> -> vector<16xf32>
        %parallel_loop3A_175 = tpu.unpack_subelements %parallel_loop3A_173, 1 {pack_format = #tpu.pack_format<interleaved>} : vector<32xbf16> -> vector<16xf32>
        %parallel_loop3A_176 = arith.mulf %parallel_loop3A_168, %parallel_loop3A_174 : vector<16xf32>
        %parallel_loop3A_177 = arith.mulf %parallel_loop3A_169, %parallel_loop3A_175 : vector<16xf32>
        %parallel_loop3A_178 = arith.addf %parallel_loop3A_176, %parallel_loop3A_177 : vector<16xf32>
        %parallel_loop3A_179 = arith.addf %parallel_loop3A_163, %parallel_loop3A_178 : vector<16xf32>
        %parallel_loop3A_180 = arith.index_cast %parallel_loop3A_132 : i32 to index
        %parallel_loop3A_181 = arith.constant 48 : index
        %parallel_loop3A_182 = tpu.vector_load %arg11[%parallel_loop3A_180, %parallel_loop3A_181] {strides = array<i32>} : memref<40x128xi32, #tpu.memory_space<vmem>>, vector<16xi32>,
        %parallel_loop3A_183 = vector.bitcast %parallel_loop3A_182 : vector<16xi32> to vector<32xbf16>
        %parallel_loop3A_184 = tpu.unpack_subelements %parallel_loop3A_183, 0 {pack_format = #tpu.pack_format<interleaved>} : vector<32xbf16> -> vector<16xf32>
        %parallel_loop3A_185 = tpu.unpack_subelements %parallel_loop3A_183, 1 {pack_format = #tpu.pack_format<interleaved>} : vector<32xbf16> -> vector<16xf32>
        %parallel_loop3A_186 = arith.index_cast %parallel_loop3A_132 : i32 to index
        %parallel_loop3A_187 = arith.constant 112 : index
        %parallel_loop3A_188 = tpu.vector_load %arg13[%parallel_loop3A_186, %parallel_loop3A_187] {strides = array<i32>} : memref<40x128xi32, #tpu.memory_space<vmem>>, vector<16xi32>,
        %parallel_loop3A_189 = vector.bitcast %parallel_loop3A_188 : vector<16xi32> to vector<32xbf16>
        %parallel_loop3A_190 = tpu.unpack_subelements %parallel_loop3A_189, 0 {pack_format = #tpu.pack_format<interleaved>} : vector<32xbf16> -> vector<16xf32>
        %parallel_loop3A_191 = tpu.unpack_subelements %parallel_loop3A_189, 1 {pack_format = #tpu.pack_format<interleaved>} : vector<32xbf16> -> vector<16xf32>
        %parallel_loop3A_192 = arith.mulf %parallel_loop3A_184, %parallel_loop3A_190 : vector<16xf32>
        %parallel_loop3A_193 = arith.mulf %parallel_loop3A_185, %parallel_loop3A_191 : vector<16xf32>
        %parallel_loop3A_194 = arith.addf %parallel_loop3A_192, %parallel_loop3A_193 : vector<16xf32>
        %parallel_loop3A_195 = arith.addf %parallel_loop3A_179, %parallel_loop3A_194 : vector<16xf32>
        %parallel_loop3A_196 = arith.constant true
        %parallel_loop3A_197 = vector.broadcast %parallel_loop3A_196 : i1 to vector<16xi1>
        %parallel_loop3A_198 = tpu.scan <sum>, %parallel_loop3A_195 masked %parallel_loop3A_197 : vector<16xf32>, vector<16xi1> -> vector<16xf32>
        %parallel_loop3A_199 = vector.extract %parallel_loop3A_198[15] : f32 from vector<16xf32>
        %parallel_loop3A_200 = vector.broadcast %parallel_loop3A_199 : f32 to vector<16xf32>
        %parallel_loop3A_201 = math.exp %parallel_loop3A_200 : vector<16xf32>
        %parallel_loop3A_202 = arith.constant 1.000000e+00 : f32
        %parallel_loop3A_203 = vector.broadcast %parallel_loop3A_202 : f32 to vector<16xf32>
        %parallel_loop3A_204 = arith.addf %parallel_loop3A_203, %parallel_loop3A_201 : vector<16xf32>
        %parallel_loop3A_205 = arith.constant 1.000000e+00 : f32
        %parallel_loop3A_206 = vector.broadcast %parallel_loop3A_205 : f32 to vector<16xf32>
        %parallel_loop3A_207 = arith.divf %parallel_loop3A_206, %parallel_loop3A_204 : vector<16xf32>
        %parallel_loop3A_208 = arith.index_cast %parallel_loop3A_132 : i32 to index
        %parallel_loop3A_209 = arith.constant 64 : index
        %parallel_loop3A_210 = tpu.vector_load %arg11[%parallel_loop3A_208, %parallel_loop3A_209] {strides = array<i32>} : memref<40x128xi32, #tpu.memory_space<vmem>>, vector<16xi32>,
        %parallel_loop3A_211 = vector.bitcast %parallel_loop3A_210 : vector<16xi32> to vector<32xbf16>
        %parallel_loop3A_212 = tpu.unpack_subelements %parallel_loop3A_211, 0 {pack_format = #tpu.pack_format<interleaved>} : vector<32xbf16> -> vector<16xf32>
        %parallel_loop3A_213 = tpu.unpack_subelements %parallel_loop3A_211, 1 {pack_format = #tpu.pack_format<interleaved>} : vector<32xbf16> -> vector<16xf32>
        %parallel_loop3A_214 = arith.addf %parallel_loop3A_137, %parallel_loop3A_212 : vector<16xf32>
        %parallel_loop3A_215 = arith.mulf %parallel_loop3A_207, %parallel_loop3A_214 : vector<16xf32>
        %parallel_loop3A_216 = arith.subf %parallel_loop3A_215, %parallel_loop3A_212 : vector<16xf32>
        %parallel_loop3A_217 = arith.index_cast %parallel_loop3A_132 : i32 to index
        %parallel_loop3A_218 = arith.constant 0 : index
        %parallel_loop3A_219 = tpu.vector_load %arg15[%parallel_loop3A_217, %parallel_loop3A_218] {strides = array<i32>} : memref<40x128xf32, #tpu.memory_space<vmem>>, vector<16xf32>,
        tpu.vector_store %arg15[%parallel_loop3A_217, %parallel_loop3A_218], %parallel_loop3A_216 {strides = array<i32>} : memref<40x128xf32, #tpu.memory_space<vmem>>, vector<16xf32>,
        %parallel_loop3A_220 = arith.addf %parallel_loop3A_138, %parallel_loop3A_213 : vector<16xf32>
        %parallel_loop3A_221 = arith.mulf %parallel_loop3A_207, %parallel_loop3A_220 : vector<16xf32>
        %parallel_loop3A_222 = arith.subf %parallel_loop3A_221, %parallel_loop3A_213 : vector<16xf32>
        %parallel_loop3A_223 = arith.index_cast %parallel_loop3A_132 : i32 to index
        %parallel_loop3A_224 = arith.constant 16 : index
        %parallel_loop3A_225 = tpu.vector_load %arg15[%parallel_loop3A_223, %parallel_loop3A_224] {strides = array<i32>} : memref<40x128xf32, #tpu.memory_space<vmem>>, vector<16xf32>,
        tpu.vector_store %arg15[%parallel_loop3A_223, %parallel_loop3A_224], %parallel_loop3A_222 {strides = array<i32>} : memref<40x128xf32, #tpu.memory_space<vmem>>, vector<16xf32>,
        %parallel_loop3A_226 = arith.index_cast %parallel_loop3A_132 : i32 to index
        %parallel_loop3A_227 = arith.constant 80 : index
        %parallel_loop3A_228 = tpu.vector_load %arg11[%parallel_loop3A_226, %parallel_loop3A_227] {strides = array<i32>} : memref<40x128xi32, #tpu.memory_space<vmem>>, vector<16xi32>,
        %parallel_loop3A_229 = vector.bitcast %parallel_loop3A_228 : vector<16xi32> to vector<32xbf16>
        %parallel_loop3A_230 = tpu.unpack_subelements %parallel_loop3A_229, 0 {pack_format = #tpu.pack_format<interleaved>} : vector<32xbf16> -> vector<16xf32>
        %parallel_loop3A_231 = tpu.unpack_subelements %parallel_loop3A_229, 1 {pack_format = #tpu.pack_format<interleaved>} : vector<32xbf16> -> vector<16xf32>
        %parallel_loop3A_232 = arith.addf %parallel_loop3A_152, %parallel_loop3A_230 : vector<16xf32>
        %parallel_loop3A_233 = arith.mulf %parallel_loop3A_207, %parallel_loop3A_232 : vector<16xf32>
        %parallel_loop3A_234 = arith.subf %parallel_loop3A_233, %parallel_loop3A_230 : vector<16xf32>
        %parallel_loop3A_235 = arith.index_cast %parallel_loop3A_132 : i32 to index
        %parallel_loop3A_236 = arith.constant 32 : index
        %parallel_loop3A_237 = tpu.vector_load %arg15[%parallel_loop3A_235, %parallel_loop3A_236] {strides = array<i32>} : memref<40x128xf32, #tpu.memory_space<vmem>>, vector<16xf32>,
        tpu.vector_store %arg15[%parallel_loop3A_235, %parallel_loop3A_236], %parallel_loop3A_234 {strides = array<i32>} : memref<40x128xf32, #tpu.memory_space<vmem>>, vector<16xf32>,
        %parallel_loop3A_238 = arith.addf %parallel_loop3A_153, %parallel_loop3A_231 : vector<16xf32>
        %parallel_loop3A_239 = arith.mulf %parallel_loop3A_207, %parallel_loop3A_238 : vector<16xf32>
        %parallel_loop3A_240 = arith.subf %parallel_loop3A_239, %parallel_loop3A_231 : vector<16xf32>
        %parallel_loop3A_241 = arith.index_cast %parallel_loop3A_132 : i32 to index
        %parallel_loop3A_242 = arith.constant 48 : index
        %parallel_loop3A_243 = tpu.vector_load %arg15[%parallel_loop3A_241, %parallel_loop3A_242] {strides = array<i32>} : memref<40x128xf32, #tpu.memory_space<vmem>>, vector<16xf32>,
        tpu.vector_store %arg15[%parallel_loop3A_241, %parallel_loop3A_242], %parallel_loop3A_240 {strides = array<i32>} : memref<40x128xf32, #tpu.memory_space<vmem>>, vector<16xf32>,
        %parallel_loop3A_244 = arith.index_cast %parallel_loop3A_132 : i32 to index
        %parallel_loop3A_245 = arith.constant 96 : index
        %parallel_loop3A_246 = tpu.vector_load %arg11[%parallel_loop3A_244, %parallel_loop3A_245] {strides = array<i32>} : memref<40x128xi32, #tpu.memory_space<vmem>>, vector<16xi32>,
        %parallel_loop3A_247 = vector.bitcast %parallel_loop3A_246 : vector<16xi32> to vector<32xbf16>
        %parallel_loop3A_248 = tpu.unpack_subelements %parallel_loop3A_247, 0 {pack_format = #tpu.pack_format<interleaved>} : vector<32xbf16> -> vector<16xf32>
        %parallel_loop3A_249 = tpu.unpack_subelements %parallel_loop3A_247, 1 {pack_format = #tpu.pack_format<interleaved>} : vector<32xbf16> -> vector<16xf32>
        %parallel_loop3A_250 = arith.addf %parallel_loop3A_168, %parallel_loop3A_248 : vector<16xf32>
        %parallel_loop3A_251 = arith.mulf %parallel_loop3A_207, %parallel_loop3A_250 : vector<16xf32>
        %parallel_loop3A_252 = arith.subf %parallel_loop3A_251, %parallel_loop3A_248 : vector<16xf32>
        %parallel_loop3A_253 = arith.index_cast %parallel_loop3A_132 : i32 to index
        %parallel_loop3A_254 = arith.constant 64 : index
        %parallel_loop3A_255 = tpu.vector_load %arg15[%parallel_loop3A_253, %parallel_loop3A_254] {strides = array<i32>} : memref<40x128xf32, #tpu.memory_space<vmem>>, vector<16xf32>,
        tpu.vector_store %arg15[%parallel_loop3A_253, %parallel_loop3A_254], %parallel_loop3A_252 {strides = array<i32>} : memref<40x128xf32, #tpu.memory_space<vmem>>, vector<16xf32>,
        %parallel_loop3A_256 = arith.addf %parallel_loop3A_169, %parallel_loop3A_249 : vector<16xf32>
        %parallel_loop3A_257 = arith.mulf %parallel_loop3A_207, %parallel_loop3A_256 : vector<16xf32>
        %parallel_loop3A_258 = arith.subf %parallel_loop3A_257, %parallel_loop3A_249 : vector<16xf32>
        %parallel_loop3A_259 = arith.index_cast %parallel_loop3A_132 : i32 to index
        %parallel_loop3A_260 = arith.constant 80 : index
        %parallel_loop3A_261 = tpu.vector_load %arg15[%parallel_loop3A_259, %parallel_loop3A_260] {strides = array<i32>} : memref<40x128xf32, #tpu.memory_space<vmem>>, vector<16xf32>,
        tpu.vector_store %arg15[%parallel_loop3A_259, %parallel_loop3A_260], %parallel_loop3A_258 {strides = array<i32>} : memref<40x128xf32, #tpu.memory_space<vmem>>, vector<16xf32>,
        %parallel_loop3A_262 = arith.index_cast %parallel_loop3A_132 : i32 to index
        %parallel_loop3A_263 = arith.constant 112 : index
        %parallel_loop3A_264 = tpu.vector_load %arg11[%parallel_loop3A_262, %parallel_loop3A_263] {strides = array<i32>} : memref<40x128xi32, #tpu.memory_space<vmem>>, vector<16xi32>,
        %parallel_loop3A_265 = vector.bitcast %parallel_loop3A_264 : vector<16xi32> to vector<32xbf16>
        %parallel_loop3A_266 = tpu.unpack_subelements %parallel_loop3A_265, 0 {pack_format = #tpu.pack_format<interleaved>} : vector<32xbf16> -> vector<16xf32>
        %parallel_loop3A_267 = tpu.unpack_subelements %parallel_loop3A_265, 1 {pack_format = #tpu.pack_format<interleaved>} : vector<32xbf16> -> vector<16xf32>
        %parallel_loop3A_268 = arith.addf %parallel_loop3A_184, %parallel_loop3A_266 : vector<16xf32>
        %parallel_loop3A_269 = arith.mulf %parallel_loop3A_207, %parallel_loop3A_268 : vector<16xf32>
        %parallel_loop3A_270 = arith.subf %parallel_loop3A_269, %parallel_loop3A_266 : vector<16xf32>
        %parallel_loop3A_271 = arith.index_cast %parallel_loop3A_132 : i32 to index
        %parallel_loop3A_272 = arith.constant 96 : index
        %parallel_loop3A_273 = tpu.vector_load %arg15[%parallel_loop3A_271, %parallel_loop3A_272] {strides = array<i32>} : memref<40x128xf32, #tpu.memory_space<vmem>>, vector<16xf32>,
        tpu.vector_store %arg15[%parallel_loop3A_271, %parallel_loop3A_272], %parallel_loop3A_270 {strides = array<i32>} : memref<40x128xf32, #tpu.memory_space<vmem>>, vector<16xf32>,
        %parallel_loop3A_274 = arith.addf %parallel_loop3A_185, %parallel_loop3A_267 : vector<16xf32>
        %parallel_loop3A_275 = arith.mulf %parallel_loop3A_207, %parallel_loop3A_274 : vector<16xf32>
        %parallel_loop3A_276 = arith.subf %parallel_loop3A_275, %parallel_loop3A_267 : vector<16xf32>
        %parallel_loop3A_277 = arith.index_cast %parallel_loop3A_132 : i32 to index
        %parallel_loop3A_278 = arith.constant 112 : index
        %parallel_loop3A_279 = tpu.vector_load %arg15[%parallel_loop3A_277, %parallel_loop3A_278] {strides = array<i32>} : memref<40x128xf32, #tpu.memory_space<vmem>>, vector<16xf32>,
        tpu.vector_store %arg15[%parallel_loop3A_277, %parallel_loop3A_278], %parallel_loop3A_276 {strides = array<i32>} : memref<40x128xf32, #tpu.memory_space<vmem>>, vector<16xf32>,
      } {sc.loop_unroll_factor = 1 : i64, sc.parallel_access}
      %get3A_106 = arith.constant 0 : index
      %get3A_107 = tpu.vector_load %arg9[%get3A_106] {strides = array<i32>} : memref<40xi32, #tpu.memory_space<vmem>>, vector<16xi32>,
      %swap3A_108 = arith.constant 0 : index
      %swap3A_109 = tpu.vector_load %arg17[%swap3A_108] {strides = array<i32>} : memref<40xi32, #tpu.memory_space<vmem>>, vector<16xi32>,
      tpu.vector_store %arg17[%swap3A_108], %get3A_107 {strides = array<i32>} : memref<40xi32, #tpu.memory_space<vmem>>, vector<16xi32>,
      %get3A_110 = arith.constant 16 : index
      %get3A_111 = tpu.vector_load %arg9[%get3A_110] {strides = array<i32>} : memref<40xi32, #tpu.memory_space<vmem>>, vector<16xi32>,
      %swap3A_112 = arith.constant 16 : index
      %swap3A_113 = tpu.vector_load %arg17[%swap3A_112] {strides = array<i32>} : memref<40xi32, #tpu.memory_space<vmem>>, vector<16xi32>,
      tpu.vector_store %arg17[%swap3A_112], %get3A_111 {strides = array<i32>} : memref<40xi32, #tpu.memory_space<vmem>>, vector<16xi32>,
      %iota3A_114 = tpu.iota {dimensions = array<i32: 0>} : vector<16xi32>
      %add3A_115 = arith.constant 32 : i32
      %add3A_116 = vector.broadcast %add3A_115 : i32 to vector<16xi32>
      %add3A_117 = arith.addi %iota3A_114, %add3A_116 : vector<16xi32>
      %lt3A_118 = arith.constant 8 : i32
      %lt3A_119 = vector.broadcast %lt3A_118 : i32 to vector<16xi32>
      %lt3A_120 = arith.cmpi slt, %iota3A_114, %lt3A_119 : vector<16xi32>
      %gather3A_121 = tpu.vector_load_idx %arg9[%add3A_117] masked %lt3A_120 : memref<40xi32, #tpu.memory_space<vmem>>[vector<16xi32>], vector<16xi32>, vector<16xi1>
      tpu.vector_store_idx %arg17[%add3A_117], %gather3A_121 masked %lt3A_120 : memref<40xi32, #tpu.memory_space<vmem>>[vector<16xi32>], vector<16xi32>, vector<16xi1>
      %dma_start3A_122 = arith.constant 0 : i32
      %dma_start3A_123 = arith.constant 0 : i32
      %dma_start3A_124 = tpu.memref_slice %arg19[%dma_start3A_122, %dma_start3A_123] : memref<10000x128xf32, #tpu.memory_space<vmem_shared>> -> memref<10000x128xf32, #tpu.memory_space<vmem_shared>>
      tpu.enqueue_indirect_dma source(%arg15 : memref<40x128xf32, #tpu.memory_space<vmem>>) target(%dma_start3A_124 : memref<10000x128xf32, #tpu.memory_space<vmem_shared>>) offsets(%arg17 : memref<40xi32, #tpu.memory_space<vmem>>) semaphore(%arg24 : memref<!tpu.dma_semaphore, #tpu.memory_space<semaphore_mem>>) {add = true}
      %add3A_125 = arith.constant 2 : i32
      %add3A_126 = arith.addi %add3A_89, %add3A_125 : i32
      %lt3A_127 = arith.constant 250 : i32
      %lt3A_128 = arith.cmpi slt, %add3A_126, %lt3A_127 : i32
      %convert_element_type3A_129 = arith.extui %lt3A_128 : i1 to i32
      %cond3A_130 = arith.constant 0 : i32
      %cond3A_131 = arith.cmpi ne, %convert_element_type3A_129, %cond3A_130 : i32
      scf.if %cond3A_131 {
        %add3A_132 = arith.constant 2 : i32
        %add3A_133 = arith.addi %add3A_89, %add3A_132 : i32
        %mul3A_134 = arith.constant 40 : i32
        %mul3A_135 = arith.muli %add3A_133, %mul3A_134 : i32
        %add3A_136 = arith.addi %mul3A_2, %mul3A_135 : i32
        %multiple_of3A_137 = tpu.assume_multiple %add3A_136, 8 : i32
        %dma_start3A_138 = tpu.memref_slice %arg3[%multiple_of3A_137] : memref<320000xi32, #tpu.memory_space<hbm>> -> memref<40xi32, #tpu.memory_space<hbm>>
        %dma_start3A_139 = tpu.memref_slice %arg3[%multiple_of3A_137] : memref<320000xi32, #tpu.memory_space<hbm>> -> memref<40xi32, #tpu.memory_space<hbm>>
        tpu.enqueue_dma source(%dma_start3A_139 : memref<40xi32, #tpu.memory_space<hbm>>) target(%arg8 : memref<40xi32, #tpu.memory_space<vmem>>) target_semaphore(%arg20 : memref<!tpu.dma_semaphore, #tpu.memory_space<semaphore_mem>>)
        %dma_start3A_140 = tpu.memref_slice %arg4[%multiple_of3A_137] : memref<320000xi32, #tpu.memory_space<hbm>> -> memref<40xi32, #tpu.memory_space<hbm>>
        %dma_start3A_141 = tpu.memref_slice %arg4[%multiple_of3A_137] : memref<320000xi32, #tpu.memory_space<hbm>> -> memref<40xi32, #tpu.memory_space<hbm>>
        tpu.enqueue_dma source(%dma_start3A_141 : memref<40xi32, #tpu.memory_space<hbm>>) target(%arg9 : memref<40xi32, #tpu.memory_space<vmem>>) target_semaphore(%arg20 : memref<!tpu.dma_semaphore, #tpu.memory_space<semaphore_mem>>)
      } else {
      }
    }
    %scan3A_32 = arith.constant 125 : i32
    %barrier3A_33 = arith.constant 0 : index
    tpu.barrier barrier_id(%barrier3A_33)
    %mul3A_34 = arith.constant 624 : i32
    %mul3A_35 = arith.muli %arg1, %mul3A_34 : i32
    %multiple_of3A_36 = tpu.assume_multiple %mul3A_35, 8 : i32
    %mul3A_37 = arith.constant 10000 : i32
    %mul3A_38 = arith.muli %arg0, %mul3A_37 : i32
    %mul3A_39 = arith.constant 624 : i32
    %mul3A_40 = arith.muli %arg1, %mul3A_39 : i32
    %add3A_41 = arith.addi %mul3A_38, %mul3A_40 : i32
    %multiple_of3A_42 = tpu.assume_multiple %add3A_41, 8 : i32
    "tpu.region"() ({
      %run_scoped3A = tpu.sem_alloc : memref<!tpu.dma_semaphore, #tpu.memory_space<semaphore_mem>>
      %dma_start3A_48 = arith.constant 0 : i32
      %dma_start3A_49 = tpu.memref_slice %arg5[%multiple_of3A_42, %dma_start3A_48] : memref<20000x128xf32, #tpu.memory_space<hbm>> -> memref<624x128xf32, #tpu.memory_space<hbm>>
      %dma_start3A_50 = arith.constant 0 : i32
      %dma_start3A_51 = tpu.memref_slice %arg19[%multiple_of3A_36, %dma_start3A_50] : memref<10000x128xf32, #tpu.memory_space<vmem_shared>> -> memref<624x128xf32, #tpu.memory_space<vmem_shared>>
      tpu.enqueue_dma source(%dma_start3A_51 : memref<624x128xf32, #tpu.memory_space<vmem_shared>>) target(%dma_start3A_49 : memref<624x128xf32, #tpu.memory_space<hbm>>) target_semaphore(%run_scoped3A : memref<!tpu.dma_semaphore, #tpu.memory_space<semaphore_mem>>)
      %dma_wait3A = arith.constant 0 : i32
      %dma_wait3A_52 = tpu.memref_slice %arg5[%multiple_of3A_42, %dma_wait3A] : memref<20000x128xf32, #tpu.memory_space<hbm>> -> memref<624x128xf32, #tpu.memory_space<hbm>>
      %dma_wait3A_53 = arith.constant 0 : i32
      %dma_wait3A_54 = tpu.memref_slice %arg19[%multiple_of3A_36, %dma_wait3A_53] : memref<10000x128xf32, #tpu.memory_space<vmem_shared>> -> memref<624x128xf32, #tpu.memory_space<vmem_shared>>
      tpu.wait_dma2 semaphore(%run_scoped3A : memref<!tpu.dma_semaphore, #tpu.memory_space<semaphore_mem>>) src(%dma_wait3A_54 : memref<624x128xf32, #tpu.memory_space<vmem_shared>>) dst(%dma_wait3A_52 : memref<624x128xf32, #tpu.memory_space<hbm>>)
      tpu.yield
    }) : () -> ()
    %eq3A_43 = arith.constant 15 : i32
    %eq3A_44 = arith.cmpi eq, %arg1, %eq3A_43 : i32
    %convert_element_type3A_45 = arith.extui %eq3A_44 : i1 to i32
    %cond3A_46 = arith.constant 0 : i32
    %cond3A_47 = arith.cmpi ne, %convert_element_type3A_45, %cond3A_46 : i32
    scf.if %cond3A_47 {
      %mul3A_48 = arith.constant 10000 : i32
      %mul3A_49 = arith.muli %arg0, %mul3A_48 : i32
      %add3A_50 = arith.constant 9984 : i32
      %add3A_51 = arith.addi %mul3A_49, %add3A_50 : i32
      %multiple_of3A_52 = tpu.assume_multiple %add3A_51, 8 : i32
      "tpu.region"() ({
        %run_scoped3A = tpu.sem_alloc : memref<!tpu.dma_semaphore, #tpu.memory_space<semaphore_mem>>
        %dma_start3A_53 = arith.constant 0 : i32
        %dma_start3A_54 = tpu.memref_slice %arg5[%multiple_of3A_52, %dma_start3A_53] : memref<20000x128xf32, #tpu.memory_space<hbm>> -> memref<16x128xf32, #tpu.memory_space<hbm>>
        %dma_start3A_55 = arith.constant 9984 : i32
        %dma_start3A_56 = arith.constant 0 : i32
        %dma_start3A_57 = tpu.memref_slice %arg19[%dma_start3A_55, %dma_start3A_56] : memref<10000x128xf32, #tpu.memory_space<vmem_shared>> -> memref<16x128xf32, #tpu.memory_space<vmem_shared>>
        tpu.enqueue_dma source(%dma_start3A_57 : memref<16x128xf32, #tpu.memory_space<vmem_shared>>) target(%dma_start3A_54 : memref<16x128xf32, #tpu.memory_space<hbm>>) target_semaphore(%run_scoped3A : memref<!tpu.dma_semaphore, #tpu.memory_space<semaphore_mem>>)
        %dma_wait3A = arith.constant 0 : i32
        %dma_wait3A_58 = tpu.memref_slice %arg5[%multiple_of3A_52, %dma_wait3A] : memref<20000x128xf32, #tpu.memory_space<hbm>> -> memref<16x128xf32, #tpu.memory_space<hbm>>
        %dma_wait3A_59 = arith.constant 9984 : i32
        %dma_wait3A_60 = arith.constant 0 : i32
        %dma_wait3A_61 = tpu.memref_slice %arg19[%dma_wait3A_59, %dma_wait3A_60] : memref<10000x128xf32, #tpu.memory_space<vmem_shared>> -> memref<16x128xf32, #tpu.memory_space<vmem_shared>>
        tpu.wait_dma2 semaphore(%run_scoped3A : memref<!tpu.dma_semaphore, #tpu.memory_space<semaphore_mem>>) src(%dma_wait3A_61 : memref<16x128xf32, #tpu.memory_space<vmem_shared>>) dst(%dma_wait3A_58 : memref<16x128xf32, #tpu.memory_space<hbm>>)
        tpu.yield
      }) : () -> ()
    } else {
    }
    return
  }
}

module attributes {stable_mosaic.version = 14 : i64} {
  func.func @_tc0_body(%arg0: i32, %arg1: memref<2000x128xf32, #tpu.memory_space<vmem>>, %arg2: memref<128x128xf32, #tpu.memory_space<vmem>>, %arg3: memref<1x128xf32, #tpu.memory_space<vmem>>, %arg4: memref<128x128xf32, #tpu.memory_space<vmem>>, %arg5: memref<128x128xf32, #tpu.memory_space<vmem>>, %arg6: memref<128x128xf32, #tpu.memory_space<vmem>>, %arg7: memref<2000x256xbf16, #tpu.memory_space<vmem>>, %arg8: memref<2000x128xf32, #tpu.memory_space<vmem>>) attributes {dimension_semantics = [#tpu.dimension_semantics<arbitrary>], iteration_bounds = array<i64: 5>, scalar_prefetch = 0 : i64, scratch_operands = 0 : i64, tpu.core_type = #tpu.core_type<tc>, window_params = [{transform_indices = @transform_0, window_bounds = array<i64: 2000, 128>}, {pipeline_mode = #tpu.pipeline_mode<synchronous>, transform_indices = @transform_1, window_bounds = array<i64: 128, 128>}, {pipeline_mode = #tpu.pipeline_mode<synchronous>, transform_indices = @transform_2, window_bounds = array<i64: 1, 128>}, {pipeline_mode = #tpu.pipeline_mode<synchronous>, transform_indices = @transform_3, window_bounds = array<i64: 128, 128>}, {pipeline_mode = #tpu.pipeline_mode<synchronous>, transform_indices = @transform_4, window_bounds = array<i64: 128, 128>}, {pipeline_mode = #tpu.pipeline_mode<synchronous>, transform_indices = @transform_5, window_bounds = array<i64: 128, 128>}, {transform_indices = @transform_6, window_bounds = array<i64: 2000, 256>}, {transform_indices = @transform_7, window_bounds = array<i64: 2000, 128>}]} {
    %get3A = arith.constant 0 : index
    %get3A_0 = arith.constant 0 : index
    %get3A_1 = vector.load %arg1[%get3A, %get3A_0] : memref<2000x128xf32, #tpu.memory_space<vmem>>, vector<2000x128xf32>
    %get3A_2 = arith.constant 0 : index
    %get3A_3 = arith.constant 0 : index
    %get3A_4 = vector.load %arg2[%get3A_2, %get3A_3] : memref<128x128xf32, #tpu.memory_space<vmem>>, vector<128x128xf32>
    %dot_general3A = arith.constant dense<0.000000e+00> : vector<2000x128xf32>
    %dot_general3A_5 = tpu.matmul %get3A_1, %get3A_4, %dot_general3A {dimension_numbers = #tpu.dot_dimension_numbers<[1], [1], [0], [0], [0, 0, 1, 0], [], []>, precision = #tpu.contract_precision<fp32>, transpose_lhs_hint = false} : vector<2000x128xf32>, vector<128x128xf32>, vector<2000x128xf32> -> vector<2000x128xf32>
    %get3A_6 = arith.constant 0 : index
    %get3A_7 = arith.constant 0 : index
    %get3A_8 = vector.load %arg3[%get3A_6, %get3A_7] : memref<1x128xf32, #tpu.memory_space<vmem>>, vector<1x128xf32>
    %add3A = vector.broadcast %get3A_8 : vector<1x128xf32> to vector<2000x128xf32>
    %add3A_9 = arith.addf %dot_general3A_5, %add3A : vector<2000x128xf32>
    %get3A_10 = arith.constant 0 : index
    %get3A_11 = arith.constant 0 : index
    %get3A_12 = vector.load %arg4[%get3A_10, %get3A_11] : memref<128x128xf32, #tpu.memory_space<vmem>>, vector<128x128xf32>
    %dot_general3A_13 = arith.constant dense<0.000000e+00> : vector<2000x128xf32>
    %dot_general3A_14 = tpu.matmul %add3A_9, %get3A_12, %dot_general3A_13 {dimension_numbers = #tpu.dot_dimension_numbers<[1], [1], [0], [0], [0, 0, 1, 0], [], []>, precision = #tpu.contract_precision<fp32>, transpose_lhs_hint = false} : vector<2000x128xf32>, vector<128x128xf32>, vector<2000x128xf32> -> vector<2000x128xf32>
    %convert_element_type3A = arith.truncf %dot_general3A_14 : vector<2000x128xf32> to vector<2000x128xbf16>
    %swap3A = arith.constant 0 : index
    %swap3A_15 = arith.constant 0 : index
    %swap3A_16 = vector.load %arg7[%swap3A, %swap3A_15] : memref<2000x256xbf16, #tpu.memory_space<vmem>>, vector<2000x128xbf16>
    tpu.vector_store %arg7[%swap3A, %swap3A_15], %convert_element_type3A {strides = array<i32>} : memref<2000x256xbf16, #tpu.memory_space<vmem>>, vector<2000x128xbf16>,
    %get3A_17 = arith.constant 0 : index
    %get3A_18 = arith.constant 0 : index
    %get3A_19 = vector.load %arg5[%get3A_17, %get3A_18] : memref<128x128xf32, #tpu.memory_space<vmem>>, vector<128x128xf32>
    %dot_general3A_20 = arith.constant dense<0.000000e+00> : vector<2000x128xf32>
    %dot_general3A_21 = tpu.matmul %add3A_9, %get3A_19, %dot_general3A_20 {dimension_numbers = #tpu.dot_dimension_numbers<[1], [1], [0], [0], [0, 0, 1, 0], [], []>, precision = #tpu.contract_precision<fp32>, transpose_lhs_hint = false} : vector<2000x128xf32>, vector<128x128xf32>, vector<2000x128xf32> -> vector<2000x128xf32>
    %convert_element_type3A_22 = arith.truncf %dot_general3A_21 : vector<2000x128xf32> to vector<2000x128xbf16>
    %swap3A_23 = arith.constant 0 : index
    %swap3A_24 = arith.constant 128 : index
    %swap3A_25 = vector.load %arg7[%swap3A_23, %swap3A_24] : memref<2000x256xbf16, #tpu.memory_space<vmem>>, vector<2000x128xbf16>
    tpu.vector_store %arg7[%swap3A_23, %swap3A_24], %convert_element_type3A_22 {strides = array<i32>} : memref<2000x256xbf16, #tpu.memory_space<vmem>>, vector<2000x128xbf16>,
    %get3A_26 = arith.constant 0 : index
    %get3A_27 = arith.constant 0 : index
    %get3A_28 = vector.load %arg6[%get3A_26, %get3A_27] : memref<128x128xf32, #tpu.memory_space<vmem>>, vector<128x128xf32>
    %dot_general3A_29 = arith.constant dense<0.000000e+00> : vector<2000x128xf32>
    %dot_general3A_30 = tpu.matmul %add3A_9, %get3A_28, %dot_general3A_29 {dimension_numbers = #tpu.dot_dimension_numbers<[1], [1], [0], [0], [0, 0, 1, 0], [], []>, precision = #tpu.contract_precision<fp32>, transpose_lhs_hint = false} : vector<2000x128xf32>, vector<128x128xf32>, vector<2000x128xf32> -> vector<2000x128xf32>
    %max3A = arith.constant 0.000000e+00 : f32
    %max3A_31 = vector.broadcast %max3A : f32 to vector<2000x128xf32>
    %max3A_32 = arith.maximumf %dot_general3A_30, %max3A_31 : vector<2000x128xf32>
    %swap3A_33 = arith.constant 0 : index
    %swap3A_34 = arith.constant 0 : index
    %swap3A_35 = vector.load %arg8[%swap3A_33, %swap3A_34] : memref<2000x128xf32, #tpu.memory_space<vmem>>, vector<2000x128xf32>
    tpu.vector_store %arg8[%swap3A_33, %swap3A_34], %max3A_32 {strides = array<i32>} : memref<2000x128xf32, #tpu.memory_space<vmem>>, vector<2000x128xf32>,
    return
  }
  func.func @transform_0(%arg0: i32) -> (i32, i32) {
    %c0_i32 = arith.constant 0 : i32
    %c0_i32_0 = arith.constant 0 : i32
    return %arg0, %c0_i32 : i32, i32
  }
  func.func @transform_1(%arg0: i32) -> (i32, i32) {
    %c0_i32 = arith.constant 0 : i32
    %c0_i32_0 = arith.constant 0 : i32
    %c0_i32_1 = arith.constant 0 : i32
    return %c0_i32, %c0_i32_0 : i32, i32
  }
  func.func @transform_2(%arg0: i32) -> (i32, i32) {
    %c0_i32 = arith.constant 0 : i32
    %c0_i32_0 = arith.constant 0 : i32
    %c0_i32_1 = arith.constant 0 : i32
    return %c0_i32, %c0_i32_0 : i32, i32
  }
  func.func @transform_3(%arg0: i32) -> (i32, i32) {
    %c0_i32 = arith.constant 0 : i32
    %c0_i32_0 = arith.constant 0 : i32
    %c0_i32_1 = arith.constant 0 : i32
    return %c0_i32, %c0_i32_0 : i32, i32
  }
  func.func @transform_4(%arg0: i32) -> (i32, i32) {
    %c0_i32 = arith.constant 0 : i32
    %c0_i32_0 = arith.constant 0 : i32
    %c0_i32_1 = arith.constant 0 : i32
    return %c0_i32, %c0_i32_0 : i32, i32
  }
  func.func @transform_5(%arg0: i32) -> (i32, i32) {
    %c0_i32 = arith.constant 0 : i32
    %c0_i32_0 = arith.constant 0 : i32
    %c0_i32_1 = arith.constant 0 : i32
    return %c0_i32, %c0_i32_0 : i32, i32
  }
  func.func @transform_6(%arg0: i32) -> (i32, i32) {
    %c0_i32 = arith.constant 0 : i32
    %c0_i32_0 = arith.constant 0 : i32
    return %arg0, %c0_i32 : i32, i32
  }
  func.func @transform_7(%arg0: i32) -> (i32, i32) {
    %c0_i32 = arith.constant 0 : i32
    %c0_i32_0 = arith.constant 0 : i32
    return %arg0, %c0_i32 : i32, i32
  }
}

module attributes {stable_mosaic.version = 14 : i64} {
  func.func @_tc1_body(%arg0: i32, %arg1: memref<2000x128xf32, #tpu.memory_space<vmem>>, %arg2: memref<2000x128xf32, #tpu.memory_space<vmem>>, %arg3: memref<2000x128xf32, #tpu.memory_space<vmem>>, %arg4: memref<128x128xf32, #tpu.memory_space<vmem>>, %arg5: memref<128x128xf32, #tpu.memory_space<vmem>>, %arg6: memref<128x128xf32, #tpu.memory_space<vmem>>, %arg7: memref<2000x256xbf16, #tpu.memory_space<vmem>>, %arg8: memref<2000x128xf32, #tpu.memory_space<vmem>>) attributes {dimension_semantics = [#tpu.dimension_semantics<arbitrary>], iteration_bounds = array<i64: 5>, scalar_prefetch = 0 : i64, scratch_operands = 0 : i64, tpu.core_type = #tpu.core_type<tc>, window_params = [{transform_indices = @transform_0, window_bounds = array<i64: 2000, 128>}, {transform_indices = @transform_1, window_bounds = array<i64: 2000, 128>}, {transform_indices = @transform_2, window_bounds = array<i64: 2000, 128>}, {pipeline_mode = #tpu.pipeline_mode<synchronous>, transform_indices = @transform_3, window_bounds = array<i64: 128, 128>}, {pipeline_mode = #tpu.pipeline_mode<synchronous>, transform_indices = @transform_4, window_bounds = array<i64: 128, 128>}, {pipeline_mode = #tpu.pipeline_mode<synchronous>, transform_indices = @transform_5, window_bounds = array<i64: 128, 128>}, {transform_indices = @transform_6, window_bounds = array<i64: 2000, 256>}, {transform_indices = @transform_7, window_bounds = array<i64: 2000, 128>}]} {
    %get3A = arith.constant 0 : index
    %get3A_0 = arith.constant 0 : index
    %get3A_1 = vector.load %arg1[%get3A, %get3A_0] : memref<2000x128xf32, #tpu.memory_space<vmem>>, vector<2000x128xf32>
    %get3A_2 = arith.constant 0 : index
    %get3A_3 = arith.constant 0 : index
    %get3A_4 = vector.load %arg2[%get3A_2, %get3A_3] : memref<2000x128xf32, #tpu.memory_space<vmem>>, vector<2000x128xf32>
    %add3A = arith.addf %get3A_1, %get3A_4 : vector<2000x128xf32>
    %get3A_5 = arith.constant 0 : index
    %get3A_6 = arith.constant 0 : index
    %get3A_7 = vector.load %arg3[%get3A_5, %get3A_6] : memref<2000x128xf32, #tpu.memory_space<vmem>>, vector<2000x128xf32>
    %add3A_8 = arith.addf %add3A, %get3A_7 : vector<2000x128xf32>
    %mul3A = arith.mulf %add3A_8, %add3A_8 : vector<2000x128xf32>
    %reduce_sum3A = arith.constant dense<0.000000e+00> : vector<2000xf32>
    %reduce_sum3A_9 = vector.multi_reduction <add>, %mul3A, %reduce_sum3A [1] : vector<2000x128xf32> to vector<2000xf32>
    %broadcast_in_dim3A = vector.shape_cast %reduce_sum3A_9 : vector<2000xf32> to vector<2000x1xf32>
    %sqrt3A = math.sqrt %broadcast_in_dim3A : vector<2000x1xf32>
    %max3A = arith.constant 9.99999996E-13 : f32
    %max3A_10 = vector.broadcast %max3A : f32 to vector<2000x1xf32>
    %max3A_11 = arith.maximumf %sqrt3A, %max3A_10 : vector<2000x1xf32>
    %div3A = vector.broadcast %max3A_11 : vector<2000x1xf32> to vector<2000x128xf32>
    %div3A_12 = arith.divf %add3A_8, %div3A : vector<2000x128xf32>
    %get3A_13 = arith.constant 0 : index
    %get3A_14 = arith.constant 0 : index
    %get3A_15 = vector.load %arg4[%get3A_13, %get3A_14] : memref<128x128xf32, #tpu.memory_space<vmem>>, vector<128x128xf32>
    %dot_general3A = arith.constant dense<0.000000e+00> : vector<2000x128xf32>
    %dot_general3A_16 = tpu.matmul %div3A_12, %get3A_15, %dot_general3A {dimension_numbers = #tpu.dot_dimension_numbers<[1], [1], [0], [0], [0, 0, 1, 0], [], []>, precision = #tpu.contract_precision<fp32>, transpose_lhs_hint = false} : vector<2000x128xf32>, vector<128x128xf32>, vector<2000x128xf32> -> vector<2000x128xf32>
    %convert_element_type3A = arith.truncf %dot_general3A_16 : vector<2000x128xf32> to vector<2000x128xbf16>
    %swap3A = arith.constant 0 : index
    %swap3A_17 = arith.constant 0 : index
    %swap3A_18 = vector.load %arg7[%swap3A, %swap3A_17] : memref<2000x256xbf16, #tpu.memory_space<vmem>>, vector<2000x128xbf16>
    tpu.vector_store %arg7[%swap3A, %swap3A_17], %convert_element_type3A {strides = array<i32>} : memref<2000x256xbf16, #tpu.memory_space<vmem>>, vector<2000x128xbf16>,
    %get3A_19 = arith.constant 0 : index
    %get3A_20 = arith.constant 0 : index
    %get3A_21 = vector.load %arg5[%get3A_19, %get3A_20] : memref<128x128xf32, #tpu.memory_space<vmem>>, vector<128x128xf32>
    %dot_general3A_22 = arith.constant dense<0.000000e+00> : vector<2000x128xf32>
    %dot_general3A_23 = tpu.matmul %div3A_12, %get3A_21, %dot_general3A_22 {dimension_numbers = #tpu.dot_dimension_numbers<[1], [1], [0], [0], [0, 0, 1, 0], [], []>, precision = #tpu.contract_precision<fp32>, transpose_lhs_hint = false} : vector<2000x128xf32>, vector<128x128xf32>, vector<2000x128xf32> -> vector<2000x128xf32>
    %convert_element_type3A_24 = arith.truncf %dot_general3A_23 : vector<2000x128xf32> to vector<2000x128xbf16>
    %swap3A_25 = arith.constant 0 : index
    %swap3A_26 = arith.constant 128 : index
    %swap3A_27 = vector.load %arg7[%swap3A_25, %swap3A_26] : memref<2000x256xbf16, #tpu.memory_space<vmem>>, vector<2000x128xbf16>
    tpu.vector_store %arg7[%swap3A_25, %swap3A_26], %convert_element_type3A_24 {strides = array<i32>} : memref<2000x256xbf16, #tpu.memory_space<vmem>>, vector<2000x128xbf16>,
    %get3A_28 = arith.constant 0 : index
    %get3A_29 = arith.constant 0 : index
    %get3A_30 = vector.load %arg6[%get3A_28, %get3A_29] : memref<128x128xf32, #tpu.memory_space<vmem>>, vector<128x128xf32>
    %dot_general3A_31 = arith.constant dense<0.000000e+00> : vector<2000x128xf32>
    %dot_general3A_32 = tpu.matmul %div3A_12, %get3A_30, %dot_general3A_31 {dimension_numbers = #tpu.dot_dimension_numbers<[1], [1], [0], [0], [0, 0, 1, 0], [], []>, precision = #tpu.contract_precision<fp32>, transpose_lhs_hint = false} : vector<2000x128xf32>, vector<128x128xf32>, vector<2000x128xf32> -> vector<2000x128xf32>
    %max3A_33 = arith.constant 0.000000e+00 : f32
    %max3A_34 = vector.broadcast %max3A_33 : f32 to vector<2000x128xf32>
    %max3A_35 = arith.maximumf %dot_general3A_32, %max3A_34 : vector<2000x128xf32>
    %swap3A_36 = arith.constant 0 : index
    %swap3A_37 = arith.constant 0 : index
    %swap3A_38 = vector.load %arg8[%swap3A_36, %swap3A_37] : memref<2000x128xf32, #tpu.memory_space<vmem>>, vector<2000x128xf32>
    tpu.vector_store %arg8[%swap3A_36, %swap3A_37], %max3A_35 {strides = array<i32>} : memref<2000x128xf32, #tpu.memory_space<vmem>>, vector<2000x128xf32>,
    return
  }
  func.func @transform_0(%arg0: i32) -> (i32, i32) {
    %c0_i32 = arith.constant 0 : i32
    %c0_i32_0 = arith.constant 0 : i32
    return %arg0, %c0_i32 : i32, i32
  }
  func.func @transform_1(%arg0: i32) -> (i32, i32) {
    %c0_i32 = arith.constant 0 : i32
    %c0_i32_0 = arith.constant 0 : i32
    return %arg0, %c0_i32 : i32, i32
  }
  func.func @transform_2(%arg0: i32) -> (i32, i32) {
    %c0_i32 = arith.constant 0 : i32
    %c0_i32_0 = arith.constant 0 : i32
    return %arg0, %c0_i32 : i32, i32
  }
  func.func @transform_3(%arg0: i32) -> (i32, i32) {
    %c0_i32 = arith.constant 0 : i32
    %c0_i32_0 = arith.constant 0 : i32
    %c0_i32_1 = arith.constant 0 : i32
    return %c0_i32, %c0_i32_0 : i32, i32
  }
  func.func @transform_4(%arg0: i32) -> (i32, i32) {
    %c0_i32 = arith.constant 0 : i32
    %c0_i32_0 = arith.constant 0 : i32
    %c0_i32_1 = arith.constant 0 : i32
    return %c0_i32, %c0_i32_0 : i32, i32
  }
  func.func @transform_5(%arg0: i32) -> (i32, i32) {
    %c0_i32 = arith.constant 0 : i32
    %c0_i32_0 = arith.constant 0 : i32
    %c0_i32_1 = arith.constant 0 : i32
    return %c0_i32, %c0_i32_0 : i32, i32
  }
  func.func @transform_6(%arg0: i32) -> (i32, i32) {
    %c0_i32 = arith.constant 0 : i32
    %c0_i32_0 = arith.constant 0 : i32
    return %arg0, %c0_i32 : i32, i32
  }
  func.func @transform_7(%arg0: i32) -> (i32, i32) {
    %c0_i32 = arith.constant 0 : i32
    %c0_i32_0 = arith.constant 0 : i32
    return %arg0, %c0_i32 : i32, i32
  }
}

module attributes {stable_mosaic.version = 14 : i64} {
  func.func @_tc2_body(%arg0: i32, %arg1: memref<2000x128xf32, #tpu.memory_space<vmem>>, %arg2: memref<2000x128xf32, #tpu.memory_space<vmem>>, %arg3: memref<2000x128xf32, #tpu.memory_space<vmem>>, %arg4: memref<40x128xf32, #tpu.memory_space<vmem>>, %arg5: memref<1x40xf32, #tpu.memory_space<vmem>>, %arg6: memref<2000x40xf32, #tpu.memory_space<vmem>>) attributes {dimension_semantics = [#tpu.dimension_semantics<arbitrary>], iteration_bounds = array<i64: 5>, scalar_prefetch = 0 : i64, scratch_operands = 0 : i64, tpu.core_type = #tpu.core_type<tc>, window_params = [{transform_indices = @transform_0, window_bounds = array<i64: 2000, 128>}, {transform_indices = @transform_1, window_bounds = array<i64: 2000, 128>}, {transform_indices = @transform_2, window_bounds = array<i64: 2000, 128>}, {pipeline_mode = #tpu.pipeline_mode<synchronous>, transform_indices = @transform_3, window_bounds = array<i64: 40, 128>}, {pipeline_mode = #tpu.pipeline_mode<synchronous>, transform_indices = @transform_4, window_bounds = array<i64: 1, 40>}, {transform_indices = @transform_5, window_bounds = array<i64: 2000, 40>}]} {
    %get3A = arith.constant 0 : index
    %get3A_0 = arith.constant 0 : index
    %get3A_1 = vector.load %arg1[%get3A, %get3A_0] : memref<2000x128xf32, #tpu.memory_space<vmem>>, vector<2000x128xf32>
    %get3A_2 = arith.constant 0 : index
    %get3A_3 = arith.constant 0 : index
    %get3A_4 = vector.load %arg2[%get3A_2, %get3A_3] : memref<2000x128xf32, #tpu.memory_space<vmem>>, vector<2000x128xf32>
    %add3A = arith.addf %get3A_1, %get3A_4 : vector<2000x128xf32>
    %get3A_5 = arith.constant 0 : index
    %get3A_6 = arith.constant 0 : index
    %get3A_7 = vector.load %arg3[%get3A_5, %get3A_6] : memref<2000x128xf32, #tpu.memory_space<vmem>>, vector<2000x128xf32>
    %add3A_8 = arith.addf %add3A, %get3A_7 : vector<2000x128xf32>
    %mul3A = arith.mulf %add3A_8, %add3A_8 : vector<2000x128xf32>
    %reduce_sum3A = arith.constant dense<0.000000e+00> : vector<2000xf32>
    %reduce_sum3A_9 = vector.multi_reduction <add>, %mul3A, %reduce_sum3A [1] : vector<2000x128xf32> to vector<2000xf32>
    %broadcast_in_dim3A = vector.shape_cast %reduce_sum3A_9 : vector<2000xf32> to vector<2000x1xf32>
    %sqrt3A = math.sqrt %broadcast_in_dim3A : vector<2000x1xf32>
    %max3A = arith.constant 9.99999996E-13 : f32
    %max3A_10 = vector.broadcast %max3A : f32 to vector<2000x1xf32>
    %max3A_11 = arith.maximumf %sqrt3A, %max3A_10 : vector<2000x1xf32>
    %div3A = vector.broadcast %max3A_11 : vector<2000x1xf32> to vector<2000x128xf32>
    %div3A_12 = arith.divf %add3A_8, %div3A : vector<2000x128xf32>
    %get3A_13 = arith.constant 0 : index
    %get3A_14 = arith.constant 0 : index
    %get3A_15 = vector.load %arg4[%get3A_13, %get3A_14] : memref<40x128xf32, #tpu.memory_space<vmem>>, vector<40x128xf32>
    %dot_general3A = arith.constant dense<0.000000e+00> : vector<2000x40xf32>
    %dot_general3A_16 = tpu.matmul %div3A_12, %get3A_15, %dot_general3A {dimension_numbers = #tpu.dot_dimension_numbers<[1], [1], [0], [0], [0, 0, 1, 0], [], []>, precision = #tpu.contract_precision<fp32>, transpose_lhs_hint = false} : vector<2000x128xf32>, vector<40x128xf32>, vector<2000x40xf32> -> vector<2000x40xf32>
    %get3A_17 = arith.constant 0 : index
    %get3A_18 = arith.constant 0 : index
    %get3A_19 = vector.load %arg5[%get3A_17, %get3A_18] : memref<1x40xf32, #tpu.memory_space<vmem>>, vector<1x40xf32>
    %add3A_20 = vector.broadcast %get3A_19 : vector<1x40xf32> to vector<2000x40xf32>
    %add3A_21 = arith.addf %dot_general3A_16, %add3A_20 : vector<2000x40xf32>
    %reduce_max3A = arith.constant dense<0xFF800000> : vector<2000xf32>
    %reduce_max3A_22 = vector.multi_reduction <maximumf>, %add3A_21, %reduce_max3A [1] : vector<2000x40xf32> to vector<2000xf32>
    %broadcast_in_dim3A_23 = vector.shape_cast %reduce_max3A_22 : vector<2000xf32> to vector<2000x1xf32>
    %sub3A = vector.broadcast %broadcast_in_dim3A_23 : vector<2000x1xf32> to vector<2000x40xf32>
    %sub3A_24 = arith.subf %add3A_21, %sub3A : vector<2000x40xf32>
    %exp3A = math.exp %sub3A_24 : vector<2000x40xf32>
    %reduce_sum3A_25 = arith.constant dense<0.000000e+00> : vector<2000xf32>
    %reduce_sum3A_26 = vector.multi_reduction <add>, %exp3A, %reduce_sum3A_25 [1] : vector<2000x40xf32> to vector<2000xf32>
    %broadcast_in_dim3A_27 = vector.shape_cast %reduce_sum3A_26 : vector<2000xf32> to vector<2000x1xf32>
    %log3A = math.log %broadcast_in_dim3A_27 : vector<2000x1xf32>
    %sub3A_28 = vector.broadcast %log3A : vector<2000x1xf32> to vector<2000x40xf32>
    %sub3A_29 = arith.subf %sub3A_24, %sub3A_28 : vector<2000x40xf32>
    %swap3A = arith.constant 0 : index
    %swap3A_30 = arith.constant 0 : index
    %swap3A_31 = vector.load %arg6[%swap3A, %swap3A_30] : memref<2000x40xf32, #tpu.memory_space<vmem>>, vector<2000x40xf32>
    tpu.vector_store %arg6[%swap3A, %swap3A_30], %sub3A_29 {strides = array<i32>} : memref<2000x40xf32, #tpu.memory_space<vmem>>, vector<2000x40xf32>,
    return
  }
  func.func @transform_0(%arg0: i32) -> (i32, i32) {
    %c0_i32 = arith.constant 0 : i32
    %c0_i32_0 = arith.constant 0 : i32
    return %arg0, %c0_i32 : i32, i32
  }
  func.func @transform_1(%arg0: i32) -> (i32, i32) {
    %c0_i32 = arith.constant 0 : i32
    %c0_i32_0 = arith.constant 0 : i32
    return %arg0, %c0_i32 : i32, i32
  }
  func.func @transform_2(%arg0: i32) -> (i32, i32) {
    %c0_i32 = arith.constant 0 : i32
    %c0_i32_0 = arith.constant 0 : i32
    return %arg0, %c0_i32 : i32, i32
  }
  func.func @transform_3(%arg0: i32) -> (i32, i32) {
    %c0_i32 = arith.constant 0 : i32
    %c0_i32_0 = arith.constant 0 : i32
    %c0_i32_1 = arith.constant 0 : i32
    return %c0_i32, %c0_i32_0 : i32, i32
  }
  func.func @transform_4(%arg0: i32) -> (i32, i32) {
    %c0_i32 = arith.constant 0 : i32
    %c0_i32_0 = arith.constant 0 : i32
    %c0_i32_1 = arith.constant 0 : i32
    return %c0_i32, %c0_i32_0 : i32, i32
  }
  func.func @transform_5(%arg0: i32) -> (i32, i32) {
    %c0_i32 = arith.constant 0 : i32
    %c0_i32_0 = arith.constant 0 : i32
    return %arg0, %c0_i32 : i32, i32
  }
}

</mosaic_0001>

<sc_bundles>
// kernel: kernel.10.cloned.1.call-start
scs
__scs_entry_jumppad:
0x0: {  	(pc) =	sbr.rel $0x88, $3  }
0x1: {  	(tag) =	ssettag $0x0;
	lr =	simm.s32 $0x1  }
0x2: {  	[smem:$0x3F98] =	sst lr;
	_ =	strace $0xD0000000  }
0x3: {  	_ = 	snop  }
0x4: {  	_ = 	snop  }
0x5: {  	_ = 	snop  }
0x6: {  	_ = 	snop  }
0x7: {  	_ = 	snop  }
__scs_overlays_trampoline_lowered:
0x8: {  	[smem:$0x3FA7] =	sst s0  }
0x9: {  	[smem:$0x3FA8] =	sst s1  }
0xa: {  	[smem:$0x3FA9] =	sst s2  }
0xb: {  	[smem:$0x3FAA] =	sst s3  }
0xc: {  	[smem:$0x3FAB] =	sst s4  }
0xd: {  	[smem:$0x3FAC] =	sst s5  }
0xe: {  	[smem:$0x3FAD] =	sst s6  }
0xf: {  	[smem:$0x3FAE] =	sst s7  }
0x10: {  	[smem:$0x3FAF] =	sst s8  }
0x11: {  	[smem:$0x3FB0] =	sst s9;
	s0 =	simm.s32 @!p0 $0x0  }
0x12: {  	s1 =	sld [smem:$0x3F96];
	s0 =	simm.s32 @p0 $0x1  }
0x13: {  	[smem:$0x3FB1] =	sst s0;
	s0 =	simm.s32 @!p1 $0x0  }
0x14: {  	s2 =	sld [smem:$0x3F95];
	s0 =	simm.s32 @p1 $0x1  }
0x15: {  	[smem:$0x3FB2] =	sst s0;
	s0 =	simm.s32 @!p2 $0x0  }
0x16: {  	s3 =	sld [smem:$0x3FDB];
	s0 =	simm.s32 @p2 $0x1  }
0x17: {  	s4 =	simm.s32 $0x1BF5;
	[smem:$0x3FB4] =	sst s0  }
0x18: {  	s0 =	sld [smem:$0x3F97];
	_ =	swait.ge [sflag:s4], $0x0  }
0x19: {  	s7 =	sld [smem:$0x3F98]  }
0x1a: {  	s8 =	sadd.s32 $0xFFFFE003, lr  }
0x1b: {  	s9 =	sadd.s32 $0xFFFFFEF7, lr;
	s5 =	simm.s32 $0xFFFFFFFF;
	p2 =	slt.u32 s8, $0xFFFFF086  }
0x1c: {  	p1 =	slt.u32 s9, $0xF7A;
	s5 =	simm.s32 @!p2 $0x0  }
0x1d: {  	s5 =	simm.s32 @p1 $0x1;
	p0 =	seq.s32 s7, s2  }
0x1e: {  	s7 =	smul.u32 @!p0 $0xF7A, s2;
	p2 =	seq.s32 @!p0 s5, $0x0  }
0x1f: {  	s9 =	smul.u32 $0xF7A, s1;
	s8 =	simm.s32 @!p0 $0x1BF5;
	p2 =	por !p2, p0  }
0x20: {  	[sflag:s8] =	ssyncset.s32 @!p0 $0xFFFFF086;
	s6 =	sadd.s32 @!p0 s3, s7;
	s7 =	simm.s32 @!p0 $0x108  }
0x21: {  	s3 =	sadd.s32 s3, s9;
	s6 =	sadd.s32 @!p0 $0x88, s6;
	s7 =	simm.s32 @p2 $0x1082  }
0x22: {  	[simem:s7], [sflag:s8] =	dma.local @!p0 [hbm:s6], $0xF7A  }
0x23: {  	s9 =	sor.u32 $0xD0000000, s2;
	s6 =	simm.s32 $0x108;
	_ =	swait.ge @!p0 [sflag:s8], $0x0  }
0x24: {  	s3 =	sadd.s32 $0x88, s3;
	s6 =	simm.s32 @!p1 $0x1082;
	[sflag:s4] =	ssyncset.s32 $0xFFFFF086  }
0x25: {  	[simem:s6], [sflag:s4] =	dma.local [hbm:s3], $0xF7A  }
0x26: {  	[smem:$0x3F98] =	sst s1;
	(tag) =	ssettag s2;
	_ =	strace s9  }
0x27: {  	s1 =	sld [smem:$0x3FA8]  }
0x28: {  	s2 =	sld [smem:$0x3FA9]  }
0x29: {  	s4 =	sld [smem:$0x3FAB]  }
0x2a: {  	p0 =	seq.s32 s5, $0x0;
	s5 =	sld [smem:$0x3FAC]  }
0x2b: {  	s6 =	sld [smem:$0x3FAD]  }
0x2c: {  	s7 =	sld [smem:$0x3FAE]  }
0x2d: {  	s3 =	simm.s32 $0x108;
	s8 =	sld [smem:$0x3FAF]  }
0x2e: {  	s3 =	simm.s32 @!p0 $0x1082;
	s9 =	sld [smem:$0x3FB0]  }
0x2f: {  	lr =	sadd.s32 s0, s3;
	s0 =	sld [smem:$0x3FA7]  }
0x30: {  	s3 =	sld [smem:$0x3FAA]  }
0x31: {  	[smem:$0x3FB3] =	sst s10  }
0x32: {  	s10 =	sld [smem:$0x3FB1];
	_ =	sdelay $0x3  }
0x33: {  	p0 =	seq.s32 s10, $0x1;
	s10 =	sld [smem:$0x3FB3];
	_ =	sdelay $0x3  }
0x34: {  	[smem:$0x3FB3] =	sst s10  }
0x35: {  	s10 =	sld [smem:$0x3FB2];
	_ =	sdelay $0x3  }
0x36: {  	p1 =	seq.s32 s10, $0x1;
	s10 =	sld [smem:$0x3FB3];
	_ =	sdelay $0x3  }
0x37: {  	[smem:$0x3FB3] =	sst s10  }
0x38: {  	s10 =	sld [smem:$0x3FB4]  }
0x39: {  	_ = 	snop;
	(pc) =	sbr.ind lr, $3  }
0x3a: {  	_ = 	snop  }
0x3b: {  	_ = 	snop  }
0x3c: {  	p2 =	seq.s32 s10, $0x1;
	s10 =	sld [smem:$0x3FB3]  }
0x3d: {  	_ =	shalt  }
0x3e: {  	_ =	shalt  }
0x3f: {  	_ =	shalt  }
0x40: {  	_ =	shalt  }
0x41: {  	_ =	shalt  }
0x42: {  	_ =	shalt  }
0x43: {  	_ =	shalt  }
0x44: {  	_ =	shalt  }
0x45: {  	_ =	shalt  }
0x46: {  	_ =	shalt  }
0x47: {  	_ =	shalt  }
0x48: {  	_ =	shalt  }
0x49: {  	_ =	shalt  }
0x4a: {  	_ =	shalt  }
0x4b: {  	_ =	shalt  }
0x4c: {  	_ =	shalt  }
0x4d: {  	_ =	shalt  }
0x4e: {  	_ =	shalt  }
0x4f: {  	_ =	shalt  }
0x50: {  	_ =	shalt  }
0x51: {  	_ =	shalt  }
0x52: {  	_ =	shalt  }
0x53: {  	_ =	shalt  }
0x54: {  	_ =	shalt  }
0x55: {  	_ =	shalt  }
0x56: {  	_ =	shalt  }
0x57: {  	_ =	shalt  }
0x58: {  	_ =	shalt  }
0x59: {  	_ =	shalt  }
0x5a: {  	_ =	shalt  }
0x5b: {  	_ =	shalt  }
0x5c: {  	_ =	shalt  }
0x5d: {  	_ =	shalt  }
0x5e: {  	_ =	shalt  }
0x5f: {  	_ =	shalt  }
0x60: {  	_ =	shalt  }
0x61: {  	_ =	shalt  }
0x62: {  	_ =	shalt  }
0x63: {  	_ =	shalt  }
0x64: {  	_ =	shalt  }
0x65: {  	_ =	shalt  }
0x66: {  	_ =	shalt  }
0x67: {  	_ =	shalt  }
0x68: {  	_ =	shalt  }
0x69: {  	_ =	shalt  }
0x6a: {  	_ =	shalt  }
0x6b: {  	_ =	shalt  }
0x6c: {  	_ =	shalt  }
0x6d: {  	_ =	shalt  }
0x6e: {  	_ =	shalt  }
0x6f: {  	_ =	shalt  }
0x70: {  	_ =	shalt  }
0x71: {  	_ =	shalt  }
0x72: {  	_ =	shalt  }
0x73: {  	_ =	shalt  }
0x74: {  	_ =	shalt  }
0x75: {  	_ =	shalt  }
0x76: {  	_ =	shalt  }
0x77: {  	_ =	shalt  }
0x78: {  	_ =	shalt  }
0x79: {  	_ =	shalt  }
0x7a: {  	_ =	shalt  }
0x7b: {  	_ =	shalt  }
0x7c: {  	_ =	shalt  }
0x7d: {  	_ =	shalt  }
0x7e: {  	_ =	shalt  }
0x7f: {  	_ =	shalt  }
0x80: {  	_ =	shalt  }
0x81: {  	_ =	shalt  }
0x82: {  	_ =	shalt  }
0x83: {  	_ =	shalt  }
0x84: {  	_ =	shalt  }
0x85: {  	_ =	shalt  }
0x86: {  	_ =	shalt  }
0x87: {  	_ =	shalt  }
.Lfunc_end0:
.L_simem_size_0:
called_computation.1_lowered:
.L_overlay_start_0:
0x88: {  	s2 =	sld [smem:$0x3FD9]  }
0x89: {  	s3 =	sld [smem:$0x3FFE];
	_ =	sdelay $0x1  }
0x8a: {  	s1 =	srdreg.scid  }
0x8b: {  	s0 =	sand.u32 $0x1, s1  }
0x8c: {  	s17 =	sshll.u32 s0, $0xA;
	s2 =	sadd.s32 s3, s2  }
0x8d: {  	s2 =	sadd.s32 s2, s17  }
0x8e: {  	[smem:$0x3FBF] =	sst s2  }
0x8f: {  	_ = 	snop  }
0x90: {  	s2 =	sld [smem:$0x3FD0];
	(tm) =	ssettm $0x1  }
0x91: {  	s18 =	sld [smem:$0x3FFB];
	_ =	sdelay $0x3  }
0x92: {  	_ =	strace s18  }
0x93: {  	s3 =	sld [smem:$0x3FFC];
	_ =	sdelay $0x3  }
0x94: {  	_ =	strace s3  }
0x95: {  	s3 =	sld [smem:$0x3FFD];
	_ =	sdelay $0x3  }
0x96: {  	_ =	strace s3  }
0x97: {  	_ =	strace $0x8FFFFFFF  }
0x98: {  	s19 =	sld [smem:$0x3FDB];
	_ =	sdelay $0x1  }
0x99: {  	s4 =	simm.s32 $_scs_section_size  }
0x9a: {  	s5 =	simm.s32 $_size__tile_overlayer_lowered;
	s6 =	simm.s32 $_tile_overlayer_lowered  }
0x9b: {  	s22 =	simm.s32 $0x1BFF;
	s21 =	sshll.u32 s6, $0x1;
	s3 =	sadd.s32 s4, s19  }
0x9c: {  	s7 =	simm.s32 $0x0;
	s20 =	sshll.u32 s5, $0x1;
	s5 =	sadd.s32 s21, s3  }
0x9d: {  	[timem:s7], [sflag:s22] =	dma.local [hbm:s5], s20  }
0x9e: {  	_ =	swait.ge [sflag:s22], s20  }
0x9f: {  	s4 =	ssub.s32 $0x0, s20;
	[sflag:s22] =	ssyncset.done $0x0  }
0xa0: {  	[sflag:s22] =	ssyncadd.s32 s4;
	_ =	sdelay $0x1  }
0xa1: {  	s23 =	simm.s32 $0x1B8B  }
0xa2: {  	_ =	swait.ge [sflag:s23], $0x1  }
0xa3: {  	[sflag:s23] =	ssyncset.done $0x0  }
0xa4: {  	s25 =	simm.s32 $0x1B8E;
	s24 =	sld [smem:$0x3FFE];
	[sflag:s23] =	ssyncadd.s32 $0xFFFFFFFF  }
0xa5: {  	s26 =	simm.s32 $execute0_lowered;
	[smem:$0x3FD2] =	sst s25  }
0xa6: {  	s5 =	sshll.u32 s26, $0x1;
	_ =	strace $0x80000049;
	[dreg:$0x1] =	wrdreg $0xFFFFFFFF  }
0xa7: {  	s28 =	simm.s32 $_size_execute0_lowered;
	s3 =	sadd.s32 s3, s5;
	[dreg:$0x0] =	wrdreg $0x0  }
0xa8: {  	s5 =	sshll.u32 s28, $0x1;
	[dreg:$0x2] =	wrdreg s3  }
0xa9: {  	[dreg:$0x3] =	wrdreg s5  }
0xaa: {  	[dreg:$0x4] =	wrdreg $0xC0  }
0xab: {  	_ =	task [dreg:s7], $0x5FFFF  }
0xac: {  	[dreg:$0x1] =	wrdreg $0xFFFFFFFF  }
0xad: {  	[dreg:$0x0] =	wrdreg $0x60  }
0xae: {  	[dreg:$0x2] =	wrdreg s24  }
0xaf: {  	[dreg:$0x3] =	wrdreg s2  }
0xb0: {  	[dreg:$0x4] =	wrdreg $0x83000  }
0xb1: {  	[dreg:$0x5] =	wrdreg $0x9  }
0xb2: {  	_ =	task.clear_ibuf [dreg:s7], $0x6FFFF;
	_ =	strace $0x90000049  }
0xb3: {  	s29 =	simm.s32 $0x9;
	_ =	strace $0x8000004B  }
0xb4: {  	_ =	swait.ge [sflag:s29], $0x1  }
0xb5: {  	[sflag:s29] =	ssyncadd.s32 $0xFFFFFFFF  }
0xb6: {  	_ =	strace $0x9000004B  }
0xb7: {  	_ =	sfence  }
0xb8: {  	s30 =	sld [smem:$0x0];
	_ =	sdelay $0x2  }
0xb9: {  	s31 =	sshll.u32 s1, $0xD;
	s1 =	sshrl.u32 s1, $0x2  }
0xba: {  	s3 =	sand.u32 $0x4000, s31;
	s1 =	sadd.s32 s1, s30  }
0xbb: {  	s0 =	sor.u32 s3, s0;
	s1 =	sshll.u32 s1, $0x11  }
0xbc: {  	s0 =	sor.u32 s1, s0  }
0xbd: {  	s0 =	sadd.s32 $0x8F2B, s0  }
0xbe: {  	[sflag:s0] =	ssyncadd.remote.s32 $0x1  }
0xbf: {  	_ =	sfence.sel $0xFFFF  }
0xc0: {  	[dreg:$0x0] =	wrdreg $0xFFFFFFFF;
	(pc) =	sbr.abs _section_cstart, $3  }
0xc1: {  	[dreg:$0x1] =	wrdreg $0xFFFFFFFF  }
0xc2: {  	_ =	task.clear_ibuf [dreg:s7], $0x2FFFF;
	_ =	strace $0x9FFFFFFF  }
0xc3: {  	(tm) =	ssettm $0x7FFFFFFF  }
tec
execute0_lowered:
.L_overlay_start_1:
0x0: {  	(tag) =	ssettag $0x1  }
0x1: {  	s0 =	rddreg [dreg:$0x0]  }
0x2: {  	s1 =	rddreg [dreg:$0x1]  }
0x3: {  	s2 =	rddreg [dreg:$0x2];
	s3 =	simm.s32 $0x0;
	s4 =	srdreg.scid  }
0x4: {  	s15 =	stileid.u32;
	s18 =	simm.s32 $0x7B00;
	s19 =	simm.s32 $0x6  }
0x5: {  	s20 =	simm.s32 $0x80;
	s21 =	simm.s32 $0x28;
	s28 =	simm.s32 $0x1600  }
0x6: {  	s29 =	simm.s32 $0x3E00;
	s30 =	simm.s32 $0x2;
	s31 =	simm.s32 $0x7A00  }
0x7: {  	[smem:$0x7FF] =	sst s3;
	s5 =	sadd.s32 $0x1000, s0;
	s6 =	sadd.s32 $0x28200, s0  }
0x8: {  	s4 =	sand.u32 $0x1, s4;
	s9 =	smul.u32 $0x4E000, s15;
	s0 =	sadd.s32 $0x32000, s0  }
0x9: {  	s14 =	smul.u32 $0x2700, s15;
	p0 =	sne.s32 s15, $0xF;
	_ =	strace $0x8000004A  }
0xa: {  	s7 =	ssub.s32 $0x2, s4;
	s8 =	sshll.u32 s4, $0x4;
	s23 =	smul.u32 $0x27100, s4  }
0xb: {  	s4 =	smul.u32 $0x138800, s4;
	s10 =	sshrl.u32 s7, $0x1;
	s8 =	sor.u32 s15, s8  }
0xc: {  	s22 =	sshrl.u32 s9, $0x2;
	s10 =	ssub.s32 s7, s10;
	s11 =	smul.u32 $0x2710, s8  }
0xd: {  	s7 =	sadd.s32 s22, s2;
	s8 =	sadd.s32 $0x138000, s2;
	s9 =	sadd.s32 s14, s23  }
0xe: {  	s4 =	sshrl.u32 s4, $0x3;
	s22 =	simm.s32 $0x3;
	s23 =	simm.s32 $0x7A80  }
0xf: {  	s9 =	sadd.s32 s0, s9;
	s0 =	sadd.s32 s0, s4;
	s26 =	smax.u32 s10, $0x1  }
0x10: {  	s4 =	simm.s32 $0x6600;
	s12 =	sshrl.u32 s11, $0x3;
	s13 =	sadd.s32 $0x28, s11  }
0x11: {  	s14 =	sadd.s32 $0x78, s11;
	[dreg:$0x8] =	wrdreg s9;
	s0 =	sadd.s32 $0x27000, s0  }
0x12: {  	[dreg:$0xa] =	wrdreg s26;
	s26 =	simm.s32 $0x1;
	s9 =	simm.s32 $0x0  }
.Ltmp0:
0x13: {  	s16 =	sadd.s32 s6, s12;
	[dreg:$0x9] =	wrdreg s0;
	(pc) =	sbr.rel .LBB2_1-.Ltmp0, $4  }
0x14: {  	s13 =	sshrl.u32 s13, $0x3;
	s12 =	sadd.s32 s1, s12;
	[dreg:$0x4] =	wrdreg s16  }
0x15: {  	s0 =	simm.s32 $0x5200;
	[dreg:$0x5] =	wrdreg s12;
	s24 =	sadd.s32 s6, s13  }
0x16: {  	v1 =	vlaneseq.u32;
	s25 =	sadd.s32 s1, s13;
	s13 =	sadd.s32 $0x50, s11;
	[dreg:$0x6] =	wrdreg s24  }
0x17: {  	v0 =	vimm.f32 $0.0e+00;
	v1 =	vor.u32 $0x20, v1;
	[dreg:$0x7] =	wrdreg s25;
	s24 =	simm.s32 $0x100;
	s25 =	simm.s32 $0x180  }
.LBB2_12:
0x18: {  	s10 =	stileid.u32  }
0x19: {  	[bflag:$0x0] =	sbarrier.arrive $0xFFFF;
	s10 =	sshll.u32 s10, $0x6  }
0x1a: {  	s11 =	sshrl.u32 s7, $0x3;
	s12 =	rddreg [dreg:$0x8];
	s10 =	sor.u32 $0x1C06, s10  }
0x1b: {  	[hbm:s12], [sflag:s10] =	dma.local [spmem:s11], $0x2700  }
0x1c: {  	_ =	swait.ge [sflag:s19], $0x2700  }
0x1d: {  	[sflag:s19] =	ssyncset.done $0x0  }
0x1e: {  	s11 =	sshrl.u32 @!p0 s8, $0x3;
	s12 =	rddreg [dreg:$0x9];
	[sflag:s19] =	ssyncadd.s32 $0xFFFFD900  }
0x1f: {  	[hbm:s12], [sflag:s10] =	dma.local @!p0 [spmem:s11], $0x100  }
0x20: {  	s10 =	simm.s32 @!p0 $0x6  }
0x21: {  	_ =	swait.ge @!p0 [sflag:s10], $0x100  }
0x22: {  	s9 =	sadd.s32 $0x1, s9;
	s17 =	rddreg [dreg:$0xa]  }
0x23: {  	p1 =	sne.s32 s9, s17  }
.Ltmp1:
0x24: {  	_ = 	snop;
	(pc) =	sbr.rel @!p1 .LBB2_13-.Ltmp1, $3  }
0x25: {  	_ =	sdelay $0x1  }
0x26: {  	[sflag:s10] =	ssyncset.done @!p0 $0x0  }
0x27: {  	[sflag:s10] =	ssyncadd.s32 @!p0 $0xFFFFFF00  }
.LBB2_1:
0x28: {  	s10 =	simm.s32 $0x0;
	s11 =	simm.s32 $0x200  }
.LBB2_2:
0x29: {  	p1 =	sne.s32 s11, $0x1E00;
	[tilespmem:s10+$0x7B70] =	vst v0  }
0x2a: {  	[tilespmem:s10+$0x7B00] =	vst v0  }
0x2b: {  	[tilespmem:s10+$0x7B10] =	vst v0  }
.Ltmp2:
0x2c: {  	[tilespmem:s10+$0x7B20] =	vst v0;
	(pc) =	sbr.rel @p1 .LBB2_2-.Ltmp2, $4  }
0x2d: {  	[tilespmem:s10+$0x7B30] =	vst v0  }
0x2e: {  	[tilespmem:s10+$0x7B40] =	vst v0  }
0x2f: {  	[tilespmem:s10+$0x7B50] =	vst v0  }
0x30: {  	[tilespmem:s10+$0x7B60] =	vst v0;
	s10 =	sshra.s32 s11, $0x2;
	s11 =	sadd.s32 $0x200, s11  }
0x31: {  	[tilespmem:s10+$0x7B70] =	vst v0  }
0x32: {  	[tilespmem:s10+$0x7B00] =	vst v0  }
0x33: {  	[tilespmem:s10+$0x7B10] =	vst v0  }
0x34: {  	[tilespmem:s10+$0x7B20] =	vst v0  }
0x35: {  	[tilespmem:s10+$0x7B30] =	vst v0  }
0x36: {  	[tilespmem:s10+$0x7B40] =	vst v0  }
0x37: {  	[tilespmem:s10+$0x7B50] =	vst v0  }
0x38: {  	[tilespmem:s10+$0x7B60] =	vst v0;
	s17 =	sadd.s32 $0x0, s7  }
0x39: {  	[spmem:s17] =	stream.linear.scatter [tilespmem:s18], [sflag:$0x6], $0x800, $0x38;
	[tilespmem:$0x1BB80] =	vst v63  }
0x3a: {  	s10 =	simm.s32 $0x2000;
	_ =	swait.ge [sflag:s19], $0x800  }
.LBB2_4:
0x3b: {  	s11 =	sshra.s32 s10, $0x2;
	[sflag:s19] =	ssyncset.done $0x0;
	p1 =	sne.s32 s10, $0x4C000  }
.Ltmp3:
0x3c: {  	s11 =	sadd.s32 s11, s7;
	[sflag:s19] =	ssyncadd.s32 $0xFFFFF800;
	(pc) =	sbr.rel @p1 .LBB2_4-.Ltmp3, $3  }
0x3d: {  	[spmem:s11] =	stream.linear.scatter [tilespmem:s18], [sflag:$0x6], $0x800, $0x38;
	[tilespmem:$0x1BB80] =	vst v63  }
0x3e: {  	s10 =	sadd.s32 $0x2000, s10;
	_ =	sdelay $0x1  }
0x3f: {  	_ =	swait.ge [sflag:s19], $0x800  }
0x40: {  	[sflag:s19] =	ssyncset.done $0x0  }
0x41: {  	s10 =	simm.s32 @!p0 $0x7B00;
	[sflag:s19] =	ssyncadd.s32 $0xFFFFF800  }
0x42: {  	[spmem:s8] =	stream.linear.scatter @!p0 [tilespmem:s10], [sflag:$0x6], $0x800, $0x38;
	[tilespmem:$0x1BB80] =	vst v63  }
0x43: {  	s10 =	simm.s32 @!p0 $0x6  }
0x44: {  	_ =	swait.ge @!p0 [sflag:s10], $0x800  }
0x45: {  	[sflag:s10] =	ssyncset.done @!p0 $0x0  }
0x46: {  	[sflag:s10] =	ssyncadd.s32 @!p0 $0xFFFFF800  }
0x47: {  	[bflag:$0x0] =	sbarrier.arrive $0xFFFF  }
0x48: {  	s10 =	simm.s32 $0x0;
	s11 =	rddreg [dreg:$0x4]  }
0x49: {  	[tilespmem:s10], [sflag:$0x6] =	stream.linear.gather [hbm4b:s11+s10], $0x28, $0x38;
	[tilespmem:$0x1BB80] =	vst v63  }
0x4a: {  	_ =	swait.ge [sflag:s19], $0x28  }
0x4b: {  	[sflag:s19] =	ssyncset.done $0x0  }
0x4c: {  	s17 =	rddreg [dreg:$0x5];
	[sflag:s19] =	ssyncadd.s32 $0xFFFFFFD8  }
0x4d: {  	[tilespmem:s20], [sflag:$0x6] =	stream.linear.gather [hbm4b:s17+s10], $0x28, $0x38;
	[tilespmem:$0x1BB80] =	vst v63  }
0x4e: {  	_ =	swait.ge [sflag:s19], $0x28  }
0x4f: {  	[sflag:s19] =	ssyncset.done $0x0  }
0x50: {  	s12 =	simm.s32 $0x200;
	[sflag:s19] =	ssyncadd.s32 $0xFFFFFFD8  }
0x51: {  	[tilespmem:s12], [sflag:$0x2] =	stream.indirect.gather [hbm4b:s5+s21], $0x80, s10, s21, $0xb8;
	[tilespmem:$0x1BB80] =	vst v63  }
0x52: {  	s15 =	simm.s32 $0x2A00  }
0x53: {  	[tilespmem:s15], [sflag:$0x2] =	stream.indirect.gather [hbm4b:s5+s21], $0x80, s20, s21, $0xb8;
	[tilespmem:$0x1BB80] =	vst v63  }
0x54: {  	s16 =	rddreg [dreg:$0x6]  }
0x55: {  	[tilespmem:s24], [sflag:$0x1] =	stream.linear.gather [hbm4b:s16+s10], $0x28, $0x38;
	[tilespmem:$0x1BB80] =	vst v63  }
0x56: {  	s17 =	rddreg [dreg:$0x7]  }
0x57: {  	[tilespmem:s25], [sflag:$0x1] =	stream.linear.gather [hbm4b:s17+s10], $0x28, $0x38;
	[tilespmem:$0x1BB80] =	vst v63  }
.LBB2_6:
0x58: {  	_ =	swait.ge [sflag:s26], $0x28  }
0x59: {  	[sflag:s26] =	ssyncset.done $0x0  }
0x5a: {  	[sflag:s26] =	ssyncadd.s32 $0xFFFFFFD8  }
0x5b: {  	_ =	swait.ge [sflag:s26], $0x28  }
0x5c: {  	[sflag:s26] =	ssyncset.done $0x0  }
0x5d: {  	[sflag:s26] =	ssyncadd.s32 $0xFFFFFFD8  }
0x5e: {  	[tilespmem:s28], [sflag:$0x3] =	stream.indirect.gather [hbm4b:s5+s21], $0x80, s24, s21, $0xb8;
	[tilespmem:$0x1BB80] =	vst v63  }
0x5f: {  	_ = 	snop  }
0x60: {  	[tilespmem:s29], [sflag:$0x3] =	stream.indirect.gather [hbm4b:s5+s21], $0x80, s25, s21, $0xb8;
	[tilespmem:$0x1BB80] =	vst v63  }
0x61: {  	_ =	swait.ge [sflag:s30], $0x1400  }
0x62: {  	[sflag:s30] =	ssyncset.done $0x0  }
0x63: {  	[sflag:s30] =	ssyncadd.s32 $0xFFFFEC00  }
0x64: {  	_ =	swait.ge [sflag:s30], $0x1400  }
0x65: {  	[sflag:s30] =	ssyncset.done $0x0  }
0x66: {  	s11 =	simm.s32 $0x0;
	[sflag:s30] =	ssyncadd.s32 $0xFFFFEC00  }
0x67: {  	v2 =	vld [tilespmem:s11+$0x220]  }
0x68: {  	v3 =	vld [tilespmem:s11+$0x2A60]  }
0x69: {  	v4 =	vld [tilespmem:s11+$0x200]  }
0x6a: {  	v5 =	vld [tilespmem:s11+$0x2A40]  }
0x6b: {  	v6 =	vld [tilespmem:s11+$0x210]  }
0x6c: {  	v7 =	vld [tilespmem:s11+$0x2A50];
	_ =	sdelay $0x1  }
0x6d: {  	v9 =	vld [tilespmem:s11+$0x230];
	v8 =	vunpack.i.u.bf16.f32 v2  }
0x6e: {  	v13 =	vld [tilespmem:s11+$0x2A70];
	v10 =	vunpack.i.l.bf16.f32 v2;
	v11 =	vunpack.i.u.bf16.f32 v4;
	v4 =	vunpack.i.l.bf16.f32 v4  }
0x6f: {  	v2 =	vunpack.i.l.bf16.f32 v3;
	v12 =	vunpack.i.u.bf16.f32 v5;
	v5 =	vunpack.i.l.bf16.f32 v5  }
0x70: {  	v14 =	vunpack.i.u.bf16.f32 v6;
	v6 =	vunpack.i.l.bf16.f32 v6;
	v15 =	vunpack.i.u.bf16.f32 v7  }
0x71: {  	v7 =	vunpack.i.l.bf16.f32 v7;
	v5 =	vmul.f32 v5, v4;
	v12 =	vmul.f32 v12, v11  }
0x72: {  	v3 =	vunpack.i.u.bf16.f32 v3;
	v7 =	vmul.f32 v7, v6;
	v15 =	vmul.f32 v15, v14  }
0x73: {  	v16 =	vunpack.i.l.bf16.f32 v9;
	v17 =	vunpack.i.l.bf16.f32 v13;
	v2 =	vmul.f32 v2, v10  }
0x74: {  	v3 =	vmul.f32 v3, v8;
	v5 =	vadd.f32 v5, v12;
	v7 =	vadd.f32 v7, v15  }
0x75: {  	v18 =	vunpack.i.u.bf16.f32 v9;
	v9 =	vunpack.i.u.bf16.f32 v13;
	v12 =	vmul.f32 v17, v16  }
0x76: {  	v2 =	vadd.f32 v2, v3;
	v3 =	vmul.f32 v9, v18;
	v5 =	vadd.f32 v7, v5;
	_ =	sdelay $0x1  }
0x77: {  	v3 =	vadd.f32 v12, v3;
	v2 =	vadd.f32 v2, v5;
	_ =	sdelay $0x1  }
0x78: {  	v2 =	vadd.f32 v3, v2  }
0x79: {  	s12 =	simm.s32 $0x80  }
0x7a: {  	v23 =	vld [tilespmem:s12+$0x2A70];
	(xrf2) =	vadd.scan.msk.f32 $0xffff, v2  }
0x7b: {  	v13 =	vld [tilespmem:s12+$0x210]  }
0x7c: {  	v15 =	vld [tilespmem:s12+$0x2A50]  }
0x7d: {  	v7 =	vld [tilespmem:s12+$0x2A60]  }
0x7e: {  	v12 =	vld [tilespmem:s12+$0x2A40]  }
0x7f: {  	v5 =	vld [tilespmem:s12+$0x220]  }
0x80: {  	v9 =	vld [tilespmem:s12+$0x200];
	v22 =	vunpack.i.u.bf16.f32 v13  }
0x81: {  	v13 =	vunpack.i.l.bf16.f32 v13;
	v24 =	vunpack.i.u.bf16.f32 v15;
	v15 =	vunpack.i.l.bf16.f32 v15  }
0x82: {  	v28 =	vunpack.i.l.bf16.f32 v23;
	v3 =	vld [tilespmem:s12+$0x230];
	v15 =	vmul.f32 v15, v13;
	v24 =	vmul.f32 v24, v22  }
0x83: {  	v17 =	vunpack.i.l.bf16.f32 v7;
	v21 =	vunpack.i.u.bf16.f32 v12;
	v12 =	vunpack.i.l.bf16.f32 v12  }
0x84: {  	v7 =	vunpack.i.u.bf16.f32 v7;
	v19 =	vunpack.i.u.bf16.f32 v5;
	v20 =	vunpack.i.l.bf16.f32 v5;
	v25, _, _ =	vpop (xrf2)  }
0x85: {  	v5 =	vunpack.i.u.bf16.f32 v9;
	v9 =	vunpack.i.l.bf16.f32 v9;
	v25 =	vmul.f32 $1.442695020e+00, v25  }
0x86: {  	v26 =	vld [tilespmem:s11+$0x240];
	v15 =	vadd.f32 v15, v24;
	v12 =	vmul.f32 v12, v9;
	v21 =	vmul.f32 v21, v5  }
0x87: {  	v2 =	vunpack.i.u.bf16.f32 v3;
	v27 =	vunpack.i.l.bf16.f32 v3;
	v3 =	vbroadcast v25, $0xF  }
0x88: {  	v17 =	vmul.f32 v17, v20;
	v7 =	vmul.f32 v7, v19;
	v12 =	vadd.f32 v12, v21  }
0x89: {  	v21 =	vmul.f32 v28, v27;
	v25 =	vld [tilespmem:s11+$0x250];
	(erf) = vpow2.f32 v3;
	v3 =	vunpack.i.u.bf16.f32 v23  }
0x8a: {  	v7 =	vadd.f32 v17, v7;
	v12 =	vadd.f32 v15, v12;
	v15 =	vld [tilespmem:s12+$0x240];
	v3 =	vmul.f32 v3, v2  }
0x8b: {  	v31 =	vunpack.i.u.bf16.f32 v26;
	v23 =	vld [tilespmem:s11+$0x260]  }
0x8c: {  	v30 =	vunpack.i.l.bf16.f32 v26;
	v7 =	vadd.f32 v7, v12;
	v12 =	vld [tilespmem:s12+$0x250];
	v3 =	vadd.f32 v21, v3  }
0x8d: {  	v33 =	vadd.f32 v31, v11;
	v24 =	vadd.f32 v30, v4  }
0x8e: {  	s15 =	simm.s32 $0x100;
	v4 =	vld [tilespmem:s12+$0x260];
	v32 =	vunpack.i.u.bf16.f32 v25;
	v34 =	vunpack.i.l.bf16.f32 v25;
	v3 =	vadd.f32 v3, v7  }
0x8f: {  	v26 =	vld [tilespmem:s15+$0x2A60];
	v37 =	vadd.f32 v34, v6;
	v40 =	vadd.f32 v32, v14  }
0x90: {  	v21 =	vld [tilespmem:s11+$0x270];
	v6 =	vunpack.i.u.bf16.f32 v15;
	v35 =	vunpack.i.l.bf16.f32 v23;
	v38 =	vunpack.i.u.bf16.f32 v23;
	(xrf2) =	vadd.scan.msk.f32 $0xffff, v3  }
0x91: {  	v28 =	vld [tilespmem:s15+$0x200];
	v7 =	vunpack.i.u.bf16.f32 v12;
	v41 =	vadd.f32 v35, v10;
	v43 =	vadd.f32 v38, v8  }
0x92: {  	v25 =	vld [tilespmem:s15+$0x220];
	v8 =	vunpack.i.l.bf16.f32 v15;
	v15 =	vunpack.i.l.bf16.f32 v12;
	v10 =	vadd.f32 v6, v5  }
0x93: {  	v23 =	vld [tilespmem:s15+$0x230];
	v5 =	vunpack.i.l.bf16.f32 v4;
	v17 =	vadd.f32 v7, v22;
	v12 =	vadd.f32 v8, v9;
	v11 =	vpop (erf)  }
0x94: {  	v22 =	vld [tilespmem:s15+$0x2A40];
	v3 =	vunpack.i.u.bf16.f32 v4;
	v9 =	vadd.f32 v15, v13;
	v4 =	vadd.f32 $1.000000000e+00, v11  }
0x95: {  	v14 =	vadd.f32 v5, v20;
	v46 =	vunpack.i.l.bf16.f32 v21;
	v11 =	vadd.f32 v3, v19;
	v19 =	vld [tilespmem:s15+$0x210]  }
0x96: {  	v20 =	vunpack.i.u.bf16.f32 v21;
	v44 =	vadd.f32 v46, v16;
	v16 =	vld [tilespmem:s15+$0x2A50];
	(erf) = vrcp.f32 v4  }
0x97: {  	v42 =	vunpack.i.u.bf16.f32 v25;
	v45 =	vunpack.i.l.bf16.f32 v25;
	v25 =	vunpack.i.l.bf16.f32 v26  }
0x98: {  	v21 =	vunpack.i.l.bf16.f32 v28;
	v13 =	vunpack.i.u.bf16.f32 v23;
	v4 =	vunpack.i.l.bf16.f32 v23  }
0x99: {  	v29 =	vld [tilespmem:s15+$0x2A70];
	v23 =	vunpack.i.u.bf16.f32 v28;
	v28 =	vunpack.i.u.bf16.f32 v22;
	v22 =	vunpack.i.l.bf16.f32 v22  }
0x9a: {  	v39 =	vunpack.i.u.bf16.f32 v19;
	v47 =	vunpack.i.l.bf16.f32 v19;
	v19 =	vmul.f32 v25, v45;
	v25, _, _ =	vpop (xrf2)  }
0x9b: {  	v22 =	vmul.f32 v22, v21;
	v36 =	vunpack.i.l.bf16.f32 v16;
	v25 =	vmul.f32 $1.442695020e+00, v25  }
0x9c: {  	v48 =	vld [tilespmem:s15+$0x240];
	v28 =	vmul.f32 v28, v23;
	v16 =	vunpack.i.u.bf16.f32 v16;
	v36 =	vmul.f32 v36, v47  }
0x9d: {  	v49 =	vld [tilespmem:s15+$0x250];
	v26 =	vunpack.i.u.bf16.f32 v26;
	v16 =	vmul.f32 v16, v39;
	v25 =	vbroadcast v25, $0xF  }
0x9e: {  	v50 =	vunpack.i.l.bf16.f32 v29;
	v18 =	vadd.f32 v20, v18;
	v26 =	vmul.f32 v26, v42  }
0x9f: {  	v51 =	vld [tilespmem:s15+$0x260];
	v22 =	vadd.f32 v22, v28;
	v16 =	vadd.f32 v36, v16;
	v52 =	vpop (erf);
	(erf) = vpow2.f32 v25  }
0xa0: {  	v28 =	vmul.f32 v50, v4;
	v26 =	vadd.f32 v19, v26;
	v25 =	vunpack.i.u.bf16.f32 v29  }
0xa1: {  	v19 =	vunpack.i.l.bf16.f32 v48;
	v22 =	vadd.f32 v16, v22;
	v25 =	vmul.f32 v25, v13  }
0xa2: {  	v21 =	vadd.f32 v19, v21;
	v16 =	vunpack.i.u.bf16.f32 v49;
	v18 =	vmul.f32 v18, v52  }
0xa3: {  	v22 =	vadd.f32 v26, v22;
	v59 =	vmul.f32 v52, v24;
	v28 =	vadd.f32 v28, v25  }
0xa4: {  	v26 =	vunpack.i.u.bf16.f32 v51;
	v60 =	vmul.f32 v52, v33;
	v37 =	vmul.f32 v52, v37  }
0xa5: {  	s16 =	simm.s32 $0x180;
	v58 =	vld [tilespmem:s12+$0x270];
	v40 =	vmul.f32 v52, v40;
	v41 =	vmul.f32 v41, v52;
	v57 =	vadd.f32 v28, v22  }
0xa6: {  	v36 =	vld [tilespmem:s16+$0x230];
	v53 =	vmul.f32 v43, v52;
	v56 =	vsub.f32 v18, v20;
	v31 =	vsub.f32 v60, v31  }
0xa7: {  	v33 =	vld [tilespmem:s16+$0x2A60];
	v20 =	vunpack.i.u.bf16.f32 v48;
	v34 =	vsub.f32 v37, v34;
	v40 =	vsub.f32 v40, v32;
	(xrf2) =	vadd.scan.msk.f32 $0xffff, v57  }
0xa8: {  	v43 =	vld [tilespmem:s16+$0x2A40];
	v63 =	vmul.f32 v44, v52;
	v41 =	vsub.f32 v41, v35;
	v29 =	vadd.f32 v20, v23;
	v61 =	vpop (erf)  }
0xa9: {  	v18 =	vunpack.i.l.bf16.f32 v49;
	v23 =	vadd.f32 v16, v39;
	v39 =	vld [tilespmem:s16+$0x220];
	v62 =	vadd.f32 $1.000000000e+00, v61  }
0xaa: {  	v37 =	vsub.f32 v53, v38;
	v25 =	vunpack.i.l.bf16.f32 v51;
	[tilespmem:s11+$0x5270] =	vst v56;
	v22 =	vadd.f32 v26, v42;
	v42 =	vld [tilespmem:s16+$0x200]  }
0xab: {  	v51 =	vsub.f32 v59, v30;
	v24 =	vadd.f32 v25, v45;
	v45 =	vld [tilespmem:s16+$0x210];
	[tilespmem:s11+$0x5210] =	vst v31;
	(erf) = vrcp.f32 v62  }
0xac: {  	v44 =	vld [tilespmem:s16+$0x2A50];
	v35 =	vunpack.i.u.bf16.f32 v58;
	v38 =	vsub.f32 v63, v46;
	v30 =	vunpack.i.l.bf16.f32 v58;
	[tilespmem:s11+$0x5220] =	vst v34  }
0xad: {  	s17 =	simm.s32 $0x800;
	v32 =	vld [tilespmem:s16+$0x240];
	v27 =	vadd.f32 v30, v27;
	v31 =	vunpack.i.u.bf16.f32 v36;
	v28 =	vadd.f32 v18, v47;
	[tilespmem:s11+$0x5200] =	vst v51  }
.LBB2_7:
0xae: {  	p1 =	sne.s32 s17, $0x4E00;
	v46 =	vunpack.i.u.bf16.f32 v39;
	v47 =	vunpack.i.l.bf16.f32 v39;
	v48 =	vunpack.i.l.bf16.f32 v36;
	v36 =	vld [tilespmem:s16+$0x250];
	[tilespmem:s11+$0x5230] =	vst v40;
	v34 =	vmovc v3;
	v3 =	vmovc v26  }
0xaf: {  	v39 =	vunpack.i.u.bf16.f32 v42;
	v26 =	vunpack.i.l.bf16.f32 v42;
	v40 =	vunpack.i.l.bf16.f32 v33;
	v42 =	vld [tilespmem:s16+$0x260];
	[tilespmem:s11+$0x5240] =	vst v41;
	v41 =	vmovc v5;
	v5 =	vmovc v25  }
0xb0: {  	v25 =	vunpack.i.u.bf16.f32 v43;
	v43 =	vunpack.i.l.bf16.f32 v43;
	v49 =	vunpack.i.u.bf16.f32 v45;
	v50 =	vld [tilespmem:s16+$0x2A70];
	[tilespmem:s11+$0x5250] =	vst v37;
	v37 =	vmovc v10;
	v10 =	vmovc v29  }
0xb1: {  	v40 =	vmul.f32 v40, v47;
	v45 =	vunpack.i.l.bf16.f32 v45;
	v29 =	vunpack.i.u.bf16.f32 v44;
	v51, _, _ =	vpop (xrf2);
	[tilespmem:s11+$0x5260] =	vst v38;
	s11 =	smov.u32 s12;
	s12 =	smov.u32 s15;
	s15 =	smov.u32 s16  }
0xb2: {  	v38 =	vmul.f32 v43, v26;
	v52 =	vunpack.i.l.bf16.f32 v44;
	v53 =	vmul.f32 $1.442695020e+00, v51;
	v51 =	vmovc v9;
	v9 =	vmovc v28  }
0xb3: {  	v2 =	vadd.f32 v35, v2;
	v25 =	vmul.f32 v25, v39;
	v28 =	vmul.f32 v52, v45;
	v43 =	vmovc v17  }
0xb4: {  	v56 =	vunpack.i.u.bf16.f32 v33;
	v29 =	vmul.f32 v29, v49;
	v33 =	vbroadcast v53, $0xF;
	v44 =	vpop (erf)  }
0xb5: {  	v54 =	vmovc v14;
	v52 =	vmul.f32 v56, v46;
	v17 =	vmovc v23;
	v53 =	vunpack.i.l.bf16.f32 v50;
	v55 =	vmul.f32 v2, v44  }
0xb6: {  	v14 =	vmovc v24;
	v23 =	vadd.f32 v38, v25;
	v25 =	vadd.f32 v28, v29;
	v38 =	vmovc v11;
	(erf) = vpow2.f32 v33  }
0xb7: {  	v24 =	vunpack.i.u.bf16.f32 v50;
	v11 =	vmovc v22;
	v50 =	vmovc v30;
	v28 =	vmul.f32 v53, v48;
	v29 =	vsub.f32 v55, v35  }
0xb8: {  	v2 =	vmovc v13;
	v22 =	vadd.f32 v25, v23;
	v23 =	vadd.f32 v40, v52;
	v24 =	vmul.f32 v24, v31  }
0xb9: {  	v30 =	vunpack.i.l.bf16.f32 v32;
	v13 =	vmovc v31;
	v35 =	vunpack.i.u.bf16.f32 v32;
	v32 =	vunpack.i.u.bf16.f32 v36;
	[tilespmem:s11+$0x5270] =	vst v29  }
0xba: {  	v52 =	vunpack.i.l.bf16.f32 v36;
	v22 =	vadd.f32 v23, v22;
	v23 =	vadd.f32 v28, v24  }
0xbb: {  	v25 =	vunpack.i.l.bf16.f32 v42;
	v24 =	vadd.f32 v30, v26;
	v26 =	vunpack.i.u.bf16.f32 v42  }
0xbc: {  	s16 =	sshra.s32 s17, $0x2;
	v40 =	vmul.f32 v44, v12;
	v12 =	vmovc v21;
	v29 =	vadd.f32 v35, v39;
	v31 =	vadd.f32 v23, v22;
	v53 =	vld [tilespmem:s12+$0x270]  }
0xbd: {  	v37 =	vmul.f32 v44, v37;
	v28 =	vadd.f32 v52, v45;
	v23 =	vadd.f32 v32, v49;
	v21 =	vmovc v24;
	v36 =	vld [tilespmem:s16+$0x230]  }
0xbe: {  	v24 =	vadd.f32 v25, v47;
	v22 =	vadd.f32 v26, v46;
	v39 =	vld [tilespmem:s16+$0x220];
	(xrf2) =	vadd.scan.msk.f32 $0xffff, v31;
	v31 =	vmul.f32 v44, v51  }
0xbf: {  	v40 =	vsub.f32 v40, v8;
	v46 =	vmul.f32 v44, v43;
	v47 =	vmul.f32 v54, v44;
	v33 =	vld [tilespmem:s16+$0x2A60];
	v45 =	vpop (erf)  }
.Ltmp4:
0xc0: {  	v38 =	vmul.f32 v38, v44;
	v8 =	vmovc v19;
	v19 =	vmovc v30;
	v51 =	vmul.f32 v27, v44;
	v42 =	vld [tilespmem:s16+$0x200];
	v49 =	vadd.f32 $1.000000000e+00, v45;
	(pc) =	sbr.rel @p1 .LBB2_7-.Ltmp4, $4  }
0xc1: {  	v37 =	vsub.f32 v37, v6;
	v6 =	vmovc v20;
	v54 =	vsub.f32 v31, v15;
	v43 =	vld [tilespmem:s16+$0x2A40];
	v30 =	vunpack.i.l.bf16.f32 v53;
	[tilespmem:s11+$0x5200] =	vst v40  }
0xc2: {  	v20 =	vmovc v35;
	v40 =	vsub.f32 v46, v7;
	v45 =	vld [tilespmem:s16+$0x210];
	v27 =	vadd.f32 v30, v4;
	(erf) = vrcp.f32 v49;
	v4 =	vmovc v48  }
0xc3: {  	v41 =	vsub.f32 v47, v41;
	v7 =	vmovc v16;
	v16 =	vmov v32;
	v44 =	vld [tilespmem:s16+$0x2A50];
	[tilespmem:s11+$0x5210] =	vst v37;
	v37 =	vsub.f32 v38, v34  }
0xc4: {  	s17 =	sadd.s32 $0x200, s17;
	v15 =	vmovc v18;
	v18 =	vmovc v52;
	v35 =	vunpack.i.u.bf16.f32 v53;
	v31 =	vunpack.i.u.bf16.f32 v36;
	v38 =	vsub.f32 v51, v50;
	v32 =	vld [tilespmem:s16+$0x240];
	[tilespmem:s11+$0x5220] =	vst v54  }
0xc5: {  	v34 =	vunpack.i.u.bf16.f32 v39  }
0xc6: {  	v39 =	vunpack.i.l.bf16.f32 v39;
	v46 =	vunpack.i.u.bf16.f32 v42;
	v42 =	vunpack.i.l.bf16.f32 v42  }
0xc7: {  	v47 =	vunpack.i.l.bf16.f32 v33;
	v48 =	vunpack.i.u.bf16.f32 v43;
	v54 =	vunpack.i.l.bf16.f32 v43  }
0xc8: {  	v49 =	vld [tilespmem:s16+$0x2A70];
	v50 =	vunpack.i.u.bf16.f32 v45;
	v45 =	vunpack.i.l.bf16.f32 v45;
	v43 =	vmul.f32 v54, v42  }
0xc9: {  	v48 =	vmul.f32 v48, v46;
	v51 =	vunpack.i.u.bf16.f32 v44;
	v55 =	vunpack.i.l.bf16.f32 v44  }
0xca: {  	v56 =	vunpack.i.u.bf16.f32 v33;
	v44 =	vmul.f32 v55, v45;
	v51 =	vmul.f32 v51, v50  }
0xcb: {  	v47 =	vmul.f32 v47, v39;
	v33 =	vmul.f32 v56, v34  }
0xcc: {  	v36 =	vunpack.i.l.bf16.f32 v36;
	v43 =	vadd.f32 v43, v48;
	v44 =	vadd.f32 v44, v51  }
0xcd: {  	v33 =	vadd.f32 v47, v33;
	v52 =	vunpack.i.l.bf16.f32 v49;
	v57 =	vunpack.i.u.bf16.f32 v49  }
0xce: {  	v58 =	vmul.f32 v52, v36;
	v59 =	vmul.f32 v57, v31;
	v43 =	vadd.f32 v44, v43;
	_ =	sdelay $0x1  }
0xcf: {  	v60 =	vadd.f32 v58, v59;
	v33 =	vadd.f32 v33, v43  }
0xd0: {  	v61, _, _ =	vpop (xrf2)  }
0xd1: {  	v44 =	vmul.f32 $1.442695020e+00, v61;
	v33 =	vadd.f32 v60, v33;
	_ =	sdelay $0x1  }
0xd2: {  	v62 =	vbroadcast v44, $0xF;
	(xrf2) =	vadd.scan.msk.f32 $0xffff, v33;
	_ =	sdelay $0x1  }
0xd3: {  	(erf) = vpow2.f32 v62;
	_ =	sdelay $0x6  }
0xd4: {  	v63 =	vpop (erf)  }
0xd5: {  	v48, _, _ =	vpop (xrf2)  }
0xd6: {  	v49 =	vpop (erf);
	v43 =	vmul.f32 $1.442695020e+00, v48  }
0xd7: {  	v44 =	vadd.f32 $1.000000000e+00, v49  }
0xd8: {  	v43 =	vbroadcast v43, $0xF  }
0xd9: {  	(erf) = vrcp.f32 v44  }
0xda: {  	(erf) = vpow2.f32 v43;
	_ =	sdelay $0x2  }
0xdb: {  	v2 =	vadd.f32 v35, v2;
	_ =	sdelay $0x1  }
0xdc: {  	v52 =	vld [tilespmem:s15+$0x270];
	v2 =	vmul.f32 v2, v63  }
0xdd: {  	[tilespmem:s11+$0x5230] =	vst v40;
	v12 =	vmul.f32 v63, v12  }
0xde: {  	[tilespmem:s11+$0x5240] =	vst v41;
	v10 =	vmul.f32 v63, v10;
	v11 =	vmul.f32 v11, v63;
	v2 =	vsub.f32 v2, v35  }
0xdf: {  	[tilespmem:s11+$0x5250] =	vst v37;
	v9 =	vmul.f32 v63, v9;
	v8 =	vsub.f32 v12, v8;
	v12 =	vmul.f32 v63, v17;
	v54 =	vpop (erf)  }
0xe0: {  	v51 =	vld [tilespmem:s16+$0x250];
	v6 =	vsub.f32 v10, v6;
	v3 =	vsub.f32 v11, v3;
	[tilespmem:s12+$0x5270] =	vst v2;
	v2 =	vmul.f32 v14, v63;
	v17 =	vpop (erf)  }
0xe1: {  	[tilespmem:s12+$0x5200] =	vst v8;
	v8 =	vsub.f32 v9, v15;
	v9 =	vunpack.i.u.bf16.f32 v52;
	v10 =	vadd.f32 $1.000000000e+00, v17  }
0xe2: {  	v7 =	vsub.f32 v12, v7;
	[tilespmem:s12+$0x5210] =	vst v6;
	v12 =	vmul.f32 v27, v63;
	v2 =	vsub.f32 v2, v5  }
0xe3: {  	v57 =	vld [tilespmem:s16+$0x260];
	[tilespmem:s12+$0x5250] =	vst v3;
	v6 =	vadd.f32 v9, v13;
	(erf) = vrcp.f32 v10  }
0xe4: {  	v53 =	vunpack.i.u.bf16.f32 v32;
	v11 =	vsub.f32 v12, v30;
	[tilespmem:s12+$0x5240] =	vst v2;
	v2 =	vmul.f32 v54, v21  }
0xe5: {  	v55 =	vunpack.i.l.bf16.f32 v32;
	v56 =	vunpack.i.u.bf16.f32 v51;
	[tilespmem:s12+$0x5230] =	vst v7;
	v7 =	vld [tilespmem:s16+$0x270];
	v6 =	vmul.f32 v6, v54  }
0xe6: {  	v15 =	vadd.f32 v53, v46;
	[tilespmem:s12+$0x5260] =	vst v11;
	v11 =	vmul.f32 v54, v28;
	v2 =	vsub.f32 v2, v19  }
0xe7: {  	[tilespmem:s12+$0x5220] =	vst v8;
	v5 =	vadd.f32 v55, v42;
	v3 =	vsub.f32 v6, v9;
	v6 =	vmul.f32 v54, v29  }
0xe8: {  	v8 =	vunpack.i.u.bf16.f32 v57;
	v9 =	vunpack.i.l.bf16.f32 v52;
	[tilespmem:s15+$0x5200] =	vst v2;
	v2 =	vsub.f32 v11, v18  }
0xe9: {  	v4 =	vadd.f32 v9, v4;
	[tilespmem:s15+$0x5270] =	vst v3;
	v3 =	vmul.f32 v54, v23;
	v6 =	vsub.f32 v6, v20  }
0xea: {  	[tilespmem:s11+$0x5260] =	vst v38;
	v12 =	vunpack.i.l.bf16.f32 v57;
	v13 =	vmul.f32 v24, v54;
	v11 =	vunpack.i.u.bf16.f32 v7  }
0xeb: {  	v4 =	vmul.f32 v4, v54;
	v3 =	vsub.f32 v3, v16;
	[tilespmem:s15+$0x5210] =	vst v6;
	v6 =	vadd.f32 v11, v31  }
0xec: {  	v14 =	vmul.f32 v22, v54;
	v13 =	vsub.f32 v13, v25;
	[tilespmem:s15+$0x5220] =	vst v2;
	v10 =	vunpack.i.l.bf16.f32 v51;
	v2 =	vpop (erf)  }
0xed: {  	v4 =	vsub.f32 v4, v9;
	v16 =	vadd.f32 v10, v45;
	[tilespmem:s15+$0x5230] =	vst v3;
	v3 =	vmul.f32 v6, v2  }
0xee: {  	v14 =	vsub.f32 v14, v26;
	[tilespmem:s15+$0x5240] =	vst v13;
	v13 =	vadd.f32 v8, v34;
	v5 =	vmul.f32 v2, v5  }
0xef: {  	[tilespmem:s15+$0x5260] =	vst v4;
	v6 =	vadd.f32 v56, v50;
	v4 =	vmul.f32 v2, v16;
	v3 =	vsub.f32 v3, v11  }
0xf0: {  	[tilespmem:s15+$0x5250] =	vst v14;
	v9 =	vadd.f32 v12, v39;
	v11 =	vmul.f32 v2, v15;
	v5 =	vsub.f32 v5, v55  }
0xf1: {  	v7 =	vunpack.i.l.bf16.f32 v7;
	v4 =	vsub.f32 v4, v10;
	[tilespmem:s16+$0x5270] =	vst v3;
	v3 =	vmul.f32 v2, v6  }
0xf2: {  	v9 =	vmul.f32 v9, v2;
	v6 =	vsub.f32 v11, v53;
	v11 =	vadd.f32 v7, v36;
	[tilespmem:s16+$0x5200] =	vst v5  }
0xf3: {  	v5 =	vmul.f32 v13, v2;
	[tilespmem:s16+$0x5220] =	vst v4;
	v3 =	vsub.f32 v3, v56  }
0xf4: {  	[tilespmem:s16+$0x5210] =	vst v6;
	v2 =	vmul.f32 v11, v2;
	v6 =	vsub.f32 v9, v12  }
0xf5: {  	v4 =	vsub.f32 v5, v8;
	[tilespmem:s16+$0x5230] =	vst v3  }
0xf6: {  	v2 =	vsub.f32 v2, v7;
	[tilespmem:s16+$0x5240] =	vst v6  }
0xf7: {  	[tilespmem:s16+$0x5250] =	vst v4  }
0xf8: {  	[tilespmem:s16+$0x5260] =	vst v2  }
0xf9: {  	v2 =	vld [tilespmem:$0x80]  }
0xfa: {  	v3 =	vld [tilespmem:$0x90];
	_ =	sdelay $0x3  }
0xfb: {  	[tilespmem:$0x7A00] =	vst v2  }
0xfc: {  	[tilespmem:$0x7A10] =	vst v3  }
0xfd: {  	v2 =	vld.idx.msk [tilespmem:v1+s20+$0x0], $0xff  }
0xfe: {  	p1 =	seq.s32 s10, $0x7C  }
0xff: {  	s11 =	smul.u32 @!p1 $0x50, s10;
	_ =	sdelay $0x1  }
0x100: {  	s11 =	sadd.s32 @!p1 s11, s13  }
0x101: {  	s11 =	sshrl.u32 @!p1 s11, $0x3;
	[tilespmem:v1+s31+$0x0] =	vst.idx.msk $0xff, v2  }
0x102: {  	[spmem:s2] =	stream.indirect.scatter.add.f32 [tilespmem:s0], [sflag:$0x4], $0x80, s31, s21, $0xb8;
	[tilespmem:$0x1BB80] =	vst v63  }
0x103: {  	s12 =	sadd.s32 @!p1 s6, s11;
	s15 =	simm.s32 @!p1 $0x0  }
0x104: {  	[tilespmem:s15], [sflag:$0x1] =	stream.linear.gather @!p1 [hbm4b:s12+s15], $0x28, $0x38;
	[tilespmem:$0x1BB80] =	vst v63  }
0x105: {  	s11 =	sadd.s32 @!p1 s1, s11;
	s12 =	simm.s32 @!p1 $0x80  }
0x106: {  	[tilespmem:s12], [sflag:$0x1] =	stream.linear.gather @!p1 [hbm4b:s11+s15], $0x28, $0x38;
	[tilespmem:$0x1BB80] =	vst v63  }
0x107: {  	s11 =	simm.s32 @!p1 $0x1  }
0x108: {  	_ =	swait.ge @!p1 [sflag:s11], $0x28  }
0x109: {  	[sflag:s11] =	ssyncset.done @!p1 $0x0  }
0x10a: {  	[sflag:s11] =	ssyncadd.s32 @!p1 $0xFFFFFFD8  }
0x10b: {  	_ =	swait.ge @!p1 [sflag:s11], $0x28  }
0x10c: {  	[sflag:s11] =	ssyncset.done @!p1 $0x0  }
0x10d: {  	s16 =	simm.s32 @!p1 $0x200;
	[sflag:s11] =	ssyncadd.s32 @!p1 $0xFFFFFFD8;
	s11 =	simm.s32 @!p1 $0x28  }
0x10e: {  	[tilespmem:s16], [sflag:$0x2] =	stream.indirect.gather @!p1 [hbm4b:s5+s11], $0x80, s15, s11, $0xb8;
	[tilespmem:$0x1BB80] =	vst v63  }
0x10f: {  	s15 =	simm.s32 @!p1 $0x2A00  }
0x110: {  	[tilespmem:s15], [sflag:$0x2] =	stream.indirect.gather @!p1 [hbm4b:s5+s11], $0x80, s12, s11, $0xb8;
	[tilespmem:$0x1BB80] =	vst v63  }
0x111: {  	_ =	swait.ge [sflag:s22], $0x1400  }
0x112: {  	[sflag:s22] =	ssyncset.done $0x0  }
0x113: {  	[sflag:s22] =	ssyncadd.s32 $0xFFFFEC00  }
0x114: {  	_ =	swait.ge [sflag:s22], $0x1400  }
0x115: {  	[sflag:s22] =	ssyncset.done $0x0  }
0x116: {  	s11 =	simm.s32 $0x0;
	[sflag:s22] =	ssyncadd.s32 $0xFFFFEC00  }
0x117: {  	v2 =	vld [tilespmem:s11+$0x1620]  }
0x118: {  	v3 =	vld [tilespmem:s11+$0x3E60]  }
0x119: {  	v4 =	vld [tilespmem:s11+$0x1600]  }
0x11a: {  	v5 =	vld [tilespmem:s11+$0x3E40]  }
0x11b: {  	v6 =	vld [tilespmem:s11+$0x1610]  }
0x11c: {  	v7 =	vld [tilespmem:s11+$0x3E50];
	_ =	sdelay $0x1  }
0x11d: {  	v9 =	vld [tilespmem:s11+$0x1630];
	v8 =	vunpack.i.u.bf16.f32 v2  }
0x11e: {  	v13 =	vld [tilespmem:s11+$0x3E70];
	v10 =	vunpack.i.l.bf16.f32 v2;
	v11 =	vunpack.i.u.bf16.f32 v4;
	v4 =	vunpack.i.l.bf16.f32 v4  }
0x11f: {  	v2 =	vunpack.i.l.bf16.f32 v3;
	v12 =	vunpack.i.u.bf16.f32 v5;
	v5 =	vunpack.i.l.bf16.f32 v5  }
0x120: {  	v14 =	vunpack.i.u.bf16.f32 v6;
	v6 =	vunpack.i.l.bf16.f32 v6;
	v15 =	vunpack.i.u.bf16.f32 v7  }
0x121: {  	v7 =	vunpack.i.l.bf16.f32 v7;
	v5 =	vmul.f32 v5, v4;
	v12 =	vmul.f32 v12, v11  }
0x122: {  	v3 =	vunpack.i.u.bf16.f32 v3;
	v7 =	vmul.f32 v7, v6;
	v15 =	vmul.f32 v15, v14  }
0x123: {  	v16 =	vunpack.i.l.bf16.f32 v9;
	v17 =	vunpack.i.l.bf16.f32 v13;
	v2 =	vmul.f32 v2, v10  }
0x124: {  	v3 =	vmul.f32 v3, v8;
	v5 =	vadd.f32 v5, v12;
	v7 =	vadd.f32 v7, v15  }
0x125: {  	v18 =	vunpack.i.u.bf16.f32 v9;
	v9 =	vunpack.i.u.bf16.f32 v13;
	v12 =	vmul.f32 v17, v16  }
0x126: {  	v2 =	vadd.f32 v2, v3;
	v3 =	vmul.f32 v9, v18;
	v5 =	vadd.f32 v7, v5;
	_ =	sdelay $0x1  }
0x127: {  	v3 =	vadd.f32 v12, v3;
	v2 =	vadd.f32 v2, v5;
	_ =	sdelay $0x1  }
0x128: {  	v2 =	vadd.f32 v3, v2  }
0x129: {  	s12 =	simm.s32 $0x80  }
0x12a: {  	v23 =	vld [tilespmem:s12+$0x3E70];
	(xrf2) =	vadd.scan.msk.f32 $0xffff, v2  }
0x12b: {  	v13 =	vld [tilespmem:s12+$0x1610]  }
0x12c: {  	v15 =	vld [tilespmem:s12+$0x3E50]  }
0x12d: {  	v7 =	vld [tilespmem:s12+$0x3E60]  }
0x12e: {  	v12 =	vld [tilespmem:s12+$0x3E40]  }
0x12f: {  	v5 =	vld [tilespmem:s12+$0x1620]  }
0x130: {  	v9 =	vld [tilespmem:s12+$0x1600];
	v22 =	vunpack.i.u.bf16.f32 v13  }
0x131: {  	v13 =	vunpack.i.l.bf16.f32 v13;
	v24 =	vunpack.i.u.bf16.f32 v15;
	v15 =	vunpack.i.l.bf16.f32 v15  }
0x132: {  	v28 =	vunpack.i.l.bf16.f32 v23;
	v3 =	vld [tilespmem:s12+$0x1630];
	v15 =	vmul.f32 v15, v13;
	v24 =	vmul.f32 v24, v22  }
0x133: {  	v17 =	vunpack.i.l.bf16.f32 v7;
	v21 =	vunpack.i.u.bf16.f32 v12;
	v12 =	vunpack.i.l.bf16.f32 v12  }
0x134: {  	v7 =	vunpack.i.u.bf16.f32 v7;
	v19 =	vunpack.i.u.bf16.f32 v5;
	v20 =	vunpack.i.l.bf16.f32 v5;
	v25, _, _ =	vpop (xrf2)  }
0x135: {  	v5 =	vunpack.i.u.bf16.f32 v9;
	v9 =	vunpack.i.l.bf16.f32 v9;
	v25 =	vmul.f32 $1.442695020e+00, v25  }
0x136: {  	v26 =	vld [tilespmem:s11+$0x1640];
	v15 =	vadd.f32 v15, v24;
	v12 =	vmul.f32 v12, v9;
	v21 =	vmul.f32 v21, v5  }
0x137: {  	v2 =	vunpack.i.u.bf16.f32 v3;
	v27 =	vunpack.i.l.bf16.f32 v3;
	v3 =	vbroadcast v25, $0xF  }
0x138: {  	v17 =	vmul.f32 v17, v20;
	v7 =	vmul.f32 v7, v19;
	v12 =	vadd.f32 v12, v21  }
0x139: {  	v21 =	vmul.f32 v28, v27;
	v25 =	vld [tilespmem:s11+$0x1650];
	(erf) = vpow2.f32 v3;
	v3 =	vunpack.i.u.bf16.f32 v23  }
0x13a: {  	v7 =	vadd.f32 v17, v7;
	v12 =	vadd.f32 v15, v12;
	v15 =	vld [tilespmem:s12+$0x1640];
	v3 =	vmul.f32 v3, v2  }
0x13b: {  	v31 =	vunpack.i.u.bf16.f32 v26;
	v23 =	vld [tilespmem:s11+$0x1660]  }
0x13c: {  	v30 =	vunpack.i.l.bf16.f32 v26;
	v7 =	vadd.f32 v7, v12;
	v12 =	vld [tilespmem:s12+$0x1650];
	v3 =	vadd.f32 v21, v3  }
0x13d: {  	v33 =	vadd.f32 v31, v11;
	v24 =	vadd.f32 v30, v4  }
0x13e: {  	s15 =	simm.s32 $0x100;
	v4 =	vld [tilespmem:s12+$0x1660];
	v32 =	vunpack.i.u.bf16.f32 v25;
	v34 =	vunpack.i.l.bf16.f32 v25;
	v3 =	vadd.f32 v3, v7  }
0x13f: {  	v26 =	vld [tilespmem:s15+$0x3E60];
	v37 =	vadd.f32 v34, v6;
	v40 =	vadd.f32 v32, v14  }
0x140: {  	v21 =	vld [tilespmem:s11+$0x1670];
	v6 =	vunpack.i.u.bf16.f32 v15;
	v35 =	vunpack.i.l.bf16.f32 v23;
	v38 =	vunpack.i.u.bf16.f32 v23;
	(xrf2) =	vadd.scan.msk.f32 $0xffff, v3  }
0x141: {  	v28 =	vld [tilespmem:s15+$0x1600];
	v7 =	vunpack.i.u.bf16.f32 v12;
	v41 =	vadd.f32 v35, v10;
	v43 =	vadd.f32 v38, v8  }
0x142: {  	v25 =	vld [tilespmem:s15+$0x1620];
	v8 =	vunpack.i.l.bf16.f32 v15;
	v15 =	vunpack.i.l.bf16.f32 v12;
	v10 =	vadd.f32 v6, v5  }
0x143: {  	v23 =	vld [tilespmem:s15+$0x1630];
	v5 =	vunpack.i.l.bf16.f32 v4;
	v17 =	vadd.f32 v7, v22;
	v12 =	vadd.f32 v8, v9;
	v11 =	vpop (erf)  }
0x144: {  	v22 =	vld [tilespmem:s15+$0x3E40];
	v3 =	vunpack.i.u.bf16.f32 v4;
	v9 =	vadd.f32 v15, v13;
	v4 =	vadd.f32 $1.000000000e+00, v11  }
0x145: {  	v14 =	vadd.f32 v5, v20;
	v46 =	vunpack.i.l.bf16.f32 v21;
	v11 =	vadd.f32 v3, v19;
	v19 =	vld [tilespmem:s15+$0x1610]  }
0x146: {  	v20 =	vunpack.i.u.bf16.f32 v21;
	v44 =	vadd.f32 v46, v16;
	v16 =	vld [tilespmem:s15+$0x3E50];
	(erf) = vrcp.f32 v4  }
0x147: {  	v42 =	vunpack.i.u.bf16.f32 v25;
	v45 =	vunpack.i.l.bf16.f32 v25;
	v25 =	vunpack.i.l.bf16.f32 v26  }
0x148: {  	v21 =	vunpack.i.l.bf16.f32 v28;
	v13 =	vunpack.i.u.bf16.f32 v23;
	v4 =	vunpack.i.l.bf16.f32 v23  }
0x149: {  	v29 =	vld [tilespmem:s15+$0x3E70];
	v23 =	vunpack.i.u.bf16.f32 v28;
	v28 =	vunpack.i.u.bf16.f32 v22;
	v22 =	vunpack.i.l.bf16.f32 v22  }
0x14a: {  	v39 =	vunpack.i.u.bf16.f32 v19;
	v47 =	vunpack.i.l.bf16.f32 v19;
	v19 =	vmul.f32 v25, v45;
	v25, _, _ =	vpop (xrf2)  }
0x14b: {  	v22 =	vmul.f32 v22, v21;
	v58 =	vunpack.i.l.bf16.f32 v16;
	v25 =	vmul.f32 $1.442695020e+00, v25  }
0x14c: {  	v59 =	vld [tilespmem:s15+$0x1640];
	v28 =	vmul.f32 v28, v23;
	v16 =	vunpack.i.u.bf16.f32 v16;
	v36 =	vmul.f32 v58, v47  }
0x14d: {  	v60 =	vld [tilespmem:s15+$0x1650];
	v26 =	vunpack.i.u.bf16.f32 v26;
	v16 =	vmul.f32 v16, v39;
	v25 =	vbroadcast v25, $0xF  }
0x14e: {  	v61 =	vunpack.i.l.bf16.f32 v29;
	v18 =	vadd.f32 v20, v18;
	v26 =	vmul.f32 v26, v42  }
0x14f: {  	v62 =	vld [tilespmem:s15+$0x1660];
	v22 =	vadd.f32 v22, v28;
	v16 =	vadd.f32 v36, v16;
	v63 =	vpop (erf);
	(erf) = vpow2.f32 v25  }
0x150: {  	v28 =	vmul.f32 v61, v4;
	v26 =	vadd.f32 v19, v26;
	v25 =	vunpack.i.u.bf16.f32 v29  }
0x151: {  	v19 =	vunpack.i.l.bf16.f32 v59;
	v22 =	vadd.f32 v16, v22;
	v25 =	vmul.f32 v25, v13  }
0x152: {  	v21 =	vadd.f32 v19, v21;
	v16 =	vunpack.i.u.bf16.f32 v60;
	v18 =	vmul.f32 v18, v63  }
0x153: {  	v22 =	vadd.f32 v26, v22;
	v37 =	vmul.f32 v63, v37;
	v28 =	vadd.f32 v28, v25  }
0x154: {  	v26 =	vunpack.i.u.bf16.f32 v62;
	v40 =	vmul.f32 v63, v40;
	v41 =	vmul.f32 v41, v63  }
0x155: {  	s16 =	simm.s32 $0x180;
	v58 =	vld [tilespmem:s12+$0x1670];
	v53 =	vmul.f32 v43, v63;
	v56 =	vsub.f32 v18, v20;
	v57 =	vadd.f32 v28, v22  }
0x156: {  	v36 =	vld [tilespmem:s16+$0x1630];
	v20 =	vunpack.i.u.bf16.f32 v59;
	v18 =	vunpack.i.l.bf16.f32 v60;
	v34 =	vsub.f32 v37, v34  }
0x157: {  	v43 =	vld [tilespmem:s16+$0x3E40];
	v59 =	vmul.f32 v63, v24;
	v40 =	vsub.f32 v40, v32;
	v41 =	vsub.f32 v41, v35;
	(xrf2) =	vadd.scan.msk.f32 $0xffff, v57  }
0x158: {  	v60 =	vmul.f32 v63, v33;
	v33 =	vld [tilespmem:s16+$0x3E60];
	v37 =	vsub.f32 v53, v38;
	v29 =	vadd.f32 v20, v23;
	v61 =	vpop (erf)  }
0x159: {  	v25 =	vunpack.i.l.bf16.f32 v62;
	v23 =	vadd.f32 v16, v39;
	v39 =	vld [tilespmem:s16+$0x1620];
	v62 =	vadd.f32 $1.000000000e+00, v61  }
0x15a: {  	v63 =	vmul.f32 v44, v63;
	v51 =	vsub.f32 v59, v30;
	[tilespmem:s11+$0x6670] =	vst v56;
	v22 =	vadd.f32 v26, v42;
	v42 =	vld [tilespmem:s16+$0x1600]  }
0x15b: {  	v24 =	vadd.f32 v25, v45;
	v31 =	vsub.f32 v60, v31;
	v45 =	vld [tilespmem:s16+$0x1610];
	[tilespmem:s11+$0x6620] =	vst v34;
	(erf) = vrcp.f32 v62  }
0x15c: {  	v44 =	vld [tilespmem:s16+$0x3E50];
	v35 =	vunpack.i.u.bf16.f32 v58;
	v30 =	vunpack.i.l.bf16.f32 v58;
	v38 =	vsub.f32 v63, v46;
	[tilespmem:s11+$0x6600] =	vst v51  }
0x15d: {  	s17 =	simm.s32 $0x800;
	v32 =	vld [tilespmem:s16+$0x1640];
	v28 =	vadd.f32 v18, v47;
	v27 =	vadd.f32 v30, v27;
	[tilespmem:s11+$0x6610] =	vst v31;
	v31 =	vunpack.i.u.bf16.f32 v36  }
.LBB2_9:
0x15e: {  	p2 =	sne.s32 s17, $0x4E00;
	v46 =	vunpack.i.u.bf16.f32 v39;
	v47 =	vunpack.i.l.bf16.f32 v39;
	v48 =	vunpack.i.l.bf16.f32 v36;
	v36 =	vld [tilespmem:s16+$0x1650];
	[tilespmem:s11+$0x6630] =	vst v40;
	v34 =	vmovc v3;
	v3 =	vmovc v26  }
0x15f: {  	v39 =	vunpack.i.u.bf16.f32 v42;
	v26 =	vunpack.i.l.bf16.f32 v42;
	v40 =	vunpack.i.l.bf16.f32 v33;
	v42 =	vld [tilespmem:s16+$0x1660];
	[tilespmem:s11+$0x6640] =	vst v41;
	v41 =	vmovc v5;
	v5 =	vmovc v25  }
0x160: {  	v25 =	vunpack.i.u.bf16.f32 v43;
	v43 =	vunpack.i.l.bf16.f32 v43;
	v49 =	vunpack.i.u.bf16.f32 v45;
	v50 =	vld [tilespmem:s16+$0x3E70];
	[tilespmem:s11+$0x6650] =	vst v37;
	v37 =	vmovc v10;
	v10 =	vmovc v29  }
0x161: {  	v40 =	vmul.f32 v40, v47;
	v45 =	vunpack.i.l.bf16.f32 v45;
	v29 =	vunpack.i.u.bf16.f32 v44;
	v51, _, _ =	vpop (xrf2);
	[tilespmem:s11+$0x6660] =	vst v38;
	s11 =	smov.u32 s12;
	s12 =	smov.u32 s15;
	s15 =	smov.u32 s16  }
0x162: {  	v38 =	vmul.f32 v43, v26;
	v52 =	vunpack.i.l.bf16.f32 v44;
	v53 =	vmul.f32 $1.442695020e+00, v51;
	v51 =	vmovc v9;
	v9 =	vmovc v28  }
0x163: {  	v2 =	vadd.f32 v35, v2;
	v25 =	vmul.f32 v25, v39;
	v28 =	vmul.f32 v52, v45;
	v43 =	vmovc v17  }
0x164: {  	v56 =	vunpack.i.u.bf16.f32 v33;
	v29 =	vmul.f32 v29, v49;
	v33 =	vbroadcast v53, $0xF;
	v44 =	vpop (erf)  }
0x165: {  	v54 =	vmovc v14;
	v52 =	vmul.f32 v56, v46;
	v17 =	vmovc v23;
	v53 =	vunpack.i.l.bf16.f32 v50;
	v55 =	vmul.f32 v2, v44  }
0x166: {  	v14 =	vmovc v24;
	v23 =	vadd.f32 v38, v25;
	v25 =	vadd.f32 v28, v29;
	v38 =	vmovc v11;
	(erf) = vpow2.f32 v33  }
0x167: {  	v24 =	vunpack.i.u.bf16.f32 v50;
	v11 =	vmovc v22;
	v50 =	vmovc v30;
	v28 =	vmul.f32 v53, v48;
	v29 =	vsub.f32 v55, v35  }
0x168: {  	v2 =	vmovc v13;
	v22 =	vadd.f32 v25, v23;
	v23 =	vadd.f32 v40, v52;
	v24 =	vmul.f32 v24, v31  }
0x169: {  	v30 =	vunpack.i.l.bf16.f32 v32;
	v13 =	vmovc v31;
	v35 =	vunpack.i.u.bf16.f32 v32;
	v32 =	vunpack.i.u.bf16.f32 v36;
	[tilespmem:s11+$0x6670] =	vst v29  }
0x16a: {  	v52 =	vunpack.i.l.bf16.f32 v36;
	v22 =	vadd.f32 v23, v22;
	v23 =	vadd.f32 v28, v24  }
0x16b: {  	v25 =	vunpack.i.l.bf16.f32 v42;
	v24 =	vadd.f32 v30, v26;
	v26 =	vunpack.i.u.bf16.f32 v42  }
0x16c: {  	s16 =	sshra.s32 s17, $0x2;
	v40 =	vmul.f32 v44, v12;
	v12 =	vmovc v21;
	v29 =	vadd.f32 v35, v39;
	v31 =	vadd.f32 v23, v22;
	v53 =	vld [tilespmem:s12+$0x1670]  }
0x16d: {  	v37 =	vmul.f32 v44, v37;
	v28 =	vadd.f32 v52, v45;
	v23 =	vadd.f32 v32, v49;
	v21 =	vmovc v24;
	v36 =	vld [tilespmem:s16+$0x1630]  }
0x16e: {  	v24 =	vadd.f32 v25, v47;
	v22 =	vadd.f32 v26, v46;
	v39 =	vld [tilespmem:s16+$0x1620];
	(xrf2) =	vadd.scan.msk.f32 $0xffff, v31;
	v31 =	vmul.f32 v44, v51  }
0x16f: {  	v40 =	vsub.f32 v40, v8;
	v46 =	vmul.f32 v44, v43;
	v47 =	vmul.f32 v54, v44;
	v33 =	vld [tilespmem:s16+$0x3E60];
	v45 =	vpop (erf)  }
.Ltmp5:
0x170: {  	v38 =	vmul.f32 v38, v44;
	v8 =	vmovc v19;
	v19 =	vmovc v30;
	v51 =	vmul.f32 v27, v44;
	v42 =	vld [tilespmem:s16+$0x1600];
	v49 =	vadd.f32 $1.000000000e+00, v45;
	(pc) =	sbr.rel @p2 .LBB2_9-.Ltmp5, $4  }
0x171: {  	v37 =	vsub.f32 v37, v6;
	v6 =	vmovc v20;
	v54 =	vsub.f32 v31, v15;
	v43 =	vld [tilespmem:s16+$0x3E40];
	v30 =	vunpack.i.l.bf16.f32 v53;
	[tilespmem:s11+$0x6600] =	vst v40  }
0x172: {  	v20 =	vmovc v35;
	v40 =	vsub.f32 v46, v7;
	v45 =	vld [tilespmem:s16+$0x1610];
	v27 =	vadd.f32 v30, v4;
	(erf) = vrcp.f32 v49;
	v4 =	vmovc v48  }
0x173: {  	v41 =	vsub.f32 v47, v41;
	v7 =	vmovc v16;
	v16 =	vmov v32;
	v44 =	vld [tilespmem:s16+$0x3E50];
	[tilespmem:s11+$0x6610] =	vst v37;
	v37 =	vsub.f32 v38, v34  }
0x174: {  	s17 =	sadd.s32 $0x200, s17;
	v15 =	vmovc v18;
	v18 =	vmovc v52;
	v35 =	vunpack.i.u.bf16.f32 v53;
	v31 =	vunpack.i.u.bf16.f32 v36;
	v38 =	vsub.f32 v51, v50;
	v32 =	vld [tilespmem:s16+$0x1640];
	[tilespmem:s11+$0x6620] =	vst v54  }
0x175: {  	v34 =	vunpack.i.u.bf16.f32 v39  }
0x176: {  	v39 =	vunpack.i.l.bf16.f32 v39;
	v46 =	vunpack.i.u.bf16.f32 v42;
	v42 =	vunpack.i.l.bf16.f32 v42  }
0x177: {  	v47 =	vunpack.i.l.bf16.f32 v33;
	v48 =	vunpack.i.u.bf16.f32 v43;
	v54 =	vunpack.i.l.bf16.f32 v43  }
0x178: {  	v49 =	vld [tilespmem:s16+$0x3E70];
	v50 =	vunpack.i.u.bf16.f32 v45;
	v45 =	vunpack.i.l.bf16.f32 v45;
	v43 =	vmul.f32 v54, v42  }
0x179: {  	v48 =	vmul.f32 v48, v46;
	v51 =	vunpack.i.u.bf16.f32 v44;
	v55 =	vunpack.i.l.bf16.f32 v44  }
0x17a: {  	v56 =	vunpack.i.u.bf16.f32 v33;
	v44 =	vmul.f32 v55, v45;
	v51 =	vmul.f32 v51, v50  }
0x17b: {  	v47 =	vmul.f32 v47, v39;
	v33 =	vmul.f32 v56, v34  }
0x17c: {  	v36 =	vunpack.i.l.bf16.f32 v36;
	v43 =	vadd.f32 v43, v48;
	v44 =	vadd.f32 v44, v51  }
0x17d: {  	v33 =	vadd.f32 v47, v33;
	v52 =	vunpack.i.l.bf16.f32 v49;
	v57 =	vunpack.i.u.bf16.f32 v49  }
0x17e: {  	v58 =	vmul.f32 v52, v36;
	v59 =	vmul.f32 v57, v31;
	v43 =	vadd.f32 v44, v43;
	_ =	sdelay $0x1  }
0x17f: {  	v60 =	vadd.f32 v58, v59;
	v33 =	vadd.f32 v33, v43  }
0x180: {  	v61, _, _ =	vpop (xrf2)  }
0x181: {  	v44 =	vmul.f32 $1.442695020e+00, v61;
	v33 =	vadd.f32 v60, v33;
	_ =	sdelay $0x1  }
0x182: {  	v62 =	vbroadcast v44, $0xF;
	(xrf2) =	vadd.scan.msk.f32 $0xffff, v33;
	_ =	sdelay $0x1  }
0x183: {  	(erf) = vpow2.f32 v62;
	_ =	sdelay $0x6  }
0x184: {  	v63 =	vpop (erf)  }
0x185: {  	v48, _, _ =	vpop (xrf2)  }
0x186: {  	v49 =	vpop (erf);
	v43 =	vmul.f32 $1.442695020e+00, v48  }
0x187: {  	v44 =	vadd.f32 $1.000000000e+00, v49  }
0x188: {  	v43 =	vbroadcast v43, $0xF  }
0x189: {  	(erf) = vrcp.f32 v44  }
0x18a: {  	(erf) = vpow2.f32 v43;
	_ =	sdelay $0x2  }
0x18b: {  	v2 =	vadd.f32 v35, v2;
	v56 =	vld [tilespmem:s16+$0x1660];
	_ =	sdelay $0x1  }
0x18c: {  	v2 =	vmul.f32 v2, v63  }
0x18d: {  	[tilespmem:s11+$0x6630] =	vst v40;
	v52 =	vld [tilespmem:s15+$0x1670]  }
0x18e: {  	[tilespmem:s11+$0x6640] =	vst v41;
	v12 =	vmul.f32 v63, v12;
	v10 =	vmul.f32 v63, v10;
	v2 =	vsub.f32 v2, v35  }
0x18f: {  	[tilespmem:s11+$0x6660] =	vst v38;
	v38 =	vunpack.i.l.bf16.f32 v56;
	v9 =	vmul.f32 v63, v9;
	v54 =	vmul.f32 v63, v17;
	v53 =	vpop (erf)  }
0x190: {  	v11 =	vmul.f32 v11, v63;
	v8 =	vsub.f32 v12, v8;
	[tilespmem:s12+$0x6670] =	vst v2;
	v2 =	vmul.f32 v14, v63;
	v55 =	vpop (erf)  }
0x191: {  	[tilespmem:s11+$0x6650] =	vst v37;
	v51 =	vld [tilespmem:s16+$0x1650];
	v61 =	vmul.f32 v27, v63;
	v6 =	vsub.f32 v10, v6;
	v57 =	vadd.f32 $1.000000000e+00, v55  }
0x192: {  	v27 =	vunpack.i.u.bf16.f32 v56;
	[tilespmem:s12+$0x6600] =	vst v8;
	v59 =	vunpack.i.u.bf16.f32 v52;
	v2 =	vsub.f32 v2, v5  }
0x193: {  	v58 =	vsub.f32 v9, v15;
	[tilespmem:s12+$0x6610] =	vst v6;
	v60 =	vadd.f32 v59, v13;
	(erf) = vrcp.f32 v57  }
0x194: {  	v35 =	vunpack.i.u.bf16.f32 v32;
	v7 =	vsub.f32 v54, v7;
	[tilespmem:s12+$0x6640] =	vst v2;
	v2 =	vmul.f32 v53, v21  }
0x195: {  	v32 =	vunpack.i.l.bf16.f32 v32;
	v3 =	vsub.f32 v11, v3;
	[tilespmem:s12+$0x6620] =	vst v58;
	v63 =	vld [tilespmem:s16+$0x1670];
	v6 =	vmul.f32 v60, v53  }
0x196: {  	v37 =	vunpack.i.u.bf16.f32 v51;
	[tilespmem:s12+$0x6630] =	vst v7;
	v44 =	vmul.f32 v53, v28;
	v2 =	vsub.f32 v2, v19  }
0x197: {  	[tilespmem:s12+$0x6650] =	vst v3;
	v62 =	vadd.f32 v32, v42;
	v42 =	vmul.f32 v53, v29;
	v3 =	vsub.f32 v6, v59  }
0x198: {  	v10 =	vunpack.i.l.bf16.f32 v51;
	v33 =	vsub.f32 v61, v30;
	[tilespmem:s15+$0x6600] =	vst v2;
	v2 =	vsub.f32 v44, v18  }
0x199: {  	v43 =	vunpack.i.l.bf16.f32 v52;
	v6 =	vsub.f32 v42, v20;
	[tilespmem:s15+$0x6670] =	vst v3;
	v3 =	vmul.f32 v53, v23  }
0x19a: {  	[tilespmem:s12+$0x6660] =	vst v33;
	v48 =	vunpack.i.u.bf16.f32 v63;
	v4 =	vadd.f32 v43, v4;
	v47 =	vmul.f32 v24, v53  }
0x19b: {  	v51 =	vadd.f32 v48, v31;
	v49 =	vmul.f32 v22, v53;
	[tilespmem:s15+$0x6610] =	vst v6;
	v3 =	vsub.f32 v3, v16  }
0x19c: {  	v54 =	vadd.f32 v37, v50;
	v4 =	vmul.f32 v4, v53;
	v13 =	vsub.f32 v47, v25;
	[tilespmem:s15+$0x6620] =	vst v2;
	v2 =	vpop (erf)  }
0x19d: {  	v52 =	vadd.f32 v35, v46;
	v14 =	vsub.f32 v49, v26;
	[tilespmem:s15+$0x6630] =	vst v3;
	v3 =	vmul.f32 v51, v2  }
0x19e: {  	v4 =	vsub.f32 v4, v43;
	v53 =	vadd.f32 v10, v45;
	[tilespmem:s15+$0x6640] =	vst v13;
	v5 =	vmul.f32 v2, v62  }
0x19f: {  	[tilespmem:s15+$0x6650] =	vst v14;
	v55 =	vadd.f32 v38, v39;
	v56 =	vmul.f32 v2, v52;
	v3 =	vsub.f32 v3, v48  }
0x1a0: {  	[tilespmem:s15+$0x6660] =	vst v4;
	v57 =	vadd.f32 v27, v34;
	v58 =	vmul.f32 v2, v53;
	v5 =	vsub.f32 v5, v32  }
0x1a1: {  	v7 =	vunpack.i.l.bf16.f32 v63;
	v9 =	vmul.f32 v55, v2;
	v59 =	vsub.f32 v56, v35;
	[tilespmem:s16+$0x6670] =	vst v3  }
0x1a2: {  	v60 =	vadd.f32 v7, v36;
	v61 =	vmul.f32 v57, v2;
	v4 =	vsub.f32 v58, v10;
	[tilespmem:s16+$0x6600] =	vst v5  }
0x1a3: {  	v62 =	vsub.f32 v9, v38;
	v3 =	vmul.f32 v2, v54;
	[tilespmem:s16+$0x6610] =	vst v59  }
0x1a4: {  	v63 =	vsub.f32 v61, v27;
	v2 =	vmul.f32 v60, v2;
	[tilespmem:s16+$0x6620] =	vst v4  }
0x1a5: {  	[tilespmem:s16+$0x6640] =	vst v62;
	v3 =	vsub.f32 v3, v37  }
0x1a6: {  	[tilespmem:s16+$0x6650] =	vst v63;
	v2 =	vsub.f32 v2, v7  }
0x1a7: {  	[tilespmem:s16+$0x6630] =	vst v3  }
0x1a8: {  	[tilespmem:s16+$0x6660] =	vst v2  }
0x1a9: {  	v2 =	vld [tilespmem:$0x180]  }
0x1aa: {  	v3 =	vld [tilespmem:$0x190];
	_ =	sdelay $0x3  }
0x1ab: {  	[tilespmem:$0x7A80] =	vst v2  }
0x1ac: {  	[tilespmem:$0x7A90] =	vst v3  }
0x1ad: {  	v2 =	vld.idx.msk [tilespmem:v1+s25+$0x0], $0xff;
	_ =	sdelay $0x1  }
.Ltmp6:
0x1ae: {  	_ = 	snop;
	(pc) =	sbr.rel @p1 .LBB2_12-.Ltmp6, $3  }
0x1af: {  	_ =	sdelay $0x1  }
0x1b0: {  	[tilespmem:v1+s23+$0x0] =	vst.idx.msk $0xff, v2  }
0x1b1: {  	[spmem:s2] =	stream.indirect.scatter.add.f32 [tilespmem:s4], [sflag:$0x5], $0x80, s23, s21, $0xb8;
	[tilespmem:$0x1BB80] =	vst v63  }
0x1b2: {  	s11 =	smul.u32 $0x50, s10;
	_ =	sdelay $0x1  }
0x1b3: {  	s11 =	sadd.s32 s11, s14  }
.Ltmp7:
0x1b4: {  	s11 =	sshrl.u32 s11, $0x3;
	(pc) =	sbr.rel .LBB2_6-.Ltmp7, $4  }
0x1b5: {  	s12 =	sadd.s32 s6, s11  }
0x1b6: {  	[tilespmem:s24], [sflag:$0x1] =	stream.linear.gather [hbm4b:s12+s3], $0x28, $0x38;
	[tilespmem:$0x1BB80] =	vst v63  }
0x1b7: {  	s10 =	sadd.s32 $0x1, s10;
	s11 =	sadd.s32 s1, s11  }
0x1b8: {  	[tilespmem:s25], [sflag:$0x1] =	stream.linear.gather [hbm4b:s11+s3], $0x28, $0x38;
	[tilespmem:$0x1BB80] =	vst v63  }
.LBB2_13:
0x1b9: {  	_ =	sfence.sel $0x180000  }
0x1ba: {  	[bflag:$0x0] =	sbarrier.arrive $0xFFFF  }
0x1bb: {  	_ =	strace $0x9000004A  }
0x1bc: {  	s0 =	stileid.u32;
	[bflag:$0x2] =	sbarrier.arrive $0xFFFF  }
0x1bd: {  	p0 =	sne.s32 s0, $0x0;
	s0 =	rddreg [dreg:$0x3]  }
0x1be: {  	s0 =	sadd.s32 @!p0 $0x100000, s0  }
0x1bf: {  	[sflag:s0] =	ssyncadd.tile.s32 @!p0 $0x1;
	_ =	shalt  }
.Lfunc_end2:
_tile_overlayer_lowered:
.L_overlay_start_2:
0x1c0: {  	(tag) =	ssettag $0x2  }
0x1c1: {  	s0 =	rddreg [dreg:$0x0];
	s2 =	stileid.u32  }
0x1c2: {  	s1 =	rddreg [dreg:$0x1];
	p0 =	sne.s32 s2, $0x0  }
0x1c3: {  	s3 =	rddreg [dreg:$0x2];
	[bflag:$0x3] =	sbarrier.arrive $0xFFFF;
	s2 =	simm.s32 @!p0 $0x1C06  }
0x1c4: {  	[timem:s3], [sflag:s2] =	dma.local @!p0 [hbm:s0], s1  }
0x1c5: {  	s0 =	simm.s32 @!p0 $0x6  }
0x1c6: {  	_ =	swait.ge @!p0 [sflag:s0], s1  }
0x1c7: {  	s1 =	ssub.s32 @!p0 $0x0, s1;
	[sflag:s0] =	ssyncset.done @!p0 $0x0  }
0x1c8: {  	[sflag:s0] =	ssyncadd.s32 @!p0 s1  }
0x1c9: {  	[bflag:$0x3] =	sbarrier.arrive $0xFFFF  }
0x1ca: {  	_ =	shalt  }

// kernel: kernel.7.cloned.1.call-start
scs
__scs_entry_jumppad:
0x0: {  	(pc) =	sbr.rel $0x88, $3  }
0x1: {  	(tag) =	ssettag $0x0;
	lr =	simm.s32 $0x1  }
0x2: {  	[smem:$0x3F98] =	sst lr;
	_ =	strace $0xD0000000  }
0x3: {  	_ = 	snop  }
0x4: {  	_ = 	snop  }
0x5: {  	_ = 	snop  }
0x6: {  	_ = 	snop  }
0x7: {  	_ = 	snop  }
__scs_overlays_trampoline_lowered:
0x8: {  	[smem:$0x3FA7] =	sst s0  }
0x9: {  	[smem:$0x3FA8] =	sst s1  }
0xa: {  	[smem:$0x3FA9] =	sst s2  }
0xb: {  	[smem:$0x3FAA] =	sst s3  }
0xc: {  	[smem:$0x3FAB] =	sst s4  }
0xd: {  	[smem:$0x3FAC] =	sst s5  }
0xe: {  	[smem:$0x3FAD] =	sst s6  }
0xf: {  	[smem:$0x3FAE] =	sst s7  }
0x10: {  	[smem:$0x3FAF] =	sst s8  }
0x11: {  	[smem:$0x3FB0] =	sst s9;
	s0 =	simm.s32 @!p0 $0x0  }
0x12: {  	s1 =	sld [smem:$0x3F96];
	s0 =	simm.s32 @p0 $0x1  }
0x13: {  	[smem:$0x3FB1] =	sst s0;
	s0 =	simm.s32 @!p1 $0x0  }
0x14: {  	s2 =	sld [smem:$0x3F95];
	s0 =	simm.s32 @p1 $0x1  }
0x15: {  	[smem:$0x3FB2] =	sst s0;
	s0 =	simm.s32 @!p2 $0x0  }
0x16: {  	s3 =	sld [smem:$0x3FDB];
	s0 =	simm.s32 @p2 $0x1  }
0x17: {  	s4 =	simm.s32 $0x1BF5;
	[smem:$0x3FB4] =	sst s0  }
0x18: {  	s0 =	sld [smem:$0x3F97];
	_ =	swait.ge [sflag:s4], $0x0  }
0x19: {  	s7 =	sld [smem:$0x3F98]  }
0x1a: {  	s8 =	sadd.s32 $0xFFFFE003, lr  }
0x1b: {  	s9 =	sadd.s32 $0xFFFFFEF7, lr;
	s5 =	simm.s32 $0xFFFFFFFF;
	p2 =	slt.u32 s8, $0xFFFFF086  }
0x1c: {  	p1 =	slt.u32 s9, $0xF7A;
	s5 =	simm.s32 @!p2 $0x0  }
0x1d: {  	s5 =	simm.s32 @p1 $0x1;
	p0 =	seq.s32 s7, s2  }
0x1e: {  	s7 =	smul.u32 @!p0 $0xF7A, s2;
	p2 =	seq.s32 @!p0 s5, $0x0  }
0x1f: {  	s9 =	smul.u32 $0xF7A, s1;
	s8 =	simm.s32 @!p0 $0x1BF5;
	p2 =	por !p2, p0  }
0x20: {  	[sflag:s8] =	ssyncset.s32 @!p0 $0xFFFFF086;
	s6 =	sadd.s32 @!p0 s3, s7;
	s7 =	simm.s32 @!p0 $0x108  }
0x21: {  	s3 =	sadd.s32 s3, s9;
	s6 =	sadd.s32 @!p0 $0x88, s6;
	s7 =	simm.s32 @p2 $0x1082  }
0x22: {  	[simem:s7], [sflag:s8] =	dma.local @!p0 [hbm:s6], $0xF7A  }
0x23: {  	s9 =	sor.u32 $0xD0000000, s2;
	s6 =	simm.s32 $0x108;
	_ =	swait.ge @!p0 [sflag:s8], $0x0  }
0x24: {  	s3 =	sadd.s32 $0x88, s3;
	s6 =	simm.s32 @!p1 $0x1082;
	[sflag:s4] =	ssyncset.s32 $0xFFFFF086  }
0x25: {  	[simem:s6], [sflag:s4] =	dma.local [hbm:s3], $0xF7A  }
0x26: {  	[smem:$0x3F98] =	sst s1;
	(tag) =	ssettag s2;
	_ =	strace s9  }
0x27: {  	s1 =	sld [smem:$0x3FA8]  }
0x28: {  	s2 =	sld [smem:$0x3FA9]  }
0x29: {  	s4 =	sld [smem:$0x3FAB]  }
0x2a: {  	p0 =	seq.s32 s5, $0x0;
	s5 =	sld [smem:$0x3FAC]  }
0x2b: {  	s6 =	sld [smem:$0x3FAD]  }
0x2c: {  	s7 =	sld [smem:$0x3FAE]  }
0x2d: {  	s3 =	simm.s32 $0x108;
	s8 =	sld [smem:$0x3FAF]  }
0x2e: {  	s3 =	simm.s32 @!p0 $0x1082;
	s9 =	sld [smem:$0x3FB0]  }
0x2f: {  	lr =	sadd.s32 s0, s3;
	s0 =	sld [smem:$0x3FA7]  }
0x30: {  	s3 =	sld [smem:$0x3FAA]  }
0x31: {  	[smem:$0x3FB3] =	sst s10  }
0x32: {  	s10 =	sld [smem:$0x3FB1];
	_ =	sdelay $0x3  }
0x33: {  	p0 =	seq.s32 s10, $0x1;
	s10 =	sld [smem:$0x3FB3];
	_ =	sdelay $0x3  }
0x34: {  	[smem:$0x3FB3] =	sst s10  }
0x35: {  	s10 =	sld [smem:$0x3FB2];
	_ =	sdelay $0x3  }
0x36: {  	p1 =	seq.s32 s10, $0x1;
	s10 =	sld [smem:$0x3FB3];
	_ =	sdelay $0x3  }
0x37: {  	[smem:$0x3FB3] =	sst s10  }
0x38: {  	s10 =	sld [smem:$0x3FB4]  }
0x39: {  	_ = 	snop;
	(pc) =	sbr.ind lr, $3  }
0x3a: {  	_ = 	snop  }
0x3b: {  	_ = 	snop  }
0x3c: {  	p2 =	seq.s32 s10, $0x1;
	s10 =	sld [smem:$0x3FB3]  }
0x3d: {  	_ =	shalt  }
0x3e: {  	_ =	shalt  }
0x3f: {  	_ =	shalt  }
0x40: {  	_ =	shalt  }
0x41: {  	_ =	shalt  }
0x42: {  	_ =	shalt  }
0x43: {  	_ =	shalt  }
0x44: {  	_ =	shalt  }
0x45: {  	_ =	shalt  }
0x46: {  	_ =	shalt  }
0x47: {  	_ =	shalt  }
0x48: {  	_ =	shalt  }
0x49: {  	_ =	shalt  }
0x4a: {  	_ =	shalt  }
0x4b: {  	_ =	shalt  }
0x4c: {  	_ =	shalt  }
0x4d: {  	_ =	shalt  }
0x4e: {  	_ =	shalt  }
0x4f: {  	_ =	shalt  }
0x50: {  	_ =	shalt  }
0x51: {  	_ =	shalt  }
0x52: {  	_ =	shalt  }
0x53: {  	_ =	shalt  }
0x54: {  	_ =	shalt  }
0x55: {  	_ =	shalt  }
0x56: {  	_ =	shalt  }
0x57: {  	_ =	shalt  }
0x58: {  	_ =	shalt  }
0x59: {  	_ =	shalt  }
0x5a: {  	_ =	shalt  }
0x5b: {  	_ =	shalt  }
0x5c: {  	_ =	shalt  }
0x5d: {  	_ =	shalt  }
0x5e: {  	_ =	shalt  }
0x5f: {  	_ =	shalt  }
0x60: {  	_ =	shalt  }
0x61: {  	_ =	shalt  }
0x62: {  	_ =	shalt  }
0x63: {  	_ =	shalt  }
0x64: {  	_ =	shalt  }
0x65: {  	_ =	shalt  }
0x66: {  	_ =	shalt  }
0x67: {  	_ =	shalt  }
0x68: {  	_ =	shalt  }
0x69: {  	_ =	shalt  }
0x6a: {  	_ =	shalt  }
0x6b: {  	_ =	shalt  }
0x6c: {  	_ =	shalt  }
0x6d: {  	_ =	shalt  }
0x6e: {  	_ =	shalt  }
0x6f: {  	_ =	shalt  }
0x70: {  	_ =	shalt  }
0x71: {  	_ =	shalt  }
0x72: {  	_ =	shalt  }
0x73: {  	_ =	shalt  }
0x74: {  	_ =	shalt  }
0x75: {  	_ =	shalt  }
0x76: {  	_ =	shalt  }
0x77: {  	_ =	shalt  }
0x78: {  	_ =	shalt  }
0x79: {  	_ =	shalt  }
0x7a: {  	_ =	shalt  }
0x7b: {  	_ =	shalt  }
0x7c: {  	_ =	shalt  }
0x7d: {  	_ =	shalt  }
0x7e: {  	_ =	shalt  }
0x7f: {  	_ =	shalt  }
0x80: {  	_ =	shalt  }
0x81: {  	_ =	shalt  }
0x82: {  	_ =	shalt  }
0x83: {  	_ =	shalt  }
0x84: {  	_ =	shalt  }
0x85: {  	_ =	shalt  }
0x86: {  	_ =	shalt  }
0x87: {  	_ =	shalt  }
.Lfunc_end0:
.L_simem_size_0:
called_computation_lowered:
.L_overlay_start_0:
0x88: {  	s2 =	sld [smem:$0x3FD9]  }
0x89: {  	s3 =	sld [smem:$0x3FFE];
	_ =	sdelay $0x1  }
0x8a: {  	s1 =	srdreg.scid  }
0x8b: {  	s0 =	sand.u32 $0x1, s1  }
0x8c: {  	s17 =	sshll.u32 s0, $0xA;
	s2 =	sadd.s32 s3, s2  }
0x8d: {  	s2 =	sadd.s32 s2, s17  }
0x8e: {  	[smem:$0x3FBF] =	sst s2  }
0x8f: {  	_ = 	snop  }
0x90: {  	s2 =	sld [smem:$0x3FD0];
	(tm) =	ssettm $0x1  }
0x91: {  	s18 =	sld [smem:$0x3FFB];
	_ =	sdelay $0x3  }
0x92: {  	_ =	strace s18  }
0x93: {  	s3 =	sld [smem:$0x3FFC];
	_ =	sdelay $0x3  }
0x94: {  	_ =	strace s3  }
0x95: {  	s3 =	sld [smem:$0x3FFD];
	_ =	sdelay $0x3  }
0x96: {  	_ =	strace s3  }
0x97: {  	_ =	strace $0x8FFFFFFF  }
0x98: {  	s19 =	sld [smem:$0x3FDB];
	_ =	sdelay $0x1  }
0x99: {  	s4 =	simm.s32 $_scs_section_size  }
0x9a: {  	s5 =	simm.s32 $_size__tile_overlayer_lowered;
	s6 =	simm.s32 $_tile_overlayer_lowered  }
0x9b: {  	s22 =	simm.s32 $0x1BFF;
	s21 =	sshll.u32 s6, $0x1;
	s3 =	sadd.s32 s4, s19  }
0x9c: {  	s7 =	simm.s32 $0x0;
	s20 =	sshll.u32 s5, $0x1;
	s5 =	sadd.s32 s21, s3  }
0x9d: {  	[timem:s7], [sflag:s22] =	dma.local [hbm:s5], s20  }
0x9e: {  	_ =	swait.ge [sflag:s22], s20  }
0x9f: {  	s4 =	ssub.s32 $0x0, s20;
	[sflag:s22] =	ssyncset.done $0x0  }
0xa0: {  	[sflag:s22] =	ssyncadd.s32 s4;
	_ =	sdelay $0x1  }
0xa1: {  	s23 =	simm.s32 $0x1B8B  }
0xa2: {  	_ =	swait.ge [sflag:s23], $0x1  }
0xa3: {  	[sflag:s23] =	ssyncset.done $0x0  }
0xa4: {  	s25 =	simm.s32 $0x1B8E;
	s24 =	sld [smem:$0x3FFE];
	[sflag:s23] =	ssyncadd.s32 $0xFFFFFFFF  }
0xa5: {  	s26 =	simm.s32 $execute0_lowered;
	[smem:$0x3FD2] =	sst s25  }
0xa6: {  	s5 =	sshll.u32 s26, $0x1;
	_ =	strace $0x80000046;
	[dreg:$0x1] =	wrdreg $0xFFFFFFFF  }
0xa7: {  	s28 =	simm.s32 $_size_execute0_lowered;
	s3 =	sadd.s32 s3, s5;
	[dreg:$0x0] =	wrdreg $0x0  }
0xa8: {  	s5 =	sshll.u32 s28, $0x1;
	[dreg:$0x2] =	wrdreg s3  }
0xa9: {  	[dreg:$0x3] =	wrdreg s5  }
0xaa: {  	[dreg:$0x4] =	wrdreg $0xC0  }
0xab: {  	_ =	task [dreg:s7], $0x5FFFF  }
0xac: {  	[dreg:$0x1] =	wrdreg $0xFFFFFFFF  }
0xad: {  	[dreg:$0x0] =	wrdreg $0x60  }
0xae: {  	[dreg:$0x2] =	wrdreg s24  }
0xaf: {  	[dreg:$0x3] =	wrdreg s2  }
0xb0: {  	[dreg:$0x4] =	wrdreg $0x83000  }
0xb1: {  	[dreg:$0x5] =	wrdreg $0x9  }
0xb2: {  	_ =	task.clear_ibuf [dreg:s7], $0x6FFFF;
	_ =	strace $0x90000046  }
0xb3: {  	s29 =	simm.s32 $0x9;
	_ =	strace $0x80000048  }
0xb4: {  	_ =	swait.ge [sflag:s29], $0x1  }
0xb5: {  	[sflag:s29] =	ssyncadd.s32 $0xFFFFFFFF  }
0xb6: {  	_ =	strace $0x90000048  }
0xb7: {  	_ =	sfence  }
0xb8: {  	s30 =	sld [smem:$0x0];
	_ =	sdelay $0x2  }
0xb9: {  	s31 =	sshll.u32 s1, $0xD;
	s1 =	sshrl.u32 s1, $0x2  }
0xba: {  	s3 =	sand.u32 $0x4000, s31;
	s1 =	sadd.s32 s1, s30  }
0xbb: {  	s0 =	sor.u32 s3, s0;
	s1 =	sshll.u32 s1, $0x11  }
0xbc: {  	s0 =	sor.u32 s1, s0  }
0xbd: {  	s0 =	sadd.s32 $0x8F2B, s0  }
0xbe: {  	[sflag:s0] =	ssyncadd.remote.s32 $0x1  }
0xbf: {  	_ =	sfence.sel $0xFFFF  }
0xc0: {  	[dreg:$0x0] =	wrdreg $0xFFFFFFFF;
	(pc) =	sbr.abs _section_cstart, $3  }
0xc1: {  	[dreg:$0x1] =	wrdreg $0xFFFFFFFF  }
0xc2: {  	_ =	task.clear_ibuf [dreg:s7], $0x2FFFF;
	_ =	strace $0x9FFFFFFF  }
0xc3: {  	(tm) =	ssettm $0x7FFFFFFF  }
tec
execute0_lowered:
.L_overlay_start_1:
0x0: {  	(tag) =	ssettag $0x1  }
0x1: {  	s0 =	rddreg [dreg:$0x0]  }
0x2: {  	s1 =	rddreg [dreg:$0x1]  }
0x3: {  	s2 =	rddreg [dreg:$0x2];
	s3 =	simm.s32 $0x0;
	s4 =	srdreg.scid  }
0x4: {  	s15 =	stileid.u32;
	s18 =	simm.s32 $0x7B00;
	s19 =	simm.s32 $0x6  }
0x5: {  	s20 =	simm.s32 $0x80;
	s21 =	simm.s32 $0x28;
	s28 =	simm.s32 $0x1600  }
0x6: {  	s29 =	simm.s32 $0x3E00;
	s30 =	simm.s32 $0x2;
	s31 =	simm.s32 $0x7A00  }
0x7: {  	[smem:$0x7FF] =	sst s3;
	s5 =	sadd.s32 $0x1000, s0;
	s6 =	sadd.s32 $0x28200, s0  }
0x8: {  	s4 =	sand.u32 $0x1, s4;
	s9 =	smul.u32 $0x4E000, s15;
	s0 =	sadd.s32 $0x32000, s0  }
0x9: {  	s14 =	smul.u32 $0x2700, s15;
	p0 =	sne.s32 s15, $0xF;
	_ =	strace $0x80000047  }
0xa: {  	s7 =	ssub.s32 $0x2, s4;
	s8 =	sshll.u32 s4, $0x4;
	s23 =	smul.u32 $0x27100, s4  }
0xb: {  	s4 =	smul.u32 $0x138800, s4;
	s10 =	sshrl.u32 s7, $0x1;
	s8 =	sor.u32 s15, s8  }
0xc: {  	s22 =	sshrl.u32 s9, $0x2;
	s10 =	ssub.s32 s7, s10;
	s11 =	smul.u32 $0x2710, s8  }
0xd: {  	s7 =	sadd.s32 s22, s2;
	s8 =	sadd.s32 $0x138000, s2;
	s9 =	sadd.s32 s14, s23  }
0xe: {  	s4 =	sshrl.u32 s4, $0x3;
	s22 =	simm.s32 $0x3;
	s23 =	simm.s32 $0x7A80  }
0xf: {  	s9 =	sadd.s32 s0, s9;
	s0 =	sadd.s32 s0, s4;
	s26 =	smax.u32 s10, $0x1  }
0x10: {  	s4 =	simm.s32 $0x6600;
	s12 =	sshrl.u32 s11, $0x3;
	s13 =	sadd.s32 $0x28, s11  }
0x11: {  	s14 =	sadd.s32 $0x78, s11;
	[dreg:$0x8] =	wrdreg s9;
	s0 =	sadd.s32 $0x27000, s0  }
0x12: {  	[dreg:$0xa] =	wrdreg s26;
	s26 =	simm.s32 $0x1;
	s9 =	simm.s32 $0x0  }
.Ltmp0:
0x13: {  	s16 =	sadd.s32 s6, s12;
	[dreg:$0x9] =	wrdreg s0;
	(pc) =	sbr.rel .LBB2_1-.Ltmp0, $4  }
0x14: {  	s13 =	sshrl.u32 s13, $0x3;
	s12 =	sadd.s32 s1, s12;
	[dreg:$0x4] =	wrdreg s16  }
0x15: {  	s0 =	simm.s32 $0x5200;
	[dreg:$0x5] =	wrdreg s12;
	s24 =	sadd.s32 s6, s13  }
0x16: {  	v1 =	vlaneseq.u32;
	s25 =	sadd.s32 s1, s13;
	s13 =	sadd.s32 $0x50, s11;
	[dreg:$0x6] =	wrdreg s24  }
0x17: {  	v0 =	vimm.f32 $0.0e+00;
	v1 =	vor.u32 $0x20, v1;
	[dreg:$0x7] =	wrdreg s25;
	s24 =	simm.s32 $0x100;
	s25 =	simm.s32 $0x180  }
.LBB2_12:
0x18: {  	s10 =	stileid.u32  }
0x19: {  	[bflag:$0x0] =	sbarrier.arrive $0xFFFF;
	s10 =	sshll.u32 s10, $0x6  }
0x1a: {  	s11 =	sshrl.u32 s7, $0x3;
	s12 =	rddreg [dreg:$0x8];
	s10 =	sor.u32 $0x1C06, s10  }
0x1b: {  	[hbm:s12], [sflag:s10] =	dma.local [spmem:s11], $0x2700  }
0x1c: {  	_ =	swait.ge [sflag:s19], $0x2700  }
0x1d: {  	[sflag:s19] =	ssyncset.done $0x0  }
0x1e: {  	s11 =	sshrl.u32 @!p0 s8, $0x3;
	s12 =	rddreg [dreg:$0x9];
	[sflag:s19] =	ssyncadd.s32 $0xFFFFD900  }
0x1f: {  	[hbm:s12], [sflag:s10] =	dma.local @!p0 [spmem:s11], $0x100  }
0x20: {  	s10 =	simm.s32 @!p0 $0x6  }
0x21: {  	_ =	swait.ge @!p0 [sflag:s10], $0x100  }
0x22: {  	s9 =	sadd.s32 $0x1, s9;
	s17 =	rddreg [dreg:$0xa]  }
0x23: {  	p1 =	sne.s32 s9, s17  }
.Ltmp1:
0x24: {  	_ = 	snop;
	(pc) =	sbr.rel @!p1 .LBB2_13-.Ltmp1, $3  }
0x25: {  	_ =	sdelay $0x1  }
0x26: {  	[sflag:s10] =	ssyncset.done @!p0 $0x0  }
0x27: {  	[sflag:s10] =	ssyncadd.s32 @!p0 $0xFFFFFF00  }
.LBB2_1:
0x28: {  	s10 =	simm.s32 $0x0;
	s11 =	simm.s32 $0x200  }
.LBB2_2:
0x29: {  	p1 =	sne.s32 s11, $0x1E00;
	[tilespmem:s10+$0x7B70] =	vst v0  }
0x2a: {  	[tilespmem:s10+$0x7B00] =	vst v0  }
0x2b: {  	[tilespmem:s10+$0x7B10] =	vst v0  }
.Ltmp2:
0x2c: {  	[tilespmem:s10+$0x7B20] =	vst v0;
	(pc) =	sbr.rel @p1 .LBB2_2-.Ltmp2, $4  }
0x2d: {  	[tilespmem:s10+$0x7B30] =	vst v0  }
0x2e: {  	[tilespmem:s10+$0x7B40] =	vst v0  }
0x2f: {  	[tilespmem:s10+$0x7B50] =	vst v0  }
0x30: {  	[tilespmem:s10+$0x7B60] =	vst v0;
	s10 =	sshra.s32 s11, $0x2;
	s11 =	sadd.s32 $0x200, s11  }
0x31: {  	[tilespmem:s10+$0x7B70] =	vst v0  }
0x32: {  	[tilespmem:s10+$0x7B00] =	vst v0  }
0x33: {  	[tilespmem:s10+$0x7B10] =	vst v0  }
0x34: {  	[tilespmem:s10+$0x7B20] =	vst v0  }
0x35: {  	[tilespmem:s10+$0x7B30] =	vst v0  }
0x36: {  	[tilespmem:s10+$0x7B40] =	vst v0  }
0x37: {  	[tilespmem:s10+$0x7B50] =	vst v0  }
0x38: {  	[tilespmem:s10+$0x7B60] =	vst v0;
	s17 =	sadd.s32 $0x0, s7  }
0x39: {  	[spmem:s17] =	stream.linear.scatter [tilespmem:s18], [sflag:$0x6], $0x800, $0x38;
	[tilespmem:$0x1BB80] =	vst v63  }
0x3a: {  	s10 =	simm.s32 $0x2000;
	_ =	swait.ge [sflag:s19], $0x800  }
.LBB2_4:
0x3b: {  	s11 =	sshra.s32 s10, $0x2;
	[sflag:s19] =	ssyncset.done $0x0;
	p1 =	sne.s32 s10, $0x4C000  }
.Ltmp3:
0x3c: {  	s11 =	sadd.s32 s11, s7;
	[sflag:s19] =	ssyncadd.s32 $0xFFFFF800;
	(pc) =	sbr.rel @p1 .LBB2_4-.Ltmp3, $3  }
0x3d: {  	[spmem:s11] =	stream.linear.scatter [tilespmem:s18], [sflag:$0x6], $0x800, $0x38;
	[tilespmem:$0x1BB80] =	vst v63  }
0x3e: {  	s10 =	sadd.s32 $0x2000, s10;
	_ =	sdelay $0x1  }
0x3f: {  	_ =	swait.ge [sflag:s19], $0x800  }
0x40: {  	[sflag:s19] =	ssyncset.done $0x0  }
0x41: {  	s10 =	simm.s32 @!p0 $0x7B00;
	[sflag:s19] =	ssyncadd.s32 $0xFFFFF800  }
0x42: {  	[spmem:s8] =	stream.linear.scatter @!p0 [tilespmem:s10], [sflag:$0x6], $0x800, $0x38;
	[tilespmem:$0x1BB80] =	vst v63  }
0x43: {  	s10 =	simm.s32 @!p0 $0x6  }
0x44: {  	_ =	swait.ge @!p0 [sflag:s10], $0x800  }
0x45: {  	[sflag:s10] =	ssyncset.done @!p0 $0x0  }
0x46: {  	[sflag:s10] =	ssyncadd.s32 @!p0 $0xFFFFF800  }
0x47: {  	[bflag:$0x0] =	sbarrier.arrive $0xFFFF  }
0x48: {  	s10 =	simm.s32 $0x0;
	s11 =	rddreg [dreg:$0x4]  }
0x49: {  	[tilespmem:s10], [sflag:$0x6] =	stream.linear.gather [hbm4b:s11+s10], $0x28, $0x38;
	[tilespmem:$0x1BB80] =	vst v63  }
0x4a: {  	_ =	swait.ge [sflag:s19], $0x28  }
0x4b: {  	[sflag:s19] =	ssyncset.done $0x0  }
0x4c: {  	s17 =	rddreg [dreg:$0x5];
	[sflag:s19] =	ssyncadd.s32 $0xFFFFFFD8  }
0x4d: {  	[tilespmem:s20], [sflag:$0x6] =	stream.linear.gather [hbm4b:s17+s10], $0x28, $0x38;
	[tilespmem:$0x1BB80] =	vst v63  }
0x4e: {  	_ =	swait.ge [sflag:s19], $0x28  }
0x4f: {  	[sflag:s19] =	ssyncset.done $0x0  }
0x50: {  	s12 =	simm.s32 $0x200;
	[sflag:s19] =	ssyncadd.s32 $0xFFFFFFD8  }
0x51: {  	[tilespmem:s12], [sflag:$0x2] =	stream.indirect.gather [hbm4b:s5+s21], $0x80, s10, s21, $0xb8;
	[tilespmem:$0x1BB80] =	vst v63  }
0x52: {  	s15 =	simm.s32 $0x2A00  }
0x53: {  	[tilespmem:s15], [sflag:$0x2] =	stream.indirect.gather [hbm4b:s5+s21], $0x80, s20, s21, $0xb8;
	[tilespmem:$0x1BB80] =	vst v63  }
0x54: {  	s16 =	rddreg [dreg:$0x6]  }
0x55: {  	[tilespmem:s24], [sflag:$0x1] =	stream.linear.gather [hbm4b:s16+s10], $0x28, $0x38;
	[tilespmem:$0x1BB80] =	vst v63  }
0x56: {  	s17 =	rddreg [dreg:$0x7]  }
0x57: {  	[tilespmem:s25], [sflag:$0x1] =	stream.linear.gather [hbm4b:s17+s10], $0x28, $0x38;
	[tilespmem:$0x1BB80] =	vst v63  }
.LBB2_6:
0x58: {  	_ =	swait.ge [sflag:s26], $0x28  }
0x59: {  	[sflag:s26] =	ssyncset.done $0x0  }
0x5a: {  	[sflag:s26] =	ssyncadd.s32 $0xFFFFFFD8  }
0x5b: {  	_ =	swait.ge [sflag:s26], $0x28  }
0x5c: {  	[sflag:s26] =	ssyncset.done $0x0  }
0x5d: {  	[sflag:s26] =	ssyncadd.s32 $0xFFFFFFD8  }
0x5e: {  	[tilespmem:s28], [sflag:$0x3] =	stream.indirect.gather [hbm4b:s5+s21], $0x80, s24, s21, $0xb8;
	[tilespmem:$0x1BB80] =	vst v63  }
0x5f: {  	_ = 	snop  }
0x60: {  	[tilespmem:s29], [sflag:$0x3] =	stream.indirect.gather [hbm4b:s5+s21], $0x80, s25, s21, $0xb8;
	[tilespmem:$0x1BB80] =	vst v63  }
0x61: {  	_ =	swait.ge [sflag:s30], $0x1400  }
0x62: {  	[sflag:s30] =	ssyncset.done $0x0  }
0x63: {  	[sflag:s30] =	ssyncadd.s32 $0xFFFFEC00  }
0x64: {  	_ =	swait.ge [sflag:s30], $0x1400  }
0x65: {  	[sflag:s30] =	ssyncset.done $0x0  }
0x66: {  	s11 =	simm.s32 $0x0;
	[sflag:s30] =	ssyncadd.s32 $0xFFFFEC00  }
0x67: {  	v2 =	vld [tilespmem:s11+$0x220]  }
0x68: {  	v3 =	vld [tilespmem:s11+$0x2A60]  }
0x69: {  	v4 =	vld [tilespmem:s11+$0x200]  }
0x6a: {  	v5 =	vld [tilespmem:s11+$0x2A40]  }
0x6b: {  	v6 =	vld [tilespmem:s11+$0x210]  }
0x6c: {  	v7 =	vld [tilespmem:s11+$0x2A50];
	_ =	sdelay $0x1  }
0x6d: {  	v9 =	vld [tilespmem:s11+$0x230];
	v8 =	vunpack.i.u.bf16.f32 v2  }
0x6e: {  	v13 =	vld [tilespmem:s11+$0x2A70];
	v10 =	vunpack.i.l.bf16.f32 v2;
	v11 =	vunpack.i.u.bf16.f32 v4;
	v4 =	vunpack.i.l.bf16.f32 v4  }
0x6f: {  	v2 =	vunpack.i.l.bf16.f32 v3;
	v12 =	vunpack.i.u.bf16.f32 v5;
	v5 =	vunpack.i.l.bf16.f32 v5  }
0x70: {  	v14 =	vunpack.i.u.bf16.f32 v6;
	v6 =	vunpack.i.l.bf16.f32 v6;
	v15 =	vunpack.i.u.bf16.f32 v7  }
0x71: {  	v7 =	vunpack.i.l.bf16.f32 v7;
	v5 =	vmul.f32 v5, v4;
	v12 =	vmul.f32 v12, v11  }
0x72: {  	v3 =	vunpack.i.u.bf16.f32 v3;
	v7 =	vmul.f32 v7, v6;
	v15 =	vmul.f32 v15, v14  }
0x73: {  	v16 =	vunpack.i.l.bf16.f32 v9;
	v17 =	vunpack.i.l.bf16.f32 v13;
	v2 =	vmul.f32 v2, v10  }
0x74: {  	v3 =	vmul.f32 v3, v8;
	v5 =	vadd.f32 v5, v12;
	v7 =	vadd.f32 v7, v15  }
0x75: {  	v18 =	vunpack.i.u.bf16.f32 v9;
	v9 =	vunpack.i.u.bf16.f32 v13;
	v12 =	vmul.f32 v17, v16  }
0x76: {  	v2 =	vadd.f32 v2, v3;
	v3 =	vmul.f32 v9, v18;
	v5 =	vadd.f32 v7, v5;
	_ =	sdelay $0x1  }
0x77: {  	v3 =	vadd.f32 v12, v3;
	v2 =	vadd.f32 v2, v5;
	_ =	sdelay $0x1  }
0x78: {  	v2 =	vadd.f32 v3, v2  }
0x79: {  	s12 =	simm.s32 $0x80  }
0x7a: {  	v23 =	vld [tilespmem:s12+$0x2A70];
	(xrf2) =	vadd.scan.msk.f32 $0xffff, v2  }
0x7b: {  	v13 =	vld [tilespmem:s12+$0x210]  }
0x7c: {  	v15 =	vld [tilespmem:s12+$0x2A50]  }
0x7d: {  	v7 =	vld [tilespmem:s12+$0x2A60]  }
0x7e: {  	v12 =	vld [tilespmem:s12+$0x2A40]  }
0x7f: {  	v5 =	vld [tilespmem:s12+$0x220]  }
0x80: {  	v9 =	vld [tilespmem:s12+$0x200];
	v22 =	vunpack.i.u.bf16.f32 v13  }
0x81: {  	v13 =	vunpack.i.l.bf16.f32 v13;
	v24 =	vunpack.i.u.bf16.f32 v15;
	v15 =	vunpack.i.l.bf16.f32 v15  }
0x82: {  	v28 =	vunpack.i.l.bf16.f32 v23;
	v3 =	vld [tilespmem:s12+$0x230];
	v15 =	vmul.f32 v15, v13;
	v24 =	vmul.f32 v24, v22  }
0x83: {  	v17 =	vunpack.i.l.bf16.f32 v7;
	v21 =	vunpack.i.u.bf16.f32 v12;
	v12 =	vunpack.i.l.bf16.f32 v12  }
0x84: {  	v7 =	vunpack.i.u.bf16.f32 v7;
	v19 =	vunpack.i.u.bf16.f32 v5;
	v20 =	vunpack.i.l.bf16.f32 v5;
	v25, _, _ =	vpop (xrf2)  }
0x85: {  	v5 =	vunpack.i.u.bf16.f32 v9;
	v9 =	vunpack.i.l.bf16.f32 v9;
	v25 =	vmul.f32 $1.442695020e+00, v25  }
0x86: {  	v26 =	vld [tilespmem:s11+$0x240];
	v15 =	vadd.f32 v15, v24;
	v12 =	vmul.f32 v12, v9;
	v21 =	vmul.f32 v21, v5  }
0x87: {  	v2 =	vunpack.i.u.bf16.f32 v3;
	v27 =	vunpack.i.l.bf16.f32 v3;
	v3 =	vbroadcast v25, $0xF  }
0x88: {  	v17 =	vmul.f32 v17, v20;
	v7 =	vmul.f32 v7, v19;
	v12 =	vadd.f32 v12, v21  }
0x89: {  	v21 =	vmul.f32 v28, v27;
	v25 =	vld [tilespmem:s11+$0x250];
	(erf) = vpow2.f32 v3;
	v3 =	vunpack.i.u.bf16.f32 v23  }
0x8a: {  	v7 =	vadd.f32 v17, v7;
	v12 =	vadd.f32 v15, v12;
	v15 =	vld [tilespmem:s12+$0x240];
	v3 =	vmul.f32 v3, v2  }
0x8b: {  	v31 =	vunpack.i.u.bf16.f32 v26;
	v23 =	vld [tilespmem:s11+$0x260]  }
0x8c: {  	v30 =	vunpack.i.l.bf16.f32 v26;
	v7 =	vadd.f32 v7, v12;
	v12 =	vld [tilespmem:s12+$0x250];
	v3 =	vadd.f32 v21, v3  }
0x8d: {  	v33 =	vadd.f32 v31, v11;
	v24 =	vadd.f32 v30, v4  }
0x8e: {  	s15 =	simm.s32 $0x100;
	v4 =	vld [tilespmem:s12+$0x260];
	v32 =	vunpack.i.u.bf16.f32 v25;
	v34 =	vunpack.i.l.bf16.f32 v25;
	v3 =	vadd.f32 v3, v7  }
0x8f: {  	v26 =	vld [tilespmem:s15+$0x2A60];
	v37 =	vadd.f32 v34, v6;
	v40 =	vadd.f32 v32, v14  }
0x90: {  	v21 =	vld [tilespmem:s11+$0x270];
	v6 =	vunpack.i.u.bf16.f32 v15;
	v35 =	vunpack.i.l.bf16.f32 v23;
	v38 =	vunpack.i.u.bf16.f32 v23;
	(xrf2) =	vadd.scan.msk.f32 $0xffff, v3  }
0x91: {  	v28 =	vld [tilespmem:s15+$0x200];
	v7 =	vunpack.i.u.bf16.f32 v12;
	v41 =	vadd.f32 v35, v10;
	v43 =	vadd.f32 v38, v8  }
0x92: {  	v25 =	vld [tilespmem:s15+$0x220];
	v8 =	vunpack.i.l.bf16.f32 v15;
	v15 =	vunpack.i.l.bf16.f32 v12;
	v10 =	vadd.f32 v6, v5  }
0x93: {  	v23 =	vld [tilespmem:s15+$0x230];
	v5 =	vunpack.i.l.bf16.f32 v4;
	v17 =	vadd.f32 v7, v22;
	v12 =	vadd.f32 v8, v9;
	v11 =	vpop (erf)  }
0x94: {  	v22 =	vld [tilespmem:s15+$0x2A40];
	v3 =	vunpack.i.u.bf16.f32 v4;
	v9 =	vadd.f32 v15, v13;
	v4 =	vadd.f32 $1.000000000e+00, v11  }
0x95: {  	v14 =	vadd.f32 v5, v20;
	v46 =	vunpack.i.l.bf16.f32 v21;
	v11 =	vadd.f32 v3, v19;
	v19 =	vld [tilespmem:s15+$0x210]  }
0x96: {  	v20 =	vunpack.i.u.bf16.f32 v21;
	v44 =	vadd.f32 v46, v16;
	v16 =	vld [tilespmem:s15+$0x2A50];
	(erf) = vrcp.f32 v4  }
0x97: {  	v42 =	vunpack.i.u.bf16.f32 v25;
	v45 =	vunpack.i.l.bf16.f32 v25;
	v25 =	vunpack.i.l.bf16.f32 v26  }
0x98: {  	v21 =	vunpack.i.l.bf16.f32 v28;
	v13 =	vunpack.i.u.bf16.f32 v23;
	v4 =	vunpack.i.l.bf16.f32 v23  }
0x99: {  	v29 =	vld [tilespmem:s15+$0x2A70];
	v23 =	vunpack.i.u.bf16.f32 v28;
	v28 =	vunpack.i.u.bf16.f32 v22;
	v22 =	vunpack.i.l.bf16.f32 v22  }
0x9a: {  	v39 =	vunpack.i.u.bf16.f32 v19;
	v47 =	vunpack.i.l.bf16.f32 v19;
	v19 =	vmul.f32 v25, v45;
	v25, _, _ =	vpop (xrf2)  }
0x9b: {  	v22 =	vmul.f32 v22, v21;
	v36 =	vunpack.i.l.bf16.f32 v16;
	v25 =	vmul.f32 $1.442695020e+00, v25  }
0x9c: {  	v48 =	vld [tilespmem:s15+$0x240];
	v28 =	vmul.f32 v28, v23;
	v16 =	vunpack.i.u.bf16.f32 v16;
	v36 =	vmul.f32 v36, v47  }
0x9d: {  	v49 =	vld [tilespmem:s15+$0x250];
	v26 =	vunpack.i.u.bf16.f32 v26;
	v16 =	vmul.f32 v16, v39;
	v25 =	vbroadcast v25, $0xF  }
0x9e: {  	v50 =	vunpack.i.l.bf16.f32 v29;
	v18 =	vadd.f32 v20, v18;
	v26 =	vmul.f32 v26, v42  }
0x9f: {  	v51 =	vld [tilespmem:s15+$0x260];
	v22 =	vadd.f32 v22, v28;
	v16 =	vadd.f32 v36, v16;
	v52 =	vpop (erf);
	(erf) = vpow2.f32 v25  }
0xa0: {  	v28 =	vmul.f32 v50, v4;
	v26 =	vadd.f32 v19, v26;
	v25 =	vunpack.i.u.bf16.f32 v29  }
0xa1: {  	v19 =	vunpack.i.l.bf16.f32 v48;
	v22 =	vadd.f32 v16, v22;
	v25 =	vmul.f32 v25, v13  }
0xa2: {  	v21 =	vadd.f32 v19, v21;
	v16 =	vunpack.i.u.bf16.f32 v49;
	v18 =	vmul.f32 v18, v52  }
0xa3: {  	v22 =	vadd.f32 v26, v22;
	v59 =	vmul.f32 v52, v24;
	v28 =	vadd.f32 v28, v25  }
0xa4: {  	v26 =	vunpack.i.u.bf16.f32 v51;
	v60 =	vmul.f32 v52, v33;
	v37 =	vmul.f32 v52, v37  }
0xa5: {  	s16 =	simm.s32 $0x180;
	v58 =	vld [tilespmem:s12+$0x270];
	v40 =	vmul.f32 v52, v40;
	v41 =	vmul.f32 v41, v52;
	v57 =	vadd.f32 v28, v22  }
0xa6: {  	v36 =	vld [tilespmem:s16+$0x230];
	v53 =	vmul.f32 v43, v52;
	v56 =	vsub.f32 v18, v20;
	v31 =	vsub.f32 v60, v31  }
0xa7: {  	v33 =	vld [tilespmem:s16+$0x2A60];
	v20 =	vunpack.i.u.bf16.f32 v48;
	v34 =	vsub.f32 v37, v34;
	v40 =	vsub.f32 v40, v32;
	(xrf2) =	vadd.scan.msk.f32 $0xffff, v57  }
0xa8: {  	v43 =	vld [tilespmem:s16+$0x2A40];
	v63 =	vmul.f32 v44, v52;
	v41 =	vsub.f32 v41, v35;
	v29 =	vadd.f32 v20, v23;
	v61 =	vpop (erf)  }
0xa9: {  	v18 =	vunpack.i.l.bf16.f32 v49;
	v23 =	vadd.f32 v16, v39;
	v39 =	vld [tilespmem:s16+$0x220];
	v62 =	vadd.f32 $1.000000000e+00, v61  }
0xaa: {  	v37 =	vsub.f32 v53, v38;
	v25 =	vunpack.i.l.bf16.f32 v51;
	[tilespmem:s11+$0x5270] =	vst v56;
	v22 =	vadd.f32 v26, v42;
	v42 =	vld [tilespmem:s16+$0x200]  }
0xab: {  	v51 =	vsub.f32 v59, v30;
	v24 =	vadd.f32 v25, v45;
	v45 =	vld [tilespmem:s16+$0x210];
	[tilespmem:s11+$0x5210] =	vst v31;
	(erf) = vrcp.f32 v62  }
0xac: {  	v44 =	vld [tilespmem:s16+$0x2A50];
	v35 =	vunpack.i.u.bf16.f32 v58;
	v38 =	vsub.f32 v63, v46;
	v30 =	vunpack.i.l.bf16.f32 v58;
	[tilespmem:s11+$0x5220] =	vst v34  }
0xad: {  	s17 =	simm.s32 $0x800;
	v32 =	vld [tilespmem:s16+$0x240];
	v27 =	vadd.f32 v30, v27;
	v31 =	vunpack.i.u.bf16.f32 v36;
	v28 =	vadd.f32 v18, v47;
	[tilespmem:s11+$0x5200] =	vst v51  }
.LBB2_7:
0xae: {  	p1 =	sne.s32 s17, $0x4E00;
	v46 =	vunpack.i.u.bf16.f32 v39;
	v47 =	vunpack.i.l.bf16.f32 v39;
	v48 =	vunpack.i.l.bf16.f32 v36;
	v36 =	vld [tilespmem:s16+$0x250];
	[tilespmem:s11+$0x5230] =	vst v40;
	v34 =	vmovc v3;
	v3 =	vmovc v26  }
0xaf: {  	v39 =	vunpack.i.u.bf16.f32 v42;
	v26 =	vunpack.i.l.bf16.f32 v42;
	v40 =	vunpack.i.l.bf16.f32 v33;
	v42 =	vld [tilespmem:s16+$0x260];
	[tilespmem:s11+$0x5240] =	vst v41;
	v41 =	vmovc v5;
	v5 =	vmovc v25  }
0xb0: {  	v25 =	vunpack.i.u.bf16.f32 v43;
	v43 =	vunpack.i.l.bf16.f32 v43;
	v49 =	vunpack.i.u.bf16.f32 v45;
	v50 =	vld [tilespmem:s16+$0x2A70];
	[tilespmem:s11+$0x5250] =	vst v37;
	v37 =	vmovc v10;
	v10 =	vmovc v29  }
0xb1: {  	v40 =	vmul.f32 v40, v47;
	v45 =	vunpack.i.l.bf16.f32 v45;
	v29 =	vunpack.i.u.bf16.f32 v44;
	v51, _, _ =	vpop (xrf2);
	[tilespmem:s11+$0x5260] =	vst v38;
	s11 =	smov.u32 s12;
	s12 =	smov.u32 s15;
	s15 =	smov.u32 s16  }
0xb2: {  	v38 =	vmul.f32 v43, v26;
	v52 =	vunpack.i.l.bf16.f32 v44;
	v53 =	vmul.f32 $1.442695020e+00, v51;
	v51 =	vmovc v9;
	v9 =	vmovc v28  }
0xb3: {  	v2 =	vadd.f32 v35, v2;
	v25 =	vmul.f32 v25, v39;
	v28 =	vmul.f32 v52, v45;
	v43 =	vmovc v17  }
0xb4: {  	v56 =	vunpack.i.u.bf16.f32 v33;
	v29 =	vmul.f32 v29, v49;
	v33 =	vbroadcast v53, $0xF;
	v44 =	vpop (erf)  }
0xb5: {  	v54 =	vmovc v14;
	v52 =	vmul.f32 v56, v46;
	v17 =	vmovc v23;
	v53 =	vunpack.i.l.bf16.f32 v50;
	v55 =	vmul.f32 v2, v44  }
0xb6: {  	v14 =	vmovc v24;
	v23 =	vadd.f32 v38, v25;
	v25 =	vadd.f32 v28, v29;
	v38 =	vmovc v11;
	(erf) = vpow2.f32 v33  }
0xb7: {  	v24 =	vunpack.i.u.bf16.f32 v50;
	v11 =	vmovc v22;
	v50 =	vmovc v30;
	v28 =	vmul.f32 v53, v48;
	v29 =	vsub.f32 v55, v35  }
0xb8: {  	v2 =	vmovc v13;
	v22 =	vadd.f32 v25, v23;
	v23 =	vadd.f32 v40, v52;
	v24 =	vmul.f32 v24, v31  }
0xb9: {  	v30 =	vunpack.i.l.bf16.f32 v32;
	v13 =	vmovc v31;
	v35 =	vunpack.i.u.bf16.f32 v32;
	v32 =	vunpack.i.u.bf16.f32 v36;
	[tilespmem:s11+$0x5270] =	vst v29  }
0xba: {  	v52 =	vunpack.i.l.bf16.f32 v36;
	v22 =	vadd.f32 v23, v22;
	v23 =	vadd.f32 v28, v24  }
0xbb: {  	v25 =	vunpack.i.l.bf16.f32 v42;
	v24 =	vadd.f32 v30, v26;
	v26 =	vunpack.i.u.bf16.f32 v42  }
0xbc: {  	s16 =	sshra.s32 s17, $0x2;
	v40 =	vmul.f32 v44, v12;
	v12 =	vmovc v21;
	v29 =	vadd.f32 v35, v39;
	v31 =	vadd.f32 v23, v22;
	v53 =	vld [tilespmem:s12+$0x270]  }
0xbd: {  	v37 =	vmul.f32 v44, v37;
	v28 =	vadd.f32 v52, v45;
	v23 =	vadd.f32 v32, v49;
	v21 =	vmovc v24;
	v36 =	vld [tilespmem:s16+$0x230]  }
0xbe: {  	v24 =	vadd.f32 v25, v47;
	v22 =	vadd.f32 v26, v46;
	v39 =	vld [tilespmem:s16+$0x220];
	(xrf2) =	vadd.scan.msk.f32 $0xffff, v31;
	v31 =	vmul.f32 v44, v51  }
0xbf: {  	v40 =	vsub.f32 v40, v8;
	v46 =	vmul.f32 v44, v43;
	v47 =	vmul.f32 v54, v44;
	v33 =	vld [tilespmem:s16+$0x2A60];
	v45 =	vpop (erf)  }
.Ltmp4:
0xc0: {  	v38 =	vmul.f32 v38, v44;
	v8 =	vmovc v19;
	v19 =	vmovc v30;
	v51 =	vmul.f32 v27, v44;
	v42 =	vld [tilespmem:s16+$0x200];
	v49 =	vadd.f32 $1.000000000e+00, v45;
	(pc) =	sbr.rel @p1 .LBB2_7-.Ltmp4, $4  }
0xc1: {  	v37 =	vsub.f32 v37, v6;
	v6 =	vmovc v20;
	v54 =	vsub.f32 v31, v15;
	v43 =	vld [tilespmem:s16+$0x2A40];
	v30 =	vunpack.i.l.bf16.f32 v53;
	[tilespmem:s11+$0x5200] =	vst v40  }
0xc2: {  	v20 =	vmovc v35;
	v40 =	vsub.f32 v46, v7;
	v45 =	vld [tilespmem:s16+$0x210];
	v27 =	vadd.f32 v30, v4;
	(erf) = vrcp.f32 v49;
	v4 =	vmovc v48  }
0xc3: {  	v41 =	vsub.f32 v47, v41;
	v7 =	vmovc v16;
	v16 =	vmov v32;
	v44 =	vld [tilespmem:s16+$0x2A50];
	[tilespmem:s11+$0x5210] =	vst v37;
	v37 =	vsub.f32 v38, v34  }
0xc4: {  	s17 =	sadd.s32 $0x200, s17;
	v15 =	vmovc v18;
	v18 =	vmovc v52;
	v35 =	vunpack.i.u.bf16.f32 v53;
	v31 =	vunpack.i.u.bf16.f32 v36;
	v38 =	vsub.f32 v51, v50;
	v32 =	vld [tilespmem:s16+$0x240];
	[tilespmem:s11+$0x5220] =	vst v54  }
0xc5: {  	v34 =	vunpack.i.u.bf16.f32 v39  }
0xc6: {  	v39 =	vunpack.i.l.bf16.f32 v39;
	v46 =	vunpack.i.u.bf16.f32 v42;
	v42 =	vunpack.i.l.bf16.f32 v42  }
0xc7: {  	v47 =	vunpack.i.l.bf16.f32 v33;
	v48 =	vunpack.i.u.bf16.f32 v43;
	v54 =	vunpack.i.l.bf16.f32 v43  }
0xc8: {  	v49 =	vld [tilespmem:s16+$0x2A70];
	v50 =	vunpack.i.u.bf16.f32 v45;
	v45 =	vunpack.i.l.bf16.f32 v45;
	v43 =	vmul.f32 v54, v42  }
0xc9: {  	v48 =	vmul.f32 v48, v46;
	v51 =	vunpack.i.u.bf16.f32 v44;
	v55 =	vunpack.i.l.bf16.f32 v44  }
0xca: {  	v56 =	vunpack.i.u.bf16.f32 v33;
	v44 =	vmul.f32 v55, v45;
	v51 =	vmul.f32 v51, v50  }
0xcb: {  	v47 =	vmul.f32 v47, v39;
	v33 =	vmul.f32 v56, v34  }
0xcc: {  	v36 =	vunpack.i.l.bf16.f32 v36;
	v43 =	vadd.f32 v43, v48;
	v44 =	vadd.f32 v44, v51  }
0xcd: {  	v33 =	vadd.f32 v47, v33;
	v52 =	vunpack.i.l.bf16.f32 v49;
	v57 =	vunpack.i.u.bf16.f32 v49  }
0xce: {  	v58 =	vmul.f32 v52, v36;
	v59 =	vmul.f32 v57, v31;
	v43 =	vadd.f32 v44, v43;
	_ =	sdelay $0x1  }
0xcf: {  	v60 =	vadd.f32 v58, v59;
	v33 =	vadd.f32 v33, v43  }
0xd0: {  	v61, _, _ =	vpop (xrf2)  }
0xd1: {  	v44 =	vmul.f32 $1.442695020e+00, v61;
	v33 =	vadd.f32 v60, v33;
	_ =	sdelay $0x1  }
0xd2: {  	v62 =	vbroadcast v44, $0xF;
	(xrf2) =	vadd.scan.msk.f32 $0xffff, v33;
	_ =	sdelay $0x1  }
0xd3: {  	(erf) = vpow2.f32 v62;
	_ =	sdelay $0x6  }
0xd4: {  	v63 =	vpop (erf)  }
0xd5: {  	v48, _, _ =	vpop (xrf2)  }
0xd6: {  	v49 =	vpop (erf);
	v43 =	vmul.f32 $1.442695020e+00, v48  }
0xd7: {  	v44 =	vadd.f32 $1.000000000e+00, v49  }
0xd8: {  	v43 =	vbroadcast v43, $0xF  }
0xd9: {  	(erf) = vrcp.f32 v44  }
0xda: {  	(erf) = vpow2.f32 v43;
	_ =	sdelay $0x2  }
0xdb: {  	v2 =	vadd.f32 v35, v2;
	_ =	sdelay $0x1  }
0xdc: {  	v52 =	vld [tilespmem:s15+$0x270];
	v2 =	vmul.f32 v2, v63  }
0xdd: {  	[tilespmem:s11+$0x5230] =	vst v40;
	v12 =	vmul.f32 v63, v12  }
0xde: {  	[tilespmem:s11+$0x5240] =	vst v41;
	v10 =	vmul.f32 v63, v10;
	v11 =	vmul.f32 v11, v63;
	v2 =	vsub.f32 v2, v35  }
0xdf: {  	[tilespmem:s11+$0x5250] =	vst v37;
	v9 =	vmul.f32 v63, v9;
	v8 =	vsub.f32 v12, v8;
	v12 =	vmul.f32 v63, v17;
	v54 =	vpop (erf)  }
0xe0: {  	v51 =	vld [tilespmem:s16+$0x250];
	v6 =	vsub.f32 v10, v6;
	v3 =	vsub.f32 v11, v3;
	[tilespmem:s12+$0x5270] =	vst v2;
	v2 =	vmul.f32 v14, v63;
	v17 =	vpop (erf)  }
0xe1: {  	[tilespmem:s12+$0x5200] =	vst v8;
	v8 =	vsub.f32 v9, v15;
	v9 =	vunpack.i.u.bf16.f32 v52;
	v10 =	vadd.f32 $1.000000000e+00, v17  }
0xe2: {  	v7 =	vsub.f32 v12, v7;
	[tilespmem:s12+$0x5210] =	vst v6;
	v12 =	vmul.f32 v27, v63;
	v2 =	vsub.f32 v2, v5  }
0xe3: {  	v57 =	vld [tilespmem:s16+$0x260];
	[tilespmem:s12+$0x5250] =	vst v3;
	v6 =	vadd.f32 v9, v13;
	(erf) = vrcp.f32 v10  }
0xe4: {  	v53 =	vunpack.i.u.bf16.f32 v32;
	v11 =	vsub.f32 v12, v30;
	[tilespmem:s12+$0x5240] =	vst v2;
	v2 =	vmul.f32 v54, v21  }
0xe5: {  	v55 =	vunpack.i.l.bf16.f32 v32;
	v56 =	vunpack.i.u.bf16.f32 v51;
	[tilespmem:s12+$0x5230] =	vst v7;
	v7 =	vld [tilespmem:s16+$0x270];
	v6 =	vmul.f32 v6, v54  }
0xe6: {  	v15 =	vadd.f32 v53, v46;
	[tilespmem:s12+$0x5260] =	vst v11;
	v11 =	vmul.f32 v54, v28;
	v2 =	vsub.f32 v2, v19  }
0xe7: {  	[tilespmem:s12+$0x5220] =	vst v8;
	v5 =	vadd.f32 v55, v42;
	v3 =	vsub.f32 v6, v9;
	v6 =	vmul.f32 v54, v29  }
0xe8: {  	v8 =	vunpack.i.u.bf16.f32 v57;
	v9 =	vunpack.i.l.bf16.f32 v52;
	[tilespmem:s15+$0x5200] =	vst v2;
	v2 =	vsub.f32 v11, v18  }
0xe9: {  	v4 =	vadd.f32 v9, v4;
	[tilespmem:s15+$0x5270] =	vst v3;
	v3 =	vmul.f32 v54, v23;
	v6 =	vsub.f32 v6, v20  }
0xea: {  	[tilespmem:s11+$0x5260] =	vst v38;
	v12 =	vunpack.i.l.bf16.f32 v57;
	v13 =	vmul.f32 v24, v54;
	v11 =	vunpack.i.u.bf16.f32 v7  }
0xeb: {  	v4 =	vmul.f32 v4, v54;
	v3 =	vsub.f32 v3, v16;
	[tilespmem:s15+$0x5210] =	vst v6;
	v6 =	vadd.f32 v11, v31  }
0xec: {  	v14 =	vmul.f32 v22, v54;
	v13 =	vsub.f32 v13, v25;
	[tilespmem:s15+$0x5220] =	vst v2;
	v10 =	vunpack.i.l.bf16.f32 v51;
	v2 =	vpop (erf)  }
0xed: {  	v4 =	vsub.f32 v4, v9;
	v16 =	vadd.f32 v10, v45;
	[tilespmem:s15+$0x5230] =	vst v3;
	v3 =	vmul.f32 v6, v2  }
0xee: {  	v14 =	vsub.f32 v14, v26;
	[tilespmem:s15+$0x5240] =	vst v13;
	v13 =	vadd.f32 v8, v34;
	v5 =	vmul.f32 v2, v5  }
0xef: {  	[tilespmem:s15+$0x5260] =	vst v4;
	v6 =	vadd.f32 v56, v50;
	v4 =	vmul.f32 v2, v16;
	v3 =	vsub.f32 v3, v11  }
0xf0: {  	[tilespmem:s15+$0x5250] =	vst v14;
	v9 =	vadd.f32 v12, v39;
	v11 =	vmul.f32 v2, v15;
	v5 =	vsub.f32 v5, v55  }
0xf1: {  	v7 =	vunpack.i.l.bf16.f32 v7;
	v4 =	vsub.f32 v4, v10;
	[tilespmem:s16+$0x5270] =	vst v3;
	v3 =	vmul.f32 v2, v6  }
0xf2: {  	v9 =	vmul.f32 v9, v2;
	v6 =	vsub.f32 v11, v53;
	v11 =	vadd.f32 v7, v36;
	[tilespmem:s16+$0x5200] =	vst v5  }
0xf3: {  	v5 =	vmul.f32 v13, v2;
	[tilespmem:s16+$0x5220] =	vst v4;
	v3 =	vsub.f32 v3, v56  }
0xf4: {  	[tilespmem:s16+$0x5210] =	vst v6;
	v2 =	vmul.f32 v11, v2;
	v6 =	vsub.f32 v9, v12  }
0xf5: {  	v4 =	vsub.f32 v5, v8;
	[tilespmem:s16+$0x5230] =	vst v3  }
0xf6: {  	v2 =	vsub.f32 v2, v7;
	[tilespmem:s16+$0x5240] =	vst v6  }
0xf7: {  	[tilespmem:s16+$0x5250] =	vst v4  }
0xf8: {  	[tilespmem:s16+$0x5260] =	vst v2  }
0xf9: {  	v2 =	vld [tilespmem:$0x80]  }
0xfa: {  	v3 =	vld [tilespmem:$0x90];
	_ =	sdelay $0x3  }
0xfb: {  	[tilespmem:$0x7A00] =	vst v2  }
0xfc: {  	[tilespmem:$0x7A10] =	vst v3  }
0xfd: {  	v2 =	vld.idx.msk [tilespmem:v1+s20+$0x0], $0xff  }
0xfe: {  	p1 =	seq.s32 s10, $0x7C  }
0xff: {  	s11 =	smul.u32 @!p1 $0x50, s10;
	_ =	sdelay $0x1  }
0x100: {  	s11 =	sadd.s32 @!p1 s11, s13  }
0x101: {  	s11 =	sshrl.u32 @!p1 s11, $0x3;
	[tilespmem:v1+s31+$0x0] =	vst.idx.msk $0xff, v2  }
0x102: {  	[spmem:s2] =	stream.indirect.scatter.add.f32 [tilespmem:s0], [sflag:$0x4], $0x80, s31, s21, $0xb8;
	[tilespmem:$0x1BB80] =	vst v63  }
0x103: {  	s12 =	sadd.s32 @!p1 s6, s11;
	s15 =	simm.s32 @!p1 $0x0  }
0x104: {  	[tilespmem:s15], [sflag:$0x1] =	stream.linear.gather @!p1 [hbm4b:s12+s15], $0x28, $0x38;
	[tilespmem:$0x1BB80] =	vst v63  }
0x105: {  	s11 =	sadd.s32 @!p1 s1, s11;
	s12 =	simm.s32 @!p1 $0x80  }
0x106: {  	[tilespmem:s12], [sflag:$0x1] =	stream.linear.gather @!p1 [hbm4b:s11+s15], $0x28, $0x38;
	[tilespmem:$0x1BB80] =	vst v63  }
0x107: {  	s11 =	simm.s32 @!p1 $0x1  }
0x108: {  	_ =	swait.ge @!p1 [sflag:s11], $0x28  }
0x109: {  	[sflag:s11] =	ssyncset.done @!p1 $0x0  }
0x10a: {  	[sflag:s11] =	ssyncadd.s32 @!p1 $0xFFFFFFD8  }
0x10b: {  	_ =	swait.ge @!p1 [sflag:s11], $0x28  }
0x10c: {  	[sflag:s11] =	ssyncset.done @!p1 $0x0  }
0x10d: {  	s16 =	simm.s32 @!p1 $0x200;
	[sflag:s11] =	ssyncadd.s32 @!p1 $0xFFFFFFD8;
	s11 =	simm.s32 @!p1 $0x28  }
0x10e: {  	[tilespmem:s16], [sflag:$0x2] =	stream.indirect.gather @!p1 [hbm4b:s5+s11], $0x80, s15, s11, $0xb8;
	[tilespmem:$0x1BB80] =	vst v63  }
0x10f: {  	s15 =	simm.s32 @!p1 $0x2A00  }
0x110: {  	[tilespmem:s15], [sflag:$0x2] =	stream.indirect.gather @!p1 [hbm4b:s5+s11], $0x80, s12, s11, $0xb8;
	[tilespmem:$0x1BB80] =	vst v63  }
0x111: {  	_ =	swait.ge [sflag:s22], $0x1400  }
0x112: {  	[sflag:s22] =	ssyncset.done $0x0  }
0x113: {  	[sflag:s22] =	ssyncadd.s32 $0xFFFFEC00  }
0x114: {  	_ =	swait.ge [sflag:s22], $0x1400  }
0x115: {  	[sflag:s22] =	ssyncset.done $0x0  }
0x116: {  	s11 =	simm.s32 $0x0;
	[sflag:s22] =	ssyncadd.s32 $0xFFFFEC00  }
0x117: {  	v2 =	vld [tilespmem:s11+$0x1620]  }
0x118: {  	v3 =	vld [tilespmem:s11+$0x3E60]  }
0x119: {  	v4 =	vld [tilespmem:s11+$0x1600]  }
0x11a: {  	v5 =	vld [tilespmem:s11+$0x3E40]  }
0x11b: {  	v6 =	vld [tilespmem:s11+$0x1610]  }
0x11c: {  	v7 =	vld [tilespmem:s11+$0x3E50];
	_ =	sdelay $0x1  }
0x11d: {  	v9 =	vld [tilespmem:s11+$0x1630];
	v8 =	vunpack.i.u.bf16.f32 v2  }
0x11e: {  	v13 =	vld [tilespmem:s11+$0x3E70];
	v10 =	vunpack.i.l.bf16.f32 v2;
	v11 =	vunpack.i.u.bf16.f32 v4;
	v4 =	vunpack.i.l.bf16.f32 v4  }
0x11f: {  	v2 =	vunpack.i.l.bf16.f32 v3;
	v12 =	vunpack.i.u.bf16.f32 v5;
	v5 =	vunpack.i.l.bf16.f32 v5  }
0x120: {  	v14 =	vunpack.i.u.bf16.f32 v6;
	v6 =	vunpack.i.l.bf16.f32 v6;
	v15 =	vunpack.i.u.bf16.f32 v7  }
0x121: {  	v7 =	vunpack.i.l.bf16.f32 v7;
	v5 =	vmul.f32 v5, v4;
	v12 =	vmul.f32 v12, v11  }
0x122: {  	v3 =	vunpack.i.u.bf16.f32 v3;
	v7 =	vmul.f32 v7, v6;
	v15 =	vmul.f32 v15, v14  }
0x123: {  	v16 =	vunpack.i.l.bf16.f32 v9;
	v17 =	vunpack.i.l.bf16.f32 v13;
	v2 =	vmul.f32 v2, v10  }
0x124: {  	v3 =	vmul.f32 v3, v8;
	v5 =	vadd.f32 v5, v12;
	v7 =	vadd.f32 v7, v15  }
0x125: {  	v18 =	vunpack.i.u.bf16.f32 v9;
	v9 =	vunpack.i.u.bf16.f32 v13;
	v12 =	vmul.f32 v17, v16  }
0x126: {  	v2 =	vadd.f32 v2, v3;
	v3 =	vmul.f32 v9, v18;
	v5 =	vadd.f32 v7, v5;
	_ =	sdelay $0x1  }
0x127: {  	v3 =	vadd.f32 v12, v3;
	v2 =	vadd.f32 v2, v5;
	_ =	sdelay $0x1  }
0x128: {  	v2 =	vadd.f32 v3, v2  }
0x129: {  	s12 =	simm.s32 $0x80  }
0x12a: {  	v23 =	vld [tilespmem:s12+$0x3E70];
	(xrf2) =	vadd.scan.msk.f32 $0xffff, v2  }
0x12b: {  	v13 =	vld [tilespmem:s12+$0x1610]  }
0x12c: {  	v15 =	vld [tilespmem:s12+$0x3E50]  }
0x12d: {  	v7 =	vld [tilespmem:s12+$0x3E60]  }
0x12e: {  	v12 =	vld [tilespmem:s12+$0x3E40]  }
0x12f: {  	v5 =	vld [tilespmem:s12+$0x1620]  }
0x130: {  	v9 =	vld [tilespmem:s12+$0x1600];
	v22 =	vunpack.i.u.bf16.f32 v13  }
0x131: {  	v13 =	vunpack.i.l.bf16.f32 v13;
	v24 =	vunpack.i.u.bf16.f32 v15;
	v15 =	vunpack.i.l.bf16.f32 v15  }
0x132: {  	v28 =	vunpack.i.l.bf16.f32 v23;
	v3 =	vld [tilespmem:s12+$0x1630];
	v15 =	vmul.f32 v15, v13;
	v24 =	vmul.f32 v24, v22  }
0x133: {  	v17 =	vunpack.i.l.bf16.f32 v7;
	v21 =	vunpack.i.u.bf16.f32 v12;
	v12 =	vunpack.i.l.bf16.f32 v12  }
0x134: {  	v7 =	vunpack.i.u.bf16.f32 v7;
	v19 =	vunpack.i.u.bf16.f32 v5;
	v20 =	vunpack.i.l.bf16.f32 v5;
	v25, _, _ =	vpop (xrf2)  }
0x135: {  	v5 =	vunpack.i.u.bf16.f32 v9;
	v9 =	vunpack.i.l.bf16.f32 v9;
	v25 =	vmul.f32 $1.442695020e+00, v25  }
0x136: {  	v26 =	vld [tilespmem:s11+$0x1640];
	v15 =	vadd.f32 v15, v24;
	v12 =	vmul.f32 v12, v9;
	v21 =	vmul.f32 v21, v5  }
0x137: {  	v2 =	vunpack.i.u.bf16.f32 v3;
	v27 =	vunpack.i.l.bf16.f32 v3;
	v3 =	vbroadcast v25, $0xF  }
0x138: {  	v17 =	vmul.f32 v17, v20;
	v7 =	vmul.f32 v7, v19;
	v12 =	vadd.f32 v12, v21  }
0x139: {  	v21 =	vmul.f32 v28, v27;
	v25 =	vld [tilespmem:s11+$0x1650];
	(erf) = vpow2.f32 v3;
	v3 =	vunpack.i.u.bf16.f32 v23  }
0x13a: {  	v7 =	vadd.f32 v17, v7;
	v12 =	vadd.f32 v15, v12;
	v15 =	vld [tilespmem:s12+$0x1640];
	v3 =	vmul.f32 v3, v2  }
0x13b: {  	v31 =	vunpack.i.u.bf16.f32 v26;
	v23 =	vld [tilespmem:s11+$0x1660]  }
0x13c: {  	v30 =	vunpack.i.l.bf16.f32 v26;
	v7 =	vadd.f32 v7, v12;
	v12 =	vld [tilespmem:s12+$0x1650];
	v3 =	vadd.f32 v21, v3  }
0x13d: {  	v33 =	vadd.f32 v31, v11;
	v24 =	vadd.f32 v30, v4  }
0x13e: {  	s15 =	simm.s32 $0x100;
	v4 =	vld [tilespmem:s12+$0x1660];
	v32 =	vunpack.i.u.bf16.f32 v25;
	v34 =	vunpack.i.l.bf16.f32 v25;
	v3 =	vadd.f32 v3, v7  }
0x13f: {  	v26 =	vld [tilespmem:s15+$0x3E60];
	v37 =	vadd.f32 v34, v6;
	v40 =	vadd.f32 v32, v14  }
0x140: {  	v21 =	vld [tilespmem:s11+$0x1670];
	v6 =	vunpack.i.u.bf16.f32 v15;
	v35 =	vunpack.i.l.bf16.f32 v23;
	v38 =	vunpack.i.u.bf16.f32 v23;
	(xrf2) =	vadd.scan.msk.f32 $0xffff, v3  }
0x141: {  	v28 =	vld [tilespmem:s15+$0x1600];
	v7 =	vunpack.i.u.bf16.f32 v12;
	v41 =	vadd.f32 v35, v10;
	v43 =	vadd.f32 v38, v8  }
0x142: {  	v25 =	vld [tilespmem:s15+$0x1620];
	v8 =	vunpack.i.l.bf16.f32 v15;
	v15 =	vunpack.i.l.bf16.f32 v12;
	v10 =	vadd.f32 v6, v5  }
0x143: {  	v23 =	vld [tilespmem:s15+$0x1630];
	v5 =	vunpack.i.l.bf16.f32 v4;
	v17 =	vadd.f32 v7, v22;
	v12 =	vadd.f32 v8, v9;
	v11 =	vpop (erf)  }
0x144: {  	v22 =	vld [tilespmem:s15+$0x3E40];
	v3 =	vunpack.i.u.bf16.f32 v4;
	v9 =	vadd.f32 v15, v13;
	v4 =	vadd.f32 $1.000000000e+00, v11  }
0x145: {  	v14 =	vadd.f32 v5, v20;
	v46 =	vunpack.i.l.bf16.f32 v21;
	v11 =	vadd.f32 v3, v19;
	v19 =	vld [tilespmem:s15+$0x1610]  }
0x146: {  	v20 =	vunpack.i.u.bf16.f32 v21;
	v44 =	vadd.f32 v46, v16;
	v16 =	vld [tilespmem:s15+$0x3E50];
	(erf) = vrcp.f32 v4  }
0x147: {  	v42 =	vunpack.i.u.bf16.f32 v25;
	v45 =	vunpack.i.l.bf16.f32 v25;
	v25 =	vunpack.i.l.bf16.f32 v26  }
0x148: {  	v21 =	vunpack.i.l.bf16.f32 v28;
	v13 =	vunpack.i.u.bf16.f32 v23;
	v4 =	vunpack.i.l.bf16.f32 v23  }
0x149: {  	v29 =	vld [tilespmem:s15+$0x3E70];
	v23 =	vunpack.i.u.bf16.f32 v28;
	v28 =	vunpack.i.u.bf16.f32 v22;
	v22 =	vunpack.i.l.bf16.f32 v22  }
0x14a: {  	v39 =	vunpack.i.u.bf16.f32 v19;
	v47 =	vunpack.i.l.bf16.f32 v19;
	v19 =	vmul.f32 v25, v45;
	v25, _, _ =	vpop (xrf2)  }
0x14b: {  	v22 =	vmul.f32 v22, v21;
	v58 =	vunpack.i.l.bf16.f32 v16;
	v25 =	vmul.f32 $1.442695020e+00, v25  }
0x14c: {  	v59 =	vld [tilespmem:s15+$0x1640];
	v28 =	vmul.f32 v28, v23;
	v16 =	vunpack.i.u.bf16.f32 v16;
	v36 =	vmul.f32 v58, v47  }
0x14d: {  	v60 =	vld [tilespmem:s15+$0x1650];
	v26 =	vunpack.i.u.bf16.f32 v26;
	v16 =	vmul.f32 v16, v39;
	v25 =	vbroadcast v25, $0xF  }
0x14e: {  	v61 =	vunpack.i.l.bf16.f32 v29;
	v18 =	vadd.f32 v20, v18;
	v26 =	vmul.f32 v26, v42  }
0x14f: {  	v62 =	vld [tilespmem:s15+$0x1660];
	v22 =	vadd.f32 v22, v28;
	v16 =	vadd.f32 v36, v16;
	v63 =	vpop (erf);
	(erf) = vpow2.f32 v25  }
0x150: {  	v28 =	vmul.f32 v61, v4;
	v26 =	vadd.f32 v19, v26;
	v25 =	vunpack.i.u.bf16.f32 v29  }
0x151: {  	v19 =	vunpack.i.l.bf16.f32 v59;
	v22 =	vadd.f32 v16, v22;
	v25 =	vmul.f32 v25, v13  }
0x152: {  	v21 =	vadd.f32 v19, v21;
	v16 =	vunpack.i.u.bf16.f32 v60;
	v18 =	vmul.f32 v18, v63  }
0x153: {  	v22 =	vadd.f32 v26, v22;
	v37 =	vmul.f32 v63, v37;
	v28 =	vadd.f32 v28, v25  }
0x154: {  	v26 =	vunpack.i.u.bf16.f32 v62;
	v40 =	vmul.f32 v63, v40;
	v41 =	vmul.f32 v41, v63  }
0x155: {  	s16 =	simm.s32 $0x180;
	v58 =	vld [tilespmem:s12+$0x1670];
	v53 =	vmul.f32 v43, v63;
	v56 =	vsub.f32 v18, v20;
	v57 =	vadd.f32 v28, v22  }
0x156: {  	v36 =	vld [tilespmem:s16+$0x1630];
	v20 =	vunpack.i.u.bf16.f32 v59;
	v18 =	vunpack.i.l.bf16.f32 v60;
	v34 =	vsub.f32 v37, v34  }
0x157: {  	v43 =	vld [tilespmem:s16+$0x3E40];
	v59 =	vmul.f32 v63, v24;
	v40 =	vsub.f32 v40, v32;
	v41 =	vsub.f32 v41, v35;
	(xrf2) =	vadd.scan.msk.f32 $0xffff, v57  }
0x158: {  	v60 =	vmul.f32 v63, v33;
	v33 =	vld [tilespmem:s16+$0x3E60];
	v37 =	vsub.f32 v53, v38;
	v29 =	vadd.f32 v20, v23;
	v61 =	vpop (erf)  }
0x159: {  	v25 =	vunpack.i.l.bf16.f32 v62;
	v23 =	vadd.f32 v16, v39;
	v39 =	vld [tilespmem:s16+$0x1620];
	v62 =	vadd.f32 $1.000000000e+00, v61  }
0x15a: {  	v63 =	vmul.f32 v44, v63;
	v51 =	vsub.f32 v59, v30;
	[tilespmem:s11+$0x6670] =	vst v56;
	v22 =	vadd.f32 v26, v42;
	v42 =	vld [tilespmem:s16+$0x1600]  }
0x15b: {  	v24 =	vadd.f32 v25, v45;
	v31 =	vsub.f32 v60, v31;
	v45 =	vld [tilespmem:s16+$0x1610];
	[tilespmem:s11+$0x6620] =	vst v34;
	(erf) = vrcp.f32 v62  }
0x15c: {  	v44 =	vld [tilespmem:s16+$0x3E50];
	v35 =	vunpack.i.u.bf16.f32 v58;
	v30 =	vunpack.i.l.bf16.f32 v58;
	v38 =	vsub.f32 v63, v46;
	[tilespmem:s11+$0x6600] =	vst v51  }
0x15d: {  	s17 =	simm.s32 $0x800;
	v32 =	vld [tilespmem:s16+$0x1640];
	v28 =	vadd.f32 v18, v47;
	v27 =	vadd.f32 v30, v27;
	[tilespmem:s11+$0x6610] =	vst v31;
	v31 =	vunpack.i.u.bf16.f32 v36  }
.LBB2_9:
0x15e: {  	p2 =	sne.s32 s17, $0x4E00;
	v46 =	vunpack.i.u.bf16.f32 v39;
	v47 =	vunpack.i.l.bf16.f32 v39;
	v48 =	vunpack.i.l.bf16.f32 v36;
	v36 =	vld [tilespmem:s16+$0x1650];
	[tilespmem:s11+$0x6630] =	vst v40;
	v34 =	vmovc v3;
	v3 =	vmovc v26  }
0x15f: {  	v39 =	vunpack.i.u.bf16.f32 v42;
	v26 =	vunpack.i.l.bf16.f32 v42;
	v40 =	vunpack.i.l.bf16.f32 v33;
	v42 =	vld [tilespmem:s16+$0x1660];
	[tilespmem:s11+$0x6640] =	vst v41;
	v41 =	vmovc v5;
	v5 =	vmovc v25  }
0x160: {  	v25 =	vunpack.i.u.bf16.f32 v43;
	v43 =	vunpack.i.l.bf16.f32 v43;
	v49 =	vunpack.i.u.bf16.f32 v45;
	v50 =	vld [tilespmem:s16+$0x3E70];
	[tilespmem:s11+$0x6650] =	vst v37;
	v37 =	vmovc v10;
	v10 =	vmovc v29  }
0x161: {  	v40 =	vmul.f32 v40, v47;
	v45 =	vunpack.i.l.bf16.f32 v45;
	v29 =	vunpack.i.u.bf16.f32 v44;
	v51, _, _ =	vpop (xrf2);
	[tilespmem:s11+$0x6660] =	vst v38;
	s11 =	smov.u32 s12;
	s12 =	smov.u32 s15;
	s15 =	smov.u32 s16  }
0x162: {  	v38 =	vmul.f32 v43, v26;
	v52 =	vunpack.i.l.bf16.f32 v44;
	v53 =	vmul.f32 $1.442695020e+00, v51;
	v51 =	vmovc v9;
	v9 =	vmovc v28  }
0x163: {  	v2 =	vadd.f32 v35, v2;
	v25 =	vmul.f32 v25, v39;
	v28 =	vmul.f32 v52, v45;
	v43 =	vmovc v17  }
0x164: {  	v56 =	vunpack.i.u.bf16.f32 v33;
	v29 =	vmul.f32 v29, v49;
	v33 =	vbroadcast v53, $0xF;
	v44 =	vpop (erf)  }
0x165: {  	v54 =	vmovc v14;
	v52 =	vmul.f32 v56, v46;
	v17 =	vmovc v23;
	v53 =	vunpack.i.l.bf16.f32 v50;
	v55 =	vmul.f32 v2, v44  }
0x166: {  	v14 =	vmovc v24;
	v23 =	vadd.f32 v38, v25;
	v25 =	vadd.f32 v28, v29;
	v38 =	vmovc v11;
	(erf) = vpow2.f32 v33  }
0x167: {  	v24 =	vunpack.i.u.bf16.f32 v50;
	v11 =	vmovc v22;
	v50 =	vmovc v30;
	v28 =	vmul.f32 v53, v48;
	v29 =	vsub.f32 v55, v35  }
0x168: {  	v2 =	vmovc v13;
	v22 =	vadd.f32 v25, v23;
	v23 =	vadd.f32 v40, v52;
	v24 =	vmul.f32 v24, v31  }
0x169: {  	v30 =	vunpack.i.l.bf16.f32 v32;
	v13 =	vmovc v31;
	v35 =	vunpack.i.u.bf16.f32 v32;
	v32 =	vunpack.i.u.bf16.f32 v36;
	[tilespmem:s11+$0x6670] =	vst v29  }
0x16a: {  	v52 =	vunpack.i.l.bf16.f32 v36;
	v22 =	vadd.f32 v23, v22;
	v23 =	vadd.f32 v28, v24  }
0x16b: {  	v25 =	vunpack.i.l.bf16.f32 v42;
	v24 =	vadd.f32 v30, v26;
	v26 =	vunpack.i.u.bf16.f32 v42  }
0x16c: {  	s16 =	sshra.s32 s17, $0x2;
	v40 =	vmul.f32 v44, v12;
	v12 =	vmovc v21;
	v29 =	vadd.f32 v35, v39;
	v31 =	vadd.f32 v23, v22;
	v53 =	vld [tilespmem:s12+$0x1670]  }
0x16d: {  	v37 =	vmul.f32 v44, v37;
	v28 =	vadd.f32 v52, v45;
	v23 =	vadd.f32 v32, v49;
	v21 =	vmovc v24;
	v36 =	vld [tilespmem:s16+$0x1630]  }
0x16e: {  	v24 =	vadd.f32 v25, v47;
	v22 =	vadd.f32 v26, v46;
	v39 =	vld [tilespmem:s16+$0x1620];
	(xrf2) =	vadd.scan.msk.f32 $0xffff, v31;
	v31 =	vmul.f32 v44, v51  }
0x16f: {  	v40 =	vsub.f32 v40, v8;
	v46 =	vmul.f32 v44, v43;
	v47 =	vmul.f32 v54, v44;
	v33 =	vld [tilespmem:s16+$0x3E60];
	v45 =	vpop (erf)  }
.Ltmp5:
0x170: {  	v38 =	vmul.f32 v38, v44;
	v8 =	vmovc v19;
	v19 =	vmovc v30;
	v51 =	vmul.f32 v27, v44;
	v42 =	vld [tilespmem:s16+$0x1600];
	v49 =	vadd.f32 $1.000000000e+00, v45;
	(pc) =	sbr.rel @p2 .LBB2_9-.Ltmp5, $4  }
0x171: {  	v37 =	vsub.f32 v37, v6;
	v6 =	vmovc v20;
	v54 =	vsub.f32 v31, v15;
	v43 =	vld [tilespmem:s16+$0x3E40];
	v30 =	vunpack.i.l.bf16.f32 v53;
	[tilespmem:s11+$0x6600] =	vst v40  }
0x172: {  	v20 =	vmovc v35;
	v40 =	vsub.f32 v46, v7;
	v45 =	vld [tilespmem:s16+$0x1610];
	v27 =	vadd.f32 v30, v4;
	(erf) = vrcp.f32 v49;
	v4 =	vmovc v48  }
0x173: {  	v41 =	vsub.f32 v47, v41;
	v7 =	vmovc v16;
	v16 =	vmov v32;
	v44 =	vld [tilespmem:s16+$0x3E50];
	[tilespmem:s11+$0x6610] =	vst v37;
	v37 =	vsub.f32 v38, v34  }
0x174: {  	s17 =	sadd.s32 $0x200, s17;
	v15 =	vmovc v18;
	v18 =	vmovc v52;
	v35 =	vunpack.i.u.bf16.f32 v53;
	v31 =	vunpack.i.u.bf16.f32 v36;
	v38 =	vsub.f32 v51, v50;
	v32 =	vld [tilespmem:s16+$0x1640];
	[tilespmem:s11+$0x6620] =	vst v54  }
0x175: {  	v34 =	vunpack.i.u.bf16.f32 v39  }
0x176: {  	v39 =	vunpack.i.l.bf16.f32 v39;
	v46 =	vunpack.i.u.bf16.f32 v42;
	v42 =	vunpack.i.l.bf16.f32 v42  }
0x177: {  	v47 =	vunpack.i.l.bf16.f32 v33;
	v48 =	vunpack.i.u.bf16.f32 v43;
	v54 =	vunpack.i.l.bf16.f32 v43  }
0x178: {  	v49 =	vld [tilespmem:s16+$0x3E70];
	v50 =	vunpack.i.u.bf16.f32 v45;
	v45 =	vunpack.i.l.bf16.f32 v45;
	v43 =	vmul.f32 v54, v42  }
0x179: {  	v48 =	vmul.f32 v48, v46;
	v51 =	vunpack.i.u.bf16.f32 v44;
	v55 =	vunpack.i.l.bf16.f32 v44  }
0x17a: {  	v56 =	vunpack.i.u.bf16.f32 v33;
	v44 =	vmul.f32 v55, v45;
	v51 =	vmul.f32 v51, v50  }
0x17b: {  	v47 =	vmul.f32 v47, v39;
	v33 =	vmul.f32 v56, v34  }
0x17c: {  	v36 =	vunpack.i.l.bf16.f32 v36;
	v43 =	vadd.f32 v43, v48;
	v44 =	vadd.f32 v44, v51  }
0x17d: {  	v33 =	vadd.f32 v47, v33;
	v52 =	vunpack.i.l.bf16.f32 v49;
	v57 =	vunpack.i.u.bf16.f32 v49  }
0x17e: {  	v58 =	vmul.f32 v52, v36;
	v59 =	vmul.f32 v57, v31;
	v43 =	vadd.f32 v44, v43;
	_ =	sdelay $0x1  }
0x17f: {  	v60 =	vadd.f32 v58, v59;
	v33 =	vadd.f32 v33, v43  }
0x180: {  	v61, _, _ =	vpop (xrf2)  }
0x181: {  	v44 =	vmul.f32 $1.442695020e+00, v61;
	v33 =	vadd.f32 v60, v33;
	_ =	sdelay $0x1  }
0x182: {  	v62 =	vbroadcast v44, $0xF;
	(xrf2) =	vadd.scan.msk.f32 $0xffff, v33;
	_ =	sdelay $0x1  }
0x183: {  	(erf) = vpow2.f32 v62;
	_ =	sdelay $0x6  }
0x184: {  	v63 =	vpop (erf)  }
0x185: {  	v48, _, _ =	vpop (xrf2)  }
0x186: {  	v49 =	vpop (erf);
	v43 =	vmul.f32 $1.442695020e+00, v48  }
0x187: {  	v44 =	vadd.f32 $1.000000000e+00, v49  }
0x188: {  	v43 =	vbroadcast v43, $0xF  }
0x189: {  	(erf) = vrcp.f32 v44  }
0x18a: {  	(erf) = vpow2.f32 v43;
	_ =	sdelay $0x2  }
0x18b: {  	v2 =	vadd.f32 v35, v2;
	v56 =	vld [tilespmem:s16+$0x1660];
	_ =	sdelay $0x1  }
0x18c: {  	v2 =	vmul.f32 v2, v63  }
0x18d: {  	[tilespmem:s11+$0x6630] =	vst v40;
	v52 =	vld [tilespmem:s15+$0x1670]  }
0x18e: {  	[tilespmem:s11+$0x6640] =	vst v41;
	v12 =	vmul.f32 v63, v12;
	v10 =	vmul.f32 v63, v10;
	v2 =	vsub.f32 v2, v35  }
0x18f: {  	[tilespmem:s11+$0x6660] =	vst v38;
	v38 =	vunpack.i.l.bf16.f32 v56;
	v9 =	vmul.f32 v63, v9;
	v54 =	vmul.f32 v63, v17;
	v53 =	vpop (erf)  }
0x190: {  	v11 =	vmul.f32 v11, v63;
	v8 =	vsub.f32 v12, v8;
	[tilespmem:s12+$0x6670] =	vst v2;
	v2 =	vmul.f32 v14, v63;
	v55 =	vpop (erf)  }
0x191: {  	[tilespmem:s11+$0x6650] =	vst v37;
	v51 =	vld [tilespmem:s16+$0x1650];
	v61 =	vmul.f32 v27, v63;
	v6 =	vsub.f32 v10, v6;
	v57 =	vadd.f32 $1.000000000e+00, v55  }
0x192: {  	v27 =	vunpack.i.u.bf16.f32 v56;
	[tilespmem:s12+$0x6600] =	vst v8;
	v59 =	vunpack.i.u.bf16.f32 v52;
	v2 =	vsub.f32 v2, v5  }
0x193: {  	v58 =	vsub.f32 v9, v15;
	[tilespmem:s12+$0x6610] =	vst v6;
	v60 =	vadd.f32 v59, v13;
	(erf) = vrcp.f32 v57  }
0x194: {  	v35 =	vunpack.i.u.bf16.f32 v32;
	v7 =	vsub.f32 v54, v7;
	[tilespmem:s12+$0x6640] =	vst v2;
	v2 =	vmul.f32 v53, v21  }
0x195: {  	v32 =	vunpack.i.l.bf16.f32 v32;
	v3 =	vsub.f32 v11, v3;
	[tilespmem:s12+$0x6620] =	vst v58;
	v63 =	vld [tilespmem:s16+$0x1670];
	v6 =	vmul.f32 v60, v53  }
0x196: {  	v37 =	vunpack.i.u.bf16.f32 v51;
	[tilespmem:s12+$0x6630] =	vst v7;
	v44 =	vmul.f32 v53, v28;
	v2 =	vsub.f32 v2, v19  }
0x197: {  	[tilespmem:s12+$0x6650] =	vst v3;
	v62 =	vadd.f32 v32, v42;
	v42 =	vmul.f32 v53, v29;
	v3 =	vsub.f32 v6, v59  }
0x198: {  	v10 =	vunpack.i.l.bf16.f32 v51;
	v33 =	vsub.f32 v61, v30;
	[tilespmem:s15+$0x6600] =	vst v2;
	v2 =	vsub.f32 v44, v18  }
0x199: {  	v43 =	vunpack.i.l.bf16.f32 v52;
	v6 =	vsub.f32 v42, v20;
	[tilespmem:s15+$0x6670] =	vst v3;
	v3 =	vmul.f32 v53, v23  }
0x19a: {  	[tilespmem:s12+$0x6660] =	vst v33;
	v48 =	vunpack.i.u.bf16.f32 v63;
	v4 =	vadd.f32 v43, v4;
	v47 =	vmul.f32 v24, v53  }
0x19b: {  	v51 =	vadd.f32 v48, v31;
	v49 =	vmul.f32 v22, v53;
	[tilespmem:s15+$0x6610] =	vst v6;
	v3 =	vsub.f32 v3, v16  }
0x19c: {  	v54 =	vadd.f32 v37, v50;
	v4 =	vmul.f32 v4, v53;
	v13 =	vsub.f32 v47, v25;
	[tilespmem:s15+$0x6620] =	vst v2;
	v2 =	vpop (erf)  }
0x19d: {  	v52 =	vadd.f32 v35, v46;
	v14 =	vsub.f32 v49, v26;
	[tilespmem:s15+$0x6630] =	vst v3;
	v3 =	vmul.f32 v51, v2  }
0x19e: {  	v4 =	vsub.f32 v4, v43;
	v53 =	vadd.f32 v10, v45;
	[tilespmem:s15+$0x6640] =	vst v13;
	v5 =	vmul.f32 v2, v62  }
0x19f: {  	[tilespmem:s15+$0x6650] =	vst v14;
	v55 =	vadd.f32 v38, v39;
	v56 =	vmul.f32 v2, v52;
	v3 =	vsub.f32 v3, v48  }
0x1a0: {  	[tilespmem:s15+$0x6660] =	vst v4;
	v57 =	vadd.f32 v27, v34;
	v58 =	vmul.f32 v2, v53;
	v5 =	vsub.f32 v5, v32  }
0x1a1: {  	v7 =	vunpack.i.l.bf16.f32 v63;
	v9 =	vmul.f32 v55, v2;
	v59 =	vsub.f32 v56, v35;
	[tilespmem:s16+$0x6670] =	vst v3  }
0x1a2: {  	v60 =	vadd.f32 v7, v36;
	v61 =	vmul.f32 v57, v2;
	v4 =	vsub.f32 v58, v10;
	[tilespmem:s16+$0x6600] =	vst v5  }
0x1a3: {  	v62 =	vsub.f32 v9, v38;
	v3 =	vmul.f32 v2, v54;
	[tilespmem:s16+$0x6610] =	vst v59  }
0x1a4: {  	v63 =	vsub.f32 v61, v27;
	v2 =	vmul.f32 v60, v2;
	[tilespmem:s16+$0x6620] =	vst v4  }
0x1a5: {  	[tilespmem:s16+$0x6640] =	vst v62;
	v3 =	vsub.f32 v3, v37  }
0x1a6: {  	[tilespmem:s16+$0x6650] =	vst v63;
	v2 =	vsub.f32 v2, v7  }
0x1a7: {  	[tilespmem:s16+$0x6630] =	vst v3  }
0x1a8: {  	[tilespmem:s16+$0x6660] =	vst v2  }
0x1a9: {  	v2 =	vld [tilespmem:$0x180]  }
0x1aa: {  	v3 =	vld [tilespmem:$0x190];
	_ =	sdelay $0x3  }
0x1ab: {  	[tilespmem:$0x7A80] =	vst v2  }
0x1ac: {  	[tilespmem:$0x7A90] =	vst v3  }
0x1ad: {  	v2 =	vld.idx.msk [tilespmem:v1+s25+$0x0], $0xff;
	_ =	sdelay $0x1  }
.Ltmp6:
0x1ae: {  	_ = 	snop;
	(pc) =	sbr.rel @p1 .LBB2_12-.Ltmp6, $3  }
0x1af: {  	_ =	sdelay $0x1  }
0x1b0: {  	[tilespmem:v1+s23+$0x0] =	vst.idx.msk $0xff, v2  }
0x1b1: {  	[spmem:s2] =	stream.indirect.scatter.add.f32 [tilespmem:s4], [sflag:$0x5], $0x80, s23, s21, $0xb8;
	[tilespmem:$0x1BB80] =	vst v63  }
0x1b2: {  	s11 =	smul.u32 $0x50, s10;
	_ =	sdelay $0x1  }
0x1b3: {  	s11 =	sadd.s32 s11, s14  }
.Ltmp7:
0x1b4: {  	s11 =	sshrl.u32 s11, $0x3;
	(pc) =	sbr.rel .LBB2_6-.Ltmp7, $4  }
0x1b5: {  	s12 =	sadd.s32 s6, s11  }
0x1b6: {  	[tilespmem:s24], [sflag:$0x1] =	stream.linear.gather [hbm4b:s12+s3], $0x28, $0x38;
	[tilespmem:$0x1BB80] =	vst v63  }
0x1b7: {  	s10 =	sadd.s32 $0x1, s10;
	s11 =	sadd.s32 s1, s11  }
0x1b8: {  	[tilespmem:s25], [sflag:$0x1] =	stream.linear.gather [hbm4b:s11+s3], $0x28, $0x38;
	[tilespmem:$0x1BB80] =	vst v63  }
.LBB2_13:
0x1b9: {  	_ =	sfence.sel $0x180000  }
0x1ba: {  	[bflag:$0x0] =	sbarrier.arrive $0xFFFF  }
0x1bb: {  	_ =	strace $0x90000047  }
0x1bc: {  	s0 =	stileid.u32;
	[bflag:$0x2] =	sbarrier.arrive $0xFFFF  }
0x1bd: {  	p0 =	sne.s32 s0, $0x0;
	s0 =	rddreg [dreg:$0x3]  }
0x1be: {  	s0 =	sadd.s32 @!p0 $0x100000, s0  }
0x1bf: {  	[sflag:s0] =	ssyncadd.tile.s32 @!p0 $0x1;
	_ =	shalt  }
.Lfunc_end2:
_tile_overlayer_lowered:
.L_overlay_start_2:
0x1c0: {  	(tag) =	ssettag $0x2  }
0x1c1: {  	s0 =	rddreg [dreg:$0x0];
	s2 =	stileid.u32  }
0x1c2: {  	s1 =	rddreg [dreg:$0x1];
	p0 =	sne.s32 s2, $0x0  }
0x1c3: {  	s3 =	rddreg [dreg:$0x2];
	[bflag:$0x3] =	sbarrier.arrive $0xFFFF;
	s2 =	simm.s32 @!p0 $0x1C06  }
0x1c4: {  	[timem:s3], [sflag:s2] =	dma.local @!p0 [hbm:s0], s1  }
0x1c5: {  	s0 =	simm.s32 @!p0 $0x6  }
0x1c6: {  	_ =	swait.ge @!p0 [sflag:s0], s1  }
0x1c7: {  	s1 =	ssub.s32 @!p0 $0x0, s1;
	[sflag:s0] =	ssyncset.done @!p0 $0x0  }
0x1c8: {  	[sflag:s0] =	ssyncadd.s32 @!p0 s1  }
0x1c9: {  	[bflag:$0x3] =	sbarrier.arrive $0xFFFF  }
0x1ca: {  	_ =	shalt  }

</sc_bundles>
